<compile_context>
chip_gen: v7x
topology: tpu7x:2x2x1
jax: 0.10.2.dev20260603
libtpu: 0.0.44.dev20260713+nightly
codegen_flags: <defaults>
</compile_context>

<pallas_src>
import functools

import jax
import jax.numpy as jnp
from jax import lax
from jax.experimental import pallas as pl
from jax.experimental.pallas import tpu as pltpu
from jax.experimental.pallas import tpu_sc as plsc

NUM_STRANDS = 4
HIDDEN = 128
LAYERS = 2
B = 1024
L = 20
NW = 32
BPW = B // NW
NG = BPW // 16


def _sc_compose(braids_hbm, lut_hbm, out_hbm, braids_v, lut_v, out_v):
    wid = lax.axis_index("s") * 2 + lax.axis_index("c")
    pltpu.sync_copy(braids_hbm.at[wid], braids_v)
    pltpu.sync_copy(lut_hbm, lut_v)
    zero_i = jnp.zeros((16,), jnp.int32)
    one_i = jnp.full((16,), 1, jnp.int32)
    three_i = jnp.full((16,), 3, jnp.int32)
    zero_f = jnp.zeros((16,), jnp.float32)
    one_f = jnp.full((16,), 1.0, jnp.float32)
    neg_one_f = jnp.full((16,), -1.0, jnp.float32)
    cv = [[lut_v[layer * 6 + k] for k in range(3)] for layer in range(LAYERS)]
    sv = [[lut_v[layer * 6 + 3 + k] for k in range(3)]
          for layer in range(LAYERS)]
    two_i = jnp.full((16,), 2, jnp.int32)
    for g in range(NG):
        ident = [one_f if e % 5 == 0 else zero_f for e in range(16)]

        def step(t, ms, g=g):
            gen = braids_v[t * NG + g]
            mask = gen != zero_i
            p = jnp.maximum(jnp.abs(gen) - one_i, zero_i)
            sgn = jnp.where(gen < zero_i, neg_one_f, one_f)
            sel = [mask & (p == zero_i), mask & (p == one_i),
                   mask & (p == two_i)]
            cs = [(jnp.where(sel[pp], cv[layer][pp], one_f),
                   jnp.where(sel[pp], sv[layer][pp], zero_f) * sgn)
                  for layer in range(LAYERS) for pp in range(3)]
            out = []
            for layer in range(LAYERS):
                m = list(ms[layer * 16:(layer + 1) * 16])
                for pp in range(3):
                    c, s = cs[layer * 3 + pp]
                    for j in range(4):
                        u = m[pp * 4 + j]
                        v = m[(pp + 1) * 4 + j]
                        m[pp * 4 + j] = u * c - v * s
                        m[(pp + 1) * 4 + j] = u * s + v * c
                out.extend(m)
            return tuple(out)

        ms = lax.fori_loop(0, L, step, tuple(ident + ident), unroll=4)
        for e in range(32):
            out_v[e, pl.ds(g * 16, 16)] = ms[e]
    pltpu.sync_copy(out_v, out_hbm.at[wid])


def _layernorm(x, gamma, beta):
    mean = jnp.mean(x, axis=1, keepdims=True)
    cen = x - mean
    var = jnp.mean(cen * cen, axis=1, keepdims=True)
    return cen * jax.lax.rsqrt(var + 1e-5) * gamma + beta


def _dense_kernel(m0_ref, m1_ref, init_ref, g_ref, b_ref,
                  w1_ref, b1_ref, w2_ref, b2_ref, w3_ref, b3_ref, out_ref):
    s1 = []
    for i in range(4):
        acc = m0_ref[:, 4 * i:4 * i + 1] * init_ref[0:1, :]
        for j in range(1, 4):
            acc = acc + m0_ref[:, 4 * i + j:4 * i + j + 1] * init_ref[j:j + 1, :]
        s1.append(acc)
    g0 = g_ref[0:1, :]
    b0 = b_ref[0:1, :]
    s1 = [_layernorm(x, g0, b0) for x in s1]
    s2 = []
    for i in range(4):
        acc = m1_ref[:, 4 * i:4 * i + 1] * s1[0]
        for j in range(1, 4):
            acc = acc + m1_ref[:, 4 * i + j:4 * i + j + 1] * s1[j]
        s2.append(acc)
    g1 = g_ref[1:2, :]
    b1n = b_ref[1:2, :]
    s2 = [_layernorm(x, g1, b1n) for x in s2]
    h1 = b1_ref[0:1, :]
    for j in range(4):
        h1 = h1 + jnp.dot(s2[j], w1_ref[128 * j:128 * (j + 1), :],
                          preferred_element_type=jnp.float32)
    h1 = jnp.maximum(h1, 0.0)
    h2 = jnp.dot(h1, w2_ref[...], preferred_element_type=jnp.float32)
    h2 = jnp.maximum(h2 + b2_ref[0:1, :], 0.0)
    z0 = jnp.sum(h2 * w3_ref[0:1, :], axis=1, keepdims=True) + b3_ref[0]
    z1 = jnp.sum(h2 * w3_ref[1:2, :], axis=1, keepdims=True) + b3_ref[1]
    out_ref[:, 0:1] = jax.nn.sigmoid(z0)
    out_ref[:, 1:2] = z1


def kernel(braids, initial_state, thetas, ln_gamma, ln_beta,
           w1, b1, w2, b2, w3, b3):
    braids_w = braids.reshape(NW, NG, 16, L).transpose(0, 3, 1, 2).reshape(
        NW, L * NG, 16)
    lut = jnp.broadcast_to(
        jnp.concatenate([jnp.cos(thetas), jnp.sin(thetas)], axis=1).reshape(
            LAYERS * 6, 1), (LAYERS * 6, 16))
    sc_fn = functools.partial(
        pl.kernel,
        mesh=plsc.VectorSubcoreMesh(core_axis_name="c", subcore_axis_name="s"),
        out_type=jax.ShapeDtypeStruct((NW, 2 * 16, BPW), jnp.float32),
        scratch_types=[
            pltpu.VMEM((L * NG, 16), jnp.int32),
            pltpu.VMEM((LAYERS * 6, 16), jnp.float32),
            pltpu.VMEM((2 * 16, BPW), jnp.float32),
        ],
    )(_sc_compose)
    ms = sc_fn(braids_w, lut)
    ms = ms.reshape(NW, 2, 16, BPW).transpose(1, 0, 3, 2).reshape(2, B, 16)
    out = pl.pallas_call(
        _dense_kernel,
        out_shape=jax.ShapeDtypeStruct((B, 2), jnp.float32),
        in_specs=[pl.BlockSpec(memory_space=pltpu.VMEM)] * 10
        + [pl.BlockSpec(memory_space=pltpu.SMEM)],
        out_specs=pl.BlockSpec(memory_space=pltpu.VMEM),
    )(ms[0], ms[1], initial_state, ln_gamma, ln_beta,
      w1.T, b1.reshape(1, 128), w2.T, b2.reshape(1, 64), w3, b3)
    return out[:, 0], out[:, 1]

# --- scband reference (transcript-rebuilt; emitter-appended) ---
"""Pipeline reference for scband-knot-net-16561393893556 (READ-ONLY COPY).

The authoritative reference and input builder live on the scoring server;
editing this copy changes nothing except your own understanding.
"""

import jax, jax.numpy as jnp
import numpy as np

NUM_STRANDS = 4
HIDDEN = 128
LAYERS = 2
B = 1024
L = 20


def setup_inputs(seed: int = 0) -> dict:
    key = jax.random.key(seed)
    ks = jax.random.split(key, 8)
    braids = jax.random.randint(ks[0], (B, L), -3, 4, dtype=jnp.int32)
    initial_state = jax.random.normal(ks[1], (NUM_STRANDS, HIDDEN), dtype=jnp.float32)
    thetas = jax.random.normal(ks[2], (LAYERS, 3), dtype=jnp.float32)
    ln_gamma = jnp.ones((LAYERS, HIDDEN), jnp.float32)
    ln_beta = jnp.zeros((LAYERS, HIDDEN), jnp.float32)
    d_in = NUM_STRANDS * HIDDEN
    w1 = jax.random.normal(ks[3], (128, d_in), jnp.float32) * (1.0 / np.sqrt(d_in))
    b1 = jnp.zeros((128,), jnp.float32)
    w2 = jax.random.normal(ks[4], (64, 128), jnp.float32) * (1.0 / np.sqrt(128.0))
    b2 = jnp.zeros((64,), jnp.float32)
    w3 = jax.random.normal(ks[5], (2, 64), jnp.float32) * (1.0 / np.sqrt(64.0))
    b3 = jnp.zeros((2,), jnp.float32)
    return {"braids": braids, "initial_state": initial_state, "thetas": thetas,
            "ln_gamma": ln_gamma, "ln_beta": ln_beta,
            "w1": w1, "b1": b1, "w2": w2, "b2": b2, "w3": w3, "b3": b3}


def _forward(braids, initial_state, thetas, ln_gamma, ln_beta, w1, b1, w2, b2, w3, b3):
    bsz, max_len = braids.shape
    state = jnp.tile(initial_state[None, :, :], (bsz, 1, 1))
    for layer in range(LAYERS):
        for t in range(max_len):
            gen = braids[:, t]
            mask = gen != 0
            p = jnp.abs(gen) - 1
            s = jnp.sign(gen).astype(jnp.float32)
            for pp in range(3):
                sub = (mask & (p == pp))[:, None]
                th = thetas[layer, pp] * s
                cos_th = jnp.cos(th)[:, None]
                sin_th = jnp.sin(th)[:, None]
                u = state[:, pp, :]
                v = state[:, pp + 1, :]
                new_u = u * cos_th - v * sin_th
                new_v = u * sin_th + v * cos_th
                state = state.at[:, pp, :].set(jnp.where(sub, new_u, u))
                state = state.at[:, pp + 1, :].set(jnp.where(sub, new_v, v))
        mean = jnp.mean(state, axis=-1, keepdims=True)
        var = jnp.mean((state - mean) ** 2, axis=-1, keepdims=True)
        state = (state - mean) / jnp.sqrt(var + 1e-5) * ln_gamma[layer] + ln_beta[layer]
    flat = state.reshape(bsz, -1)
    h = jax.nn.relu(flat @ w1.T + b1)
    # dropout is identity in eval mode
    h = jax.nn.relu(h @ w2.T + b2)
    out = h @ w3.T + b3
    return jax.nn.sigmoid(out[:, 0]), out[:, 1]


def reference(braids, initial_state, thetas, ln_gamma, ln_beta, w1, b1, w2, b2, w3, b3):
    return _forward(braids, initial_state, thetas, ln_gamma, ln_beta, w1, b1, w2, b2, w3, b3)

if __name__ == "__main__":
    import jax
    _d = setup_inputs()
    print(jax.jit(kernel)(*tuple(_d.values())))

</pallas_src>

<mosaic_0001>
#map = affine_map<(d0, d1) -> (0, 0, 0)>
#map1 = affine_map<(d0, d1) -> (0, 0)>
module attributes {stable_mosaic.version = 14 : i64} {
  func.func @_sc_compose(%arg0: i32, %arg1: i32, %arg2: memref<32x40x16xi32, #tpu.memory_space<hbm>>, %arg3: memref<12x16xf32, #tpu.memory_space<hbm>>, %arg4: memref<32x32x32xf32, #tpu.memory_space<hbm>>, %arg5: memref<40x16xi32, #tpu.memory_space<vmem>>, %arg6: memref<12x16xf32, #tpu.memory_space<vmem>>, %arg7: memref<32x32xf32, #tpu.memory_space<vmem>>) attributes {dimension_semantics = [#tpu.dimension_semantics<core_parallel>, #tpu.dimension_semantics<subcore_parallel>], iteration_bounds = array<i64: 2, 16>, scalar_prefetch = 0 : i64, scratch_operands = 3 : i64, tpu.core_type = #tpu.core_type<sc_vector_subcore>, window_params = [{transform_indices = #map}, {transform_indices = #map1}, {transform_indices = #map}]} {
    %mul3A = arith.constant 2 : i32
    %mul3A_0 = arith.muli %arg1, %mul3A : i32
    %add3A = arith.addi %mul3A_0, %arg0 : i32
    "tpu.region"() ({
      %run_scoped3A = tpu.sem_alloc : memref<!tpu.dma_semaphore, #tpu.memory_space<semaphore_mem>>
      %dma_start3A = arith.constant 0 : i32
      %dma_start3A_467 = arith.constant 0 : i32
      %dma_start3A_468 = tpu.memref_slice %arg2[%add3A, %dma_start3A, %dma_start3A_467] : memref<32x40x16xi32, #tpu.memory_space<hbm>> -> memref<1x40x16xi32, #tpu.memory_space<hbm>>
      %dma_start3A_469 = tpu.memref_squeeze %dma_start3A_468 : memref<1x40x16xi32, #tpu.memory_space<hbm>> -> memref<40x16xi32, #tpu.memory_space<hbm>>
      %dma_start3A_470 = arith.constant 0 : i32
      %dma_start3A_471 = arith.constant 0 : i32
      %dma_start3A_472 = tpu.memref_slice %arg2[%add3A, %dma_start3A_470, %dma_start3A_471] : memref<32x40x16xi32, #tpu.memory_space<hbm>> -> memref<1x40x16xi32, #tpu.memory_space<hbm>>
      %dma_start3A_473 = tpu.memref_squeeze %dma_start3A_472 : memref<1x40x16xi32, #tpu.memory_space<hbm>> -> memref<40x16xi32, #tpu.memory_space<hbm>>
      tpu.enqueue_dma source(%dma_start3A_473 : memref<40x16xi32, #tpu.memory_space<hbm>>) target(%arg5 : memref<40x16xi32, #tpu.memory_space<vmem>>) target_semaphore(%run_scoped3A : memref<!tpu.dma_semaphore, #tpu.memory_space<semaphore_mem>>)
      %dma_wait3A = arith.constant 0 : i32
      %dma_wait3A_474 = arith.constant 0 : i32
      %dma_wait3A_475 = tpu.memref_slice %arg2[%add3A, %dma_wait3A, %dma_wait3A_474] : memref<32x40x16xi32, #tpu.memory_space<hbm>> -> memref<1x40x16xi32, #tpu.memory_space<hbm>>
      %dma_wait3A_476 = tpu.memref_squeeze %dma_wait3A_475 : memref<1x40x16xi32, #tpu.memory_space<hbm>> -> memref<40x16xi32, #tpu.memory_space<hbm>>
      %dma_wait3A_477 = arith.constant 0 : i32
      %dma_wait3A_478 = arith.constant 0 : i32
      %dma_wait3A_479 = tpu.memref_slice %arg2[%add3A, %dma_wait3A_477, %dma_wait3A_478] : memref<32x40x16xi32, #tpu.memory_space<hbm>> -> memref<1x40x16xi32, #tpu.memory_space<hbm>>
      %dma_wait3A_480 = tpu.memref_squeeze %dma_wait3A_479 : memref<1x40x16xi32, #tpu.memory_space<hbm>> -> memref<40x16xi32, #tpu.memory_space<hbm>>
      tpu.wait_dma2 semaphore(%run_scoped3A : memref<!tpu.dma_semaphore, #tpu.memory_space<semaphore_mem>>) src(%dma_wait3A_480 : memref<40x16xi32, #tpu.memory_space<hbm>>) dst(%arg5 : memref<40x16xi32, #tpu.memory_space<vmem>>)
      tpu.yield
    }) : () -> ()
    "tpu.region"() ({
      %run_scoped3A = tpu.sem_alloc : memref<!tpu.dma_semaphore, #tpu.memory_space<semaphore_mem>>
      tpu.enqueue_dma source(%arg3 : memref<12x16xf32, #tpu.memory_space<hbm>>) target(%arg6 : memref<12x16xf32, #tpu.memory_space<vmem>>) target_semaphore(%run_scoped3A : memref<!tpu.dma_semaphore, #tpu.memory_space<semaphore_mem>>)
      tpu.wait_dma2 semaphore(%run_scoped3A : memref<!tpu.dma_semaphore, #tpu.memory_space<semaphore_mem>>) src(%arg3 : memref<12x16xf32, #tpu.memory_space<hbm>>) dst(%arg6 : memref<12x16xf32, #tpu.memory_space<vmem>>)
      tpu.yield
    }) : () -> ()
    %broadcast_in_dim3A = arith.constant 0 : i32
    %broadcast_in_dim3A_1 = vector.broadcast %broadcast_in_dim3A : i32 to vector<16xi32>
    %broadcast_in_dim3A_2 = arith.constant 1 : i32
    %broadcast_in_dim3A_3 = vector.broadcast %broadcast_in_dim3A_2 : i32 to vector<16xi32>
    %broadcast_in_dim3A_4 = arith.constant 3 : i32
    %broadcast_in_dim3A_5 = vector.broadcast %broadcast_in_dim3A_4 : i32 to vector<16xi32>
    %broadcast_in_dim3A_6 = arith.constant 0.000000e+00 : f32
    %broadcast_in_dim3A_7 = vector.broadcast %broadcast_in_dim3A_6 : f32 to vector<16xf32>
    %broadcast_in_dim3A_8 = arith.constant 1.000000e+00 : f32
    %broadcast_in_dim3A_9 = vector.broadcast %broadcast_in_dim3A_8 : f32 to vector<16xf32>
    %broadcast_in_dim3A_10 = arith.constant -1.000000e+00 : f32
    %broadcast_in_dim3A_11 = vector.broadcast %broadcast_in_dim3A_10 : f32 to vector<16xf32>
    %get3A = arith.constant 0 : i32
    %get3A_12 = arith.index_cast %get3A : i32 to index
    %get3A_13 = arith.constant 0 : index
    %get3A_14 = tpu.vector_load %arg6[%get3A_12, %get3A_13] {strides = array<i32>} : memref<12x16xf32, #tpu.memory_space<vmem>>, vector<1x16xf32>,
    %get3A_15 = vector.shape_cast %get3A_14 : vector<1x16xf32> to vector<16xf32>
    %get3A_16 = arith.constant 1 : i32
    %get3A_17 = arith.index_cast %get3A_16 : i32 to index
    %get3A_18 = arith.constant 0 : index
    %get3A_19 = tpu.vector_load %arg6[%get3A_17, %get3A_18] {strides = array<i32>} : memref<12x16xf32, #tpu.memory_space<vmem>>, vector<1x16xf32>,
    %get3A_20 = vector.shape_cast %get3A_19 : vector<1x16xf32> to vector<16xf32>
    %get3A_21 = arith.constant 2 : i32
    %get3A_22 = arith.index_cast %get3A_21 : i32 to index
    %get3A_23 = arith.constant 0 : index
    %get3A_24 = tpu.vector_load %arg6[%get3A_22, %get3A_23] {strides = array<i32>} : memref<12x16xf32, #tpu.memory_space<vmem>>, vector<1x16xf32>,
    %get3A_25 = vector.shape_cast %get3A_24 : vector<1x16xf32> to vector<16xf32>
    %get3A_26 = arith.constant 6 : i32
    %get3A_27 = arith.index_cast %get3A_26 : i32 to index
    %get3A_28 = arith.constant 0 : index
    %get3A_29 = tpu.vector_load %arg6[%get3A_27, %get3A_28] {strides = array<i32>} : memref<12x16xf32, #tpu.memory_space<vmem>>, vector<1x16xf32>,
    %get3A_30 = vector.shape_cast %get3A_29 : vector<1x16xf32> to vector<16xf32>
    %get3A_31 = arith.constant 7 : i32
    %get3A_32 = arith.index_cast %get3A_31 : i32 to index
    %get3A_33 = arith.constant 0 : index
    %get3A_34 = tpu.vector_load %arg6[%get3A_32, %get3A_33] {strides = array<i32>} : memref<12x16xf32, #tpu.memory_space<vmem>>, vector<1x16xf32>,
    %get3A_35 = vector.shape_cast %get3A_34 : vector<1x16xf32> to vector<16xf32>
    %get3A_36 = arith.constant 8 : i32
    %get3A_37 = arith.index_cast %get3A_36 : i32 to index
    %get3A_38 = arith.constant 0 : index
    %get3A_39 = tpu.vector_load %arg6[%get3A_37, %get3A_38] {strides = array<i32>} : memref<12x16xf32, #tpu.memory_space<vmem>>, vector<1x16xf32>,
    %get3A_40 = vector.shape_cast %get3A_39 : vector<1x16xf32> to vector<16xf32>
    %get3A_41 = arith.constant 3 : i32
    %get3A_42 = arith.index_cast %get3A_41 : i32 to index
    %get3A_43 = arith.constant 0 : index
    %get3A_44 = tpu.vector_load %arg6[%get3A_42, %get3A_43] {strides = array<i32>} : memref<12x16xf32, #tpu.memory_space<vmem>>, vector<1x16xf32>,
    %get3A_45 = vector.shape_cast %get3A_44 : vector<1x16xf32> to vector<16xf32>
    %get3A_46 = arith.constant 4 : i32
    %get3A_47 = arith.index_cast %get3A_46 : i32 to index
    %get3A_48 = arith.constant 0 : index
    %get3A_49 = tpu.vector_load %arg6[%get3A_47, %get3A_48] {strides = array<i32>} : memref<12x16xf32, #tpu.memory_space<vmem>>, vector<1x16xf32>,
    %get3A_50 = vector.shape_cast %get3A_49 : vector<1x16xf32> to vector<16xf32>
    %get3A_51 = arith.constant 5 : i32
    %get3A_52 = arith.index_cast %get3A_51 : i32 to index
    %get3A_53 = arith.constant 0 : index
    %get3A_54 = tpu.vector_load %arg6[%get3A_52, %get3A_53] {strides = array<i32>} : memref<12x16xf32, #tpu.memory_space<vmem>>, vector<1x16xf32>,
    %get3A_55 = vector.shape_cast %get3A_54 : vector<1x16xf32> to vector<16xf32>
    %get3A_56 = arith.constant 9 : i32
    %get3A_57 = arith.index_cast %get3A_56 : i32 to index
    %get3A_58 = arith.constant 0 : index
    %get3A_59 = tpu.vector_load %arg6[%get3A_57, %get3A_58] {strides = array<i32>} : memref<12x16xf32, #tpu.memory_space<vmem>>, vector<1x16xf32>,
    %get3A_60 = vector.shape_cast %get3A_59 : vector<1x16xf32> to vector<16xf32>
    %get3A_61 = arith.constant 10 : i32
    %get3A_62 = arith.index_cast %get3A_61 : i32 to index
    %get3A_63 = arith.constant 0 : index
    %get3A_64 = tpu.vector_load %arg6[%get3A_62, %get3A_63] {strides = array<i32>} : memref<12x16xf32, #tpu.memory_space<vmem>>, vector<1x16xf32>,
    %get3A_65 = vector.shape_cast %get3A_64 : vector<1x16xf32> to vector<16xf32>
    %get3A_66 = arith.constant 11 : i32
    %get3A_67 = arith.index_cast %get3A_66 : i32 to index
    %get3A_68 = arith.constant 0 : index
    %get3A_69 = tpu.vector_load %arg6[%get3A_67, %get3A_68] {strides = array<i32>} : memref<12x16xf32, #tpu.memory_space<vmem>>, vector<1x16xf32>,
    %get3A_70 = vector.shape_cast %get3A_69 : vector<1x16xf32> to vector<16xf32>
    %broadcast_in_dim3A_71 = arith.constant 2 : i32
    %broadcast_in_dim3A_72 = vector.broadcast %broadcast_in_dim3A_71 : i32 to vector<16xi32>
    %scan3A = arith.constant 0 : i32
    %scan3A_73 = arith.constant 20 : i32
    %scan3A_74 = arith.addi %scan3A, %scan3A_73 : i32
    %scan3A_75 = arith.constant 4 : i32
    %scan3A_76:32 = scf.for %scan3A_467 = %scan3A to %scan3A_74 step %scan3A_75 iter_args(%scan3A_468 = %broadcast_in_dim3A_9, %scan3A_469 = %broadcast_in_dim3A_7, %scan3A_470 = %broadcast_in_dim3A_7, %scan3A_471 = %broadcast_in_dim3A_7, %scan3A_472 = %broadcast_in_dim3A_7, %scan3A_473 = %broadcast_in_dim3A_9, %scan3A_474 = %broadcast_in_dim3A_7, %scan3A_475 = %broadcast_in_dim3A_7, %scan3A_476 = %broadcast_in_dim3A_7, %scan3A_477 = %broadcast_in_dim3A_7, %scan3A_478 = %broadcast_in_dim3A_9, %scan3A_479 = %broadcast_in_dim3A_7, %scan3A_480 = %broadcast_in_dim3A_7, %scan3A_481 = %broadcast_in_dim3A_7, %scan3A_482 = %broadcast_in_dim3A_7, %scan3A_483 = %broadcast_in_dim3A_9, %scan3A_484 = %broadcast_in_dim3A_9, %scan3A_485 = %broadcast_in_dim3A_7, %scan3A_486 = %broadcast_in_dim3A_7, %scan3A_487 = %broadcast_in_dim3A_7, %scan3A_488 = %broadcast_in_dim3A_7, %scan3A_489 = %broadcast_in_dim3A_9, %scan3A_490 = %broadcast_in_dim3A_7, %scan3A_491 = %broadcast_in_dim3A_7, %scan3A_492 = %broadcast_in_dim3A_7, %scan3A_493 = %broadcast_in_dim3A_7, %scan3A_494 = %broadcast_in_dim3A_9, %scan3A_495 = %broadcast_in_dim3A_7, %scan3A_496 = %broadcast_in_dim3A_7, %scan3A_497 = %broadcast_in_dim3A_7, %scan3A_498 = %broadcast_in_dim3A_7, %scan3A_499 = %broadcast_in_dim3A_9) -> (vector<16xf32>, vector<16xf32>, vector<16xf32>, vector<16xf32>, vector<16xf32>, vector<16xf32>, vector<16xf32>, vector<16xf32>, vector<16xf32>, vector<16xf32>, vector<16xf32>, vector<16xf32>, vector<16xf32>, vector<16xf32>, vector<16xf32>, vector<16xf32>, vector<16xf32>, vector<16xf32>, vector<16xf32>, vector<16xf32>, vector<16xf32>, vector<16xf32>, vector<16xf32>, vector<16xf32>, vector<16xf32>, vector<16xf32>, vector<16xf32>, vector<16xf32>, vector<16xf32>, vector<16xf32>, vector<16xf32>, vector<16xf32>)  : i32 {
      %mul3A_500 = arith.constant 2 : i32
      %mul3A_501 = arith.muli %scan3A_467, %mul3A_500 : i32
      %add3A_502 = arith.constant 0 : i32
      %add3A_503 = arith.addi %mul3A_501, %add3A_502 : i32
      %get3A_504 = arith.index_cast %add3A_503 : i32 to index
      %get3A_505 = arith.constant 0 : index
      %get3A_506 = tpu.vector_load %arg5[%get3A_504, %get3A_505] {strides = array<i32>} : memref<40x16xi32, #tpu.memory_space<vmem>>, vector<1x16xi32>,
      %get3A_507 = vector.shape_cast %get3A_506 : vector<1x16xi32> to vector<16xi32>
      %ne3A = arith.cmpi ne, %get3A_507, %broadcast_in_dim3A_1 : vector<16xi32>
      %abs3A = math.absi %get3A_507 : vector<16xi32>
      %sub3A = arith.subi %abs3A, %broadcast_in_dim3A_3 : vector<16xi32>
      %max3A = arith.maxsi %sub3A, %broadcast_in_dim3A_1 : vector<16xi32>
      %lt3A = arith.cmpi slt, %get3A_507, %broadcast_in_dim3A_1 : vector<16xi32>
      %select_n3A = arith.select %lt3A, %broadcast_in_dim3A_11, %broadcast_in_dim3A_9 : vector<16xi1>, vector<16xf32>
      %eq3A = arith.cmpi eq, %max3A, %broadcast_in_dim3A_1 : vector<16xi32>
      %and3A = arith.andi %ne3A, %eq3A : vector<16xi1>
      %eq3A_508 = arith.cmpi eq, %max3A, %broadcast_in_dim3A_3 : vector<16xi32>
      %and3A_509 = arith.andi %ne3A, %eq3A_508 : vector<16xi1>
      %eq3A_510 = arith.cmpi eq, %max3A, %broadcast_in_dim3A_72 : vector<16xi32>
      %and3A_511 = arith.andi %ne3A, %eq3A_510 : vector<16xi1>
      %select_n3A_512 = arith.select %and3A, %get3A_15, %broadcast_in_dim3A_9 : vector<16xi1>, vector<16xf32>
      %select_n3A_513 = arith.select %and3A, %get3A_45, %broadcast_in_dim3A_7 : vector<16xi1>, vector<16xf32>
      %mul3A_514 = arith.mulf %select_n3A_513, %select_n3A : vector<16xf32>
      %select_n3A_515 = arith.select %and3A_509, %get3A_20, %broadcast_in_dim3A_9 : vector<16xi1>, vector<16xf32>
      %select_n3A_516 = arith.select %and3A_509, %get3A_50, %broadcast_in_dim3A_7 : vector<16xi1>, vector<16xf32>
      %mul3A_517 = arith.mulf %select_n3A_516, %select_n3A : vector<16xf32>
      %select_n3A_518 = arith.select %and3A_511, %get3A_25, %broadcast_in_dim3A_9 : vector<16xi1>, vector<16xf32>
      %select_n3A_519 = arith.select %and3A_511, %get3A_55, %broadcast_in_dim3A_7 : vector<16xi1>, vector<16xf32>
      %mul3A_520 = arith.mulf %select_n3A_519, %select_n3A : vector<16xf32>
      %select_n3A_521 = arith.select %and3A, %get3A_30, %broadcast_in_dim3A_9 : vector<16xi1>, vector<16xf32>
      %select_n3A_522 = arith.select %and3A, %get3A_60, %broadcast_in_dim3A_7 : vector<16xi1>, vector<16xf32>
      %mul3A_523 = arith.mulf %select_n3A_522, %select_n3A : vector<16xf32>
      %select_n3A_524 = arith.select %and3A_509, %get3A_35, %broadcast_in_dim3A_9 : vector<16xi1>, vector<16xf32>
      %select_n3A_525 = arith.select %and3A_509, %get3A_65, %broadcast_in_dim3A_7 : vector<16xi1>, vector<16xf32>
      %mul3A_526 = arith.mulf %select_n3A_525, %select_n3A : vector<16xf32>
      %select_n3A_527 = arith.select %and3A_511, %get3A_40, %broadcast_in_dim3A_9 : vector<16xi1>, vector<16xf32>
      %select_n3A_528 = arith.select %and3A_511, %get3A_70, %broadcast_in_dim3A_7 : vector<16xi1>, vector<16xf32>
      %mul3A_529 = arith.mulf %select_n3A_528, %select_n3A : vector<16xf32>
      %mul3A_530 = arith.mulf %scan3A_468, %select_n3A_512 : vector<16xf32>
      %mul3A_531 = arith.mulf %scan3A_472, %mul3A_514 : vector<16xf32>
      %sub3A_532 = arith.subf %mul3A_530, %mul3A_531 : vector<16xf32>
      %mul3A_533 = arith.mulf %scan3A_468, %mul3A_514 : vector<16xf32>
      %mul3A_534 = arith.mulf %scan3A_472, %select_n3A_512 : vector<16xf32>
      %add3A_535 = arith.addf %mul3A_533, %mul3A_534 : vector<16xf32>
      %mul3A_536 = arith.mulf %scan3A_469, %select_n3A_512 : vector<16xf32>
      %mul3A_537 = arith.mulf %scan3A_473, %mul3A_514 : vector<16xf32>
      %sub3A_538 = arith.subf %mul3A_536, %mul3A_537 : vector<16xf32>
      %mul3A_539 = arith.mulf %scan3A_469, %mul3A_514 : vector<16xf32>
      %mul3A_540 = arith.mulf %scan3A_473, %select_n3A_512 : vector<16xf32>
      %add3A_541 = arith.addf %mul3A_539, %mul3A_540 : vector<16xf32>
      %mul3A_542 = arith.mulf %scan3A_470, %select_n3A_512 : vector<16xf32>
      %mul3A_543 = arith.mulf %scan3A_474, %mul3A_514 : vector<16xf32>
      %sub3A_544 = arith.subf %mul3A_542, %mul3A_543 : vector<16xf32>
      %mul3A_545 = arith.mulf %scan3A_470, %mul3A_514 : vector<16xf32>
      %mul3A_546 = arith.mulf %scan3A_474, %select_n3A_512 : vector<16xf32>
      %add3A_547 = arith.addf %mul3A_545, %mul3A_546 : vector<16xf32>
      %mul3A_548 = arith.mulf %scan3A_471, %select_n3A_512 : vector<16xf32>
      %mul3A_549 = arith.mulf %scan3A_475, %mul3A_514 : vector<16xf32>
      %sub3A_550 = arith.subf %mul3A_548, %mul3A_549 : vector<16xf32>
      %mul3A_551 = arith.mulf %scan3A_471, %mul3A_514 : vector<16xf32>
      %mul3A_552 = arith.mulf %scan3A_475, %select_n3A_512 : vector<16xf32>
      %add3A_553 = arith.addf %mul3A_551, %mul3A_552 : vector<16xf32>
      %mul3A_554 = arith.mulf %add3A_535, %select_n3A_515 : vector<16xf32>
      %mul3A_555 = arith.mulf %scan3A_476, %mul3A_517 : vector<16xf32>
      %sub3A_556 = arith.subf %mul3A_554, %mul3A_555 : vector<16xf32>
      %mul3A_557 = arith.mulf %add3A_535, %mul3A_517 : vector<16xf32>
      %mul3A_558 = arith.mulf %scan3A_476, %select_n3A_515 : vector<16xf32>
      %add3A_559 = arith.addf %mul3A_557, %mul3A_558 : vector<16xf32>
      %mul3A_560 = arith.mulf %add3A_541, %select_n3A_515 : vector<16xf32>
      %mul3A_561 = arith.mulf %scan3A_477, %mul3A_517 : vector<16xf32>
      %sub3A_562 = arith.subf %mul3A_560, %mul3A_561 : vector<16xf32>
      %mul3A_563 = arith.mulf %add3A_541, %mul3A_517 : vector<16xf32>
      %mul3A_564 = arith.mulf %scan3A_477, %select_n3A_515 : vector<16xf32>
      %add3A_565 = arith.addf %mul3A_563, %mul3A_564 : vector<16xf32>
      %mul3A_566 = arith.mulf %add3A_547, %select_n3A_515 : vector<16xf32>
      %mul3A_567 = arith.mulf %scan3A_478, %mul3A_517 : vector<16xf32>
      %sub3A_568 = arith.subf %mul3A_566, %mul3A_567 : vector<16xf32>
      %mul3A_569 = arith.mulf %add3A_547, %mul3A_517 : vector<16xf32>
      %mul3A_570 = arith.mulf %scan3A_478, %select_n3A_515 : vector<16xf32>
      %add3A_571 = arith.addf %mul3A_569, %mul3A_570 : vector<16xf32>
      %mul3A_572 = arith.mulf %add3A_553, %select_n3A_515 : vector<16xf32>
      %mul3A_573 = arith.mulf %scan3A_479, %mul3A_517 : vector<16xf32>
      %sub3A_574 = arith.subf %mul3A_572, %mul3A_573 : vector<16xf32>
      %mul3A_575 = arith.mulf %add3A_553, %mul3A_517 : vector<16xf32>
      %mul3A_576 = arith.mulf %scan3A_479, %select_n3A_515 : vector<16xf32>
      %add3A_577 = arith.addf %mul3A_575, %mul3A_576 : vector<16xf32>
      %mul3A_578 = arith.mulf %add3A_559, %select_n3A_518 : vector<16xf32>
      %mul3A_579 = arith.mulf %scan3A_480, %mul3A_520 : vector<16xf32>
      %sub3A_580 = arith.subf %mul3A_578, %mul3A_579 : vector<16xf32>
      %mul3A_581 = arith.mulf %add3A_559, %mul3A_520 : vector<16xf32>
      %mul3A_582 = arith.mulf %scan3A_480, %select_n3A_518 : vector<16xf32>
      %add3A_583 = arith.addf %mul3A_581, %mul3A_582 : vector<16xf32>
      %mul3A_584 = arith.mulf %add3A_565, %select_n3A_518 : vector<16xf32>
      %mul3A_585 = arith.mulf %scan3A_481, %mul3A_520 : vector<16xf32>
      %sub3A_586 = arith.subf %mul3A_584, %mul3A_585 : vector<16xf32>
      %mul3A_587 = arith.mulf %add3A_565, %mul3A_520 : vector<16xf32>
      %mul3A_588 = arith.mulf %scan3A_481, %select_n3A_518 : vector<16xf32>
      %add3A_589 = arith.addf %mul3A_587, %mul3A_588 : vector<16xf32>
      %mul3A_590 = arith.mulf %add3A_571, %select_n3A_518 : vector<16xf32>
      %mul3A_591 = arith.mulf %scan3A_482, %mul3A_520 : vector<16xf32>
      %sub3A_592 = arith.subf %mul3A_590, %mul3A_591 : vector<16xf32>
      %mul3A_593 = arith.mulf %add3A_571, %mul3A_520 : vector<16xf32>
      %mul3A_594 = arith.mulf %scan3A_482, %select_n3A_518 : vector<16xf32>
      %add3A_595 = arith.addf %mul3A_593, %mul3A_594 : vector<16xf32>
      %mul3A_596 = arith.mulf %add3A_577, %select_n3A_518 : vector<16xf32>
      %mul3A_597 = arith.mulf %scan3A_483, %mul3A_520 : vector<16xf32>
      %sub3A_598 = arith.subf %mul3A_596, %mul3A_597 : vector<16xf32>
      %mul3A_599 = arith.mulf %add3A_577, %mul3A_520 : vector<16xf32>
      %mul3A_600 = arith.mulf %scan3A_483, %select_n3A_518 : vector<16xf32>
      %add3A_601 = arith.addf %mul3A_599, %mul3A_600 : vector<16xf32>
      %mul3A_602 = arith.mulf %scan3A_484, %select_n3A_521 : vector<16xf32>
      %mul3A_603 = arith.mulf %scan3A_488, %mul3A_523 : vector<16xf32>
      %sub3A_604 = arith.subf %mul3A_602, %mul3A_603 : vector<16xf32>
      %mul3A_605 = arith.mulf %scan3A_484, %mul3A_523 : vector<16xf32>
      %mul3A_606 = arith.mulf %scan3A_488, %select_n3A_521 : vector<16xf32>
      %add3A_607 = arith.addf %mul3A_605, %mul3A_606 : vector<16xf32>
      %mul3A_608 = arith.mulf %scan3A_485, %select_n3A_521 : vector<16xf32>
      %mul3A_609 = arith.mulf %scan3A_489, %mul3A_523 : vector<16xf32>
      %sub3A_610 = arith.subf %mul3A_608, %mul3A_609 : vector<16xf32>
      %mul3A_611 = arith.mulf %scan3A_485, %mul3A_523 : vector<16xf32>
      %mul3A_612 = arith.mulf %scan3A_489, %select_n3A_521 : vector<16xf32>
      %add3A_613 = arith.addf %mul3A_611, %mul3A_612 : vector<16xf32>
      %mul3A_614 = arith.mulf %scan3A_486, %select_n3A_521 : vector<16xf32>
      %mul3A_615 = arith.mulf %scan3A_490, %mul3A_523 : vector<16xf32>
      %sub3A_616 = arith.subf %mul3A_614, %mul3A_615 : vector<16xf32>
      %mul3A_617 = arith.mulf %scan3A_486, %mul3A_523 : vector<16xf32>
      %mul3A_618 = arith.mulf %scan3A_490, %select_n3A_521 : vector<16xf32>
      %add3A_619 = arith.addf %mul3A_617, %mul3A_618 : vector<16xf32>
      %mul3A_620 = arith.mulf %scan3A_487, %select_n3A_521 : vector<16xf32>
      %mul3A_621 = arith.mulf %scan3A_491, %mul3A_523 : vector<16xf32>
      %sub3A_622 = arith.subf %mul3A_620, %mul3A_621 : vector<16xf32>
      %mul3A_623 = arith.mulf %scan3A_487, %mul3A_523 : vector<16xf32>
      %mul3A_624 = arith.mulf %scan3A_491, %select_n3A_521 : vector<16xf32>
      %add3A_625 = arith.addf %mul3A_623, %mul3A_624 : vector<16xf32>
      %mul3A_626 = arith.mulf %add3A_607, %select_n3A_524 : vector<16xf32>
      %mul3A_627 = arith.mulf %scan3A_492, %mul3A_526 : vector<16xf32>
      %sub3A_628 = arith.subf %mul3A_626, %mul3A_627 : vector<16xf32>
      %mul3A_629 = arith.mulf %add3A_607, %mul3A_526 : vector<16xf32>
      %mul3A_630 = arith.mulf %scan3A_492, %select_n3A_524 : vector<16xf32>
      %add3A_631 = arith.addf %mul3A_629, %mul3A_630 : vector<16xf32>
      %mul3A_632 = arith.mulf %add3A_613, %select_n3A_524 : vector<16xf32>
      %mul3A_633 = arith.mulf %scan3A_493, %mul3A_526 : vector<16xf32>
      %sub3A_634 = arith.subf %mul3A_632, %mul3A_633 : vector<16xf32>
      %mul3A_635 = arith.mulf %add3A_613, %mul3A_526 : vector<16xf32>
      %mul3A_636 = arith.mulf %scan3A_493, %select_n3A_524 : vector<16xf32>
      %add3A_637 = arith.addf %mul3A_635, %mul3A_636 : vector<16xf32>
      %mul3A_638 = arith.mulf %add3A_619, %select_n3A_524 : vector<16xf32>
      %mul3A_639 = arith.mulf %scan3A_494, %mul3A_526 : vector<16xf32>
      %sub3A_640 = arith.subf %mul3A_638, %mul3A_639 : vector<16xf32>
      %mul3A_641 = arith.mulf %add3A_619, %mul3A_526 : vector<16xf32>
      %mul3A_642 = arith.mulf %scan3A_494, %select_n3A_524 : vector<16xf32>
      %add3A_643 = arith.addf %mul3A_641, %mul3A_642 : vector<16xf32>
      %mul3A_644 = arith.mulf %add3A_625, %select_n3A_524 : vector<16xf32>
      %mul3A_645 = arith.mulf %scan3A_495, %mul3A_526 : vector<16xf32>
      %sub3A_646 = arith.subf %mul3A_644, %mul3A_645 : vector<16xf32>
      %mul3A_647 = arith.mulf %add3A_625, %mul3A_526 : vector<16xf32>
      %mul3A_648 = arith.mulf %scan3A_495, %select_n3A_524 : vector<16xf32>
      %add3A_649 = arith.addf %mul3A_647, %mul3A_648 : vector<16xf32>
      %mul3A_650 = arith.mulf %add3A_631, %select_n3A_527 : vector<16xf32>
      %mul3A_651 = arith.mulf %scan3A_496, %mul3A_529 : vector<16xf32>
      %sub3A_652 = arith.subf %mul3A_650, %mul3A_651 : vector<16xf32>
      %mul3A_653 = arith.mulf %add3A_631, %mul3A_529 : vector<16xf32>
      %mul3A_654 = arith.mulf %scan3A_496, %select_n3A_527 : vector<16xf32>
      %add3A_655 = arith.addf %mul3A_653, %mul3A_654 : vector<16xf32>
      %mul3A_656 = arith.mulf %add3A_637, %select_n3A_527 : vector<16xf32>
      %mul3A_657 = arith.mulf %scan3A_497, %mul3A_529 : vector<16xf32>
      %sub3A_658 = arith.subf %mul3A_656, %mul3A_657 : vector<16xf32>
      %mul3A_659 = arith.mulf %add3A_637, %mul3A_529 : vector<16xf32>
      %mul3A_660 = arith.mulf %scan3A_497, %select_n3A_527 : vector<16xf32>
      %add3A_661 = arith.addf %mul3A_659, %mul3A_660 : vector<16xf32>
      %mul3A_662 = arith.mulf %add3A_643, %select_n3A_527 : vector<16xf32>
      %mul3A_663 = arith.mulf %scan3A_498, %mul3A_529 : vector<16xf32>
      %sub3A_664 = arith.subf %mul3A_662, %mul3A_663 : vector<16xf32>
      %mul3A_665 = arith.mulf %add3A_643, %mul3A_529 : vector<16xf32>
      %mul3A_666 = arith.mulf %scan3A_498, %select_n3A_527 : vector<16xf32>
      %add3A_667 = arith.addf %mul3A_665, %mul3A_666 : vector<16xf32>
      %mul3A_668 = arith.mulf %add3A_649, %select_n3A_527 : vector<16xf32>
      %mul3A_669 = arith.mulf %scan3A_499, %mul3A_529 : vector<16xf32>
      %sub3A_670 = arith.subf %mul3A_668, %mul3A_669 : vector<16xf32>
      %mul3A_671 = arith.mulf %add3A_649, %mul3A_529 : vector<16xf32>
      %mul3A_672 = arith.mulf %scan3A_499, %select_n3A_527 : vector<16xf32>
      %add3A_673 = arith.addf %mul3A_671, %mul3A_672 : vector<16xf32>
      %scan3A_674 = arith.constant 1 : i32
      %scan3A_675 = arith.addi %scan3A_467, %scan3A_674 : i32
      %mul3A_676 = arith.constant 2 : i32
      %mul3A_677 = arith.muli %scan3A_675, %mul3A_676 : i32
      %add3A_678 = arith.constant 0 : i32
      %add3A_679 = arith.addi %mul3A_677, %add3A_678 : i32
      %get3A_680 = arith.index_cast %add3A_679 : i32 to index
      %get3A_681 = arith.constant 0 : index
      %get3A_682 = tpu.vector_load %arg5[%get3A_680, %get3A_681] {strides = array<i32>} : memref<40x16xi32, #tpu.memory_space<vmem>>, vector<1x16xi32>,
      %get3A_683 = vector.shape_cast %get3A_682 : vector<1x16xi32> to vector<16xi32>
      %ne3A_684 = arith.cmpi ne, %get3A_683, %broadcast_in_dim3A_1 : vector<16xi32>
      %abs3A_685 = math.absi %get3A_683 : vector<16xi32>
      %sub3A_686 = arith.subi %abs3A_685, %broadcast_in_dim3A_3 : vector<16xi32>
      %max3A_687 = arith.maxsi %sub3A_686, %broadcast_in_dim3A_1 : vector<16xi32>
      %lt3A_688 = arith.cmpi slt, %get3A_683, %broadcast_in_dim3A_1 : vector<16xi32>
      %select_n3A_689 = arith.select %lt3A_688, %broadcast_in_dim3A_11, %broadcast_in_dim3A_9 : vector<16xi1>, vector<16xf32>
      %eq3A_690 = arith.cmpi eq, %max3A_687, %broadcast_in_dim3A_1 : vector<16xi32>
      %and3A_691 = arith.andi %ne3A_684, %eq3A_690 : vector<16xi1>
      %eq3A_692 = arith.cmpi eq, %max3A_687, %broadcast_in_dim3A_3 : vector<16xi32>
      %and3A_693 = arith.andi %ne3A_684, %eq3A_692 : vector<16xi1>
      %eq3A_694 = arith.cmpi eq, %max3A_687, %broadcast_in_dim3A_72 : vector<16xi32>
      %and3A_695 = arith.andi %ne3A_684, %eq3A_694 : vector<16xi1>
      %select_n3A_696 = arith.select %and3A_691, %get3A_15, %broadcast_in_dim3A_9 : vector<16xi1>, vector<16xf32>
      %select_n3A_697 = arith.select %and3A_691, %get3A_45, %broadcast_in_dim3A_7 : vector<16xi1>, vector<16xf32>
      %mul3A_698 = arith.mulf %select_n3A_697, %select_n3A_689 : vector<16xf32>
      %select_n3A_699 = arith.select %and3A_693, %get3A_20, %broadcast_in_dim3A_9 : vector<16xi1>, vector<16xf32>
      %select_n3A_700 = arith.select %and3A_693, %get3A_50, %broadcast_in_dim3A_7 : vector<16xi1>, vector<16xf32>
      %mul3A_701 = arith.mulf %select_n3A_700, %select_n3A_689 : vector<16xf32>
      %select_n3A_702 = arith.select %and3A_695, %get3A_25, %broadcast_in_dim3A_9 : vector<16xi1>, vector<16xf32>
      %select_n3A_703 = arith.select %and3A_695, %get3A_55, %broadcast_in_dim3A_7 : vector<16xi1>, vector<16xf32>
      %mul3A_704 = arith.mulf %select_n3A_703, %select_n3A_689 : vector<16xf32>
      %select_n3A_705 = arith.select %and3A_691, %get3A_30, %broadcast_in_dim3A_9 : vector<16xi1>, vector<16xf32>
      %select_n3A_706 = arith.select %and3A_691, %get3A_60, %broadcast_in_dim3A_7 : vector<16xi1>, vector<16xf32>
      %mul3A_707 = arith.mulf %select_n3A_706, %select_n3A_689 : vector<16xf32>
      %select_n3A_708 = arith.select %and3A_693, %get3A_35, %broadcast_in_dim3A_9 : vector<16xi1>, vector<16xf32>
      %select_n3A_709 = arith.select %and3A_693, %get3A_65, %broadcast_in_dim3A_7 : vector<16xi1>, vector<16xf32>
      %mul3A_710 = arith.mulf %select_n3A_709, %select_n3A_689 : vector<16xf32>
      %select_n3A_711 = arith.select %and3A_695, %get3A_40, %broadcast_in_dim3A_9 : vector<16xi1>, vector<16xf32>
      %select_n3A_712 = arith.select %and3A_695, %get3A_70, %broadcast_in_dim3A_7 : vector<16xi1>, vector<16xf32>
      %mul3A_713 = arith.mulf %select_n3A_712, %select_n3A_689 : vector<16xf32>
      %mul3A_714 = arith.mulf %sub3A_532, %select_n3A_696 : vector<16xf32>
      %mul3A_715 = arith.mulf %sub3A_556, %mul3A_698 : vector<16xf32>
      %sub3A_716 = arith.subf %mul3A_714, %mul3A_715 : vector<16xf32>
      %mul3A_717 = arith.mulf %sub3A_532, %mul3A_698 : vector<16xf32>
      %mul3A_718 = arith.mulf %sub3A_556, %select_n3A_696 : vector<16xf32>
      %add3A_719 = arith.addf %mul3A_717, %mul3A_718 : vector<16xf32>
      %mul3A_720 = arith.mulf %sub3A_538, %select_n3A_696 : vector<16xf32>
      %mul3A_721 = arith.mulf %sub3A_562, %mul3A_698 : vector<16xf32>
      %sub3A_722 = arith.subf %mul3A_720, %mul3A_721 : vector<16xf32>
      %mul3A_723 = arith.mulf %sub3A_538, %mul3A_698 : vector<16xf32>
      %mul3A_724 = arith.mulf %sub3A_562, %select_n3A_696 : vector<16xf32>
      %add3A_725 = arith.addf %mul3A_723, %mul3A_724 : vector<16xf32>
      %mul3A_726 = arith.mulf %sub3A_544, %select_n3A_696 : vector<16xf32>
      %mul3A_727 = arith.mulf %sub3A_568, %mul3A_698 : vector<16xf32>
      %sub3A_728 = arith.subf %mul3A_726, %mul3A_727 : vector<16xf32>
      %mul3A_729 = arith.mulf %sub3A_544, %mul3A_698 : vector<16xf32>
      %mul3A_730 = arith.mulf %sub3A_568, %select_n3A_696 : vector<16xf32>
      %add3A_731 = arith.addf %mul3A_729, %mul3A_730 : vector<16xf32>
      %mul3A_732 = arith.mulf %sub3A_550, %select_n3A_696 : vector<16xf32>
      %mul3A_733 = arith.mulf %sub3A_574, %mul3A_698 : vector<16xf32>
      %sub3A_734 = arith.subf %mul3A_732, %mul3A_733 : vector<16xf32>
      %mul3A_735 = arith.mulf %sub3A_550, %mul3A_698 : vector<16xf32>
      %mul3A_736 = arith.mulf %sub3A_574, %select_n3A_696 : vector<16xf32>
      %add3A_737 = arith.addf %mul3A_735, %mul3A_736 : vector<16xf32>
      %mul3A_738 = arith.mulf %add3A_719, %select_n3A_699 : vector<16xf32>
      %mul3A_739 = arith.mulf %sub3A_580, %mul3A_701 : vector<16xf32>
      %sub3A_740 = arith.subf %mul3A_738, %mul3A_739 : vector<16xf32>
      %mul3A_741 = arith.mulf %add3A_719, %mul3A_701 : vector<16xf32>
      %mul3A_742 = arith.mulf %sub3A_580, %select_n3A_699 : vector<16xf32>
      %add3A_743 = arith.addf %mul3A_741, %mul3A_742 : vector<16xf32>
      %mul3A_744 = arith.mulf %add3A_725, %select_n3A_699 : vector<16xf32>
      %mul3A_745 = arith.mulf %sub3A_586, %mul3A_701 : vector<16xf32>
      %sub3A_746 = arith.subf %mul3A_744, %mul3A_745 : vector<16xf32>
      %mul3A_747 = arith.mulf %add3A_725, %mul3A_701 : vector<16xf32>
      %mul3A_748 = arith.mulf %sub3A_586, %select_n3A_699 : vector<16xf32>
      %add3A_749 = arith.addf %mul3A_747, %mul3A_748 : vector<16xf32>
      %mul3A_750 = arith.mulf %add3A_731, %select_n3A_699 : vector<16xf32>
      %mul3A_751 = arith.mulf %sub3A_592, %mul3A_701 : vector<16xf32>
      %sub3A_752 = arith.subf %mul3A_750, %mul3A_751 : vector<16xf32>
      %mul3A_753 = arith.mulf %add3A_731, %mul3A_701 : vector<16xf32>
      %mul3A_754 = arith.mulf %sub3A_592, %select_n3A_699 : vector<16xf32>
      %add3A_755 = arith.addf %mul3A_753, %mul3A_754 : vector<16xf32>
      %mul3A_756 = arith.mulf %add3A_737, %select_n3A_699 : vector<16xf32>
      %mul3A_757 = arith.mulf %sub3A_598, %mul3A_701 : vector<16xf32>
      %sub3A_758 = arith.subf %mul3A_756, %mul3A_757 : vector<16xf32>
      %mul3A_759 = arith.mulf %add3A_737, %mul3A_701 : vector<16xf32>
      %mul3A_760 = arith.mulf %sub3A_598, %select_n3A_699 : vector<16xf32>
      %add3A_761 = arith.addf %mul3A_759, %mul3A_760 : vector<16xf32>
      %mul3A_762 = arith.mulf %add3A_743, %select_n3A_702 : vector<16xf32>
      %mul3A_763 = arith.mulf %add3A_583, %mul3A_704 : vector<16xf32>
      %sub3A_764 = arith.subf %mul3A_762, %mul3A_763 : vector<16xf32>
      %mul3A_765 = arith.mulf %add3A_743, %mul3A_704 : vector<16xf32>
      %mul3A_766 = arith.mulf %add3A_583, %select_n3A_702 : vector<16xf32>
      %add3A_767 = arith.addf %mul3A_765, %mul3A_766 : vector<16xf32>
      %mul3A_768 = arith.mulf %add3A_749, %select_n3A_702 : vector<16xf32>
      %mul3A_769 = arith.mulf %add3A_589, %mul3A_704 : vector<16xf32>
      %sub3A_770 = arith.subf %mul3A_768, %mul3A_769 : vector<16xf32>
      %mul3A_771 = arith.mulf %add3A_749, %mul3A_704 : vector<16xf32>
      %mul3A_772 = arith.mulf %add3A_589, %select_n3A_702 : vector<16xf32>
      %add3A_773 = arith.addf %mul3A_771, %mul3A_772 : vector<16xf32>
      %mul3A_774 = arith.mulf %add3A_755, %select_n3A_702 : vector<16xf32>
      %mul3A_775 = arith.mulf %add3A_595, %mul3A_704 : vector<16xf32>
      %sub3A_776 = arith.subf %mul3A_774, %mul3A_775 : vector<16xf32>
      %mul3A_777 = arith.mulf %add3A_755, %mul3A_704 : vector<16xf32>
      %mul3A_778 = arith.mulf %add3A_595, %select_n3A_702 : vector<16xf32>
      %add3A_779 = arith.addf %mul3A_777, %mul3A_778 : vector<16xf32>
      %mul3A_780 = arith.mulf %add3A_761, %select_n3A_702 : vector<16xf32>
      %mul3A_781 = arith.mulf %add3A_601, %mul3A_704 : vector<16xf32>
      %sub3A_782 = arith.subf %mul3A_780, %mul3A_781 : vector<16xf32>
      %mul3A_783 = arith.mulf %add3A_761, %mul3A_704 : vector<16xf32>
      %mul3A_784 = arith.mulf %add3A_601, %select_n3A_702 : vector<16xf32>
      %add3A_785 = arith.addf %mul3A_783, %mul3A_784 : vector<16xf32>
      %mul3A_786 = arith.mulf %sub3A_604, %select_n3A_705 : vector<16xf32>
      %mul3A_787 = arith.mulf %sub3A_628, %mul3A_707 : vector<16xf32>
      %sub3A_788 = arith.subf %mul3A_786, %mul3A_787 : vector<16xf32>
      %mul3A_789 = arith.mulf %sub3A_604, %mul3A_707 : vector<16xf32>
      %mul3A_790 = arith.mulf %sub3A_628, %select_n3A_705 : vector<16xf32>
      %add3A_791 = arith.addf %mul3A_789, %mul3A_790 : vector<16xf32>
      %mul3A_792 = arith.mulf %sub3A_610, %select_n3A_705 : vector<16xf32>
      %mul3A_793 = arith.mulf %sub3A_634, %mul3A_707 : vector<16xf32>
      %sub3A_794 = arith.subf %mul3A_792, %mul3A_793 : vector<16xf32>
      %mul3A_795 = arith.mulf %sub3A_610, %mul3A_707 : vector<16xf32>
      %mul3A_796 = arith.mulf %sub3A_634, %select_n3A_705 : vector<16xf32>
      %add3A_797 = arith.addf %mul3A_795, %mul3A_796 : vector<16xf32>
      %mul3A_798 = arith.mulf %sub3A_616, %select_n3A_705 : vector<16xf32>
      %mul3A_799 = arith.mulf %sub3A_640, %mul3A_707 : vector<16xf32>
      %sub3A_800 = arith.subf %mul3A_798, %mul3A_799 : vector<16xf32>
      %mul3A_801 = arith.mulf %sub3A_616, %mul3A_707 : vector<16xf32>
      %mul3A_802 = arith.mulf %sub3A_640, %select_n3A_705 : vector<16xf32>
      %add3A_803 = arith.addf %mul3A_801, %mul3A_802 : vector<16xf32>
      %mul3A_804 = arith.mulf %sub3A_622, %select_n3A_705 : vector<16xf32>
      %mul3A_805 = arith.mulf %sub3A_646, %mul3A_707 : vector<16xf32>
      %sub3A_806 = arith.subf %mul3A_804, %mul3A_805 : vector<16xf32>
      %mul3A_807 = arith.mulf %sub3A_622, %mul3A_707 : vector<16xf32>
      %mul3A_808 = arith.mulf %sub3A_646, %select_n3A_705 : vector<16xf32>
      %add3A_809 = arith.addf %mul3A_807, %mul3A_808 : vector<16xf32>
      %mul3A_810 = arith.mulf %add3A_791, %select_n3A_708 : vector<16xf32>
      %mul3A_811 = arith.mulf %sub3A_652, %mul3A_710 : vector<16xf32>
      %sub3A_812 = arith.subf %mul3A_810, %mul3A_811 : vector<16xf32>
      %mul3A_813 = arith.mulf %add3A_791, %mul3A_710 : vector<16xf32>
      %mul3A_814 = arith.mulf %sub3A_652, %select_n3A_708 : vector<16xf32>
      %add3A_815 = arith.addf %mul3A_813, %mul3A_814 : vector<16xf32>
      %mul3A_816 = arith.mulf %add3A_797, %select_n3A_708 : vector<16xf32>
      %mul3A_817 = arith.mulf %sub3A_658, %mul3A_710 : vector<16xf32>
      %sub3A_818 = arith.subf %mul3A_816, %mul3A_817 : vector<16xf32>
      %mul3A_819 = arith.mulf %add3A_797, %mul3A_710 : vector<16xf32>
      %mul3A_820 = arith.mulf %sub3A_658, %select_n3A_708 : vector<16xf32>
      %add3A_821 = arith.addf %mul3A_819, %mul3A_820 : vector<16xf32>
      %mul3A_822 = arith.mulf %add3A_803, %select_n3A_708 : vector<16xf32>
      %mul3A_823 = arith.mulf %sub3A_664, %mul3A_710 : vector<16xf32>
      %sub3A_824 = arith.subf %mul3A_822, %mul3A_823 : vector<16xf32>
      %mul3A_825 = arith.mulf %add3A_803, %mul3A_710 : vector<16xf32>
      %mul3A_826 = arith.mulf %sub3A_664, %select_n3A_708 : vector<16xf32>
      %add3A_827 = arith.addf %mul3A_825, %mul3A_826 : vector<16xf32>
      %mul3A_828 = arith.mulf %add3A_809, %select_n3A_708 : vector<16xf32>
      %mul3A_829 = arith.mulf %sub3A_670, %mul3A_710 : vector<16xf32>
      %sub3A_830 = arith.subf %mul3A_828, %mul3A_829 : vector<16xf32>
      %mul3A_831 = arith.mulf %add3A_809, %mul3A_710 : vector<16xf32>
      %mul3A_832 = arith.mulf %sub3A_670, %select_n3A_708 : vector<16xf32>
      %add3A_833 = arith.addf %mul3A_831, %mul3A_832 : vector<16xf32>
      %mul3A_834 = arith.mulf %add3A_815, %select_n3A_711 : vector<16xf32>
      %mul3A_835 = arith.mulf %add3A_655, %mul3A_713 : vector<16xf32>
      %sub3A_836 = arith.subf %mul3A_834, %mul3A_835 : vector<16xf32>
      %mul3A_837 = arith.mulf %add3A_815, %mul3A_713 : vector<16xf32>
      %mul3A_838 = arith.mulf %add3A_655, %select_n3A_711 : vector<16xf32>
      %add3A_839 = arith.addf %mul3A_837, %mul3A_838 : vector<16xf32>
      %mul3A_840 = arith.mulf %add3A_821, %select_n3A_711 : vector<16xf32>
      %mul3A_841 = arith.mulf %add3A_661, %mul3A_713 : vector<16xf32>
      %sub3A_842 = arith.subf %mul3A_840, %mul3A_841 : vector<16xf32>
      %mul3A_843 = arith.mulf %add3A_821, %mul3A_713 : vector<16xf32>
      %mul3A_844 = arith.mulf %add3A_661, %select_n3A_711 : vector<16xf32>
      %add3A_845 = arith.addf %mul3A_843, %mul3A_844 : vector<16xf32>
      %mul3A_846 = arith.mulf %add3A_827, %select_n3A_711 : vector<16xf32>
      %mul3A_847 = arith.mulf %add3A_667, %mul3A_713 : vector<16xf32>
      %sub3A_848 = arith.subf %mul3A_846, %mul3A_847 : vector<16xf32>
      %mul3A_849 = arith.mulf %add3A_827, %mul3A_713 : vector<16xf32>
      %mul3A_850 = arith.mulf %add3A_667, %select_n3A_711 : vector<16xf32>
      %add3A_851 = arith.addf %mul3A_849, %mul3A_850 : vector<16xf32>
      %mul3A_852 = arith.mulf %add3A_833, %select_n3A_711 : vector<16xf32>
      %mul3A_853 = arith.mulf %add3A_673, %mul3A_713 : vector<16xf32>
      %sub3A_854 = arith.subf %mul3A_852, %mul3A_853 : vector<16xf32>
      %mul3A_855 = arith.mulf %add3A_833, %mul3A_713 : vector<16xf32>
      %mul3A_856 = arith.mulf %add3A_673, %select_n3A_711 : vector<16xf32>
      %add3A_857 = arith.addf %mul3A_855, %mul3A_856 : vector<16xf32>
      %scan3A_858 = arith.constant 2 : i32
      %scan3A_859 = arith.addi %scan3A_467, %scan3A_858 : i32
      %mul3A_860 = arith.constant 2 : i32
      %mul3A_861 = arith.muli %scan3A_859, %mul3A_860 : i32
      %add3A_862 = arith.constant 0 : i32
      %add3A_863 = arith.addi %mul3A_861, %add3A_862 : i32
      %get3A_864 = arith.index_cast %add3A_863 : i32 to index
      %get3A_865 = arith.constant 0 : index
      %get3A_866 = tpu.vector_load %arg5[%get3A_864, %get3A_865] {strides = array<i32>} : memref<40x16xi32, #tpu.memory_space<vmem>>, vector<1x16xi32>,
      %get3A_867 = vector.shape_cast %get3A_866 : vector<1x16xi32> to vector<16xi32>
      %ne3A_868 = arith.cmpi ne, %get3A_867, %broadcast_in_dim3A_1 : vector<16xi32>
      %abs3A_869 = math.absi %get3A_867 : vector<16xi32>
      %sub3A_870 = arith.subi %abs3A_869, %broadcast_in_dim3A_3 : vector<16xi32>
      %max3A_871 = arith.maxsi %sub3A_870, %broadcast_in_dim3A_1 : vector<16xi32>
      %lt3A_872 = arith.cmpi slt, %get3A_867, %broadcast_in_dim3A_1 : vector<16xi32>
      %select_n3A_873 = arith.select %lt3A_872, %broadcast_in_dim3A_11, %broadcast_in_dim3A_9 : vector<16xi1>, vector<16xf32>
      %eq3A_874 = arith.cmpi eq, %max3A_871, %broadcast_in_dim3A_1 : vector<16xi32>
      %and3A_875 = arith.andi %ne3A_868, %eq3A_874 : vector<16xi1>
      %eq3A_876 = arith.cmpi eq, %max3A_871, %broadcast_in_dim3A_3 : vector<16xi32>
      %and3A_877 = arith.andi %ne3A_868, %eq3A_876 : vector<16xi1>
      %eq3A_878 = arith.cmpi eq, %max3A_871, %broadcast_in_dim3A_72 : vector<16xi32>
      %and3A_879 = arith.andi %ne3A_868, %eq3A_878 : vector<16xi1>
      %select_n3A_880 = arith.select %and3A_875, %get3A_15, %broadcast_in_dim3A_9 : vector<16xi1>, vector<16xf32>
      %select_n3A_881 = arith.select %and3A_875, %get3A_45, %broadcast_in_dim3A_7 : vector<16xi1>, vector<16xf32>
      %mul3A_882 = arith.mulf %select_n3A_881, %select_n3A_873 : vector<16xf32>
      %select_n3A_883 = arith.select %and3A_877, %get3A_20, %broadcast_in_dim3A_9 : vector<16xi1>, vector<16xf32>
      %select_n3A_884 = arith.select %and3A_877, %get3A_50, %broadcast_in_dim3A_7 : vector<16xi1>, vector<16xf32>
      %mul3A_885 = arith.mulf %select_n3A_884, %select_n3A_873 : vector<16xf32>
      %select_n3A_886 = arith.select %and3A_879, %get3A_25, %broadcast_in_dim3A_9 : vector<16xi1>, vector<16xf32>
      %select_n3A_887 = arith.select %and3A_879, %get3A_55, %broadcast_in_dim3A_7 : vector<16xi1>, vector<16xf32>
      %mul3A_888 = arith.mulf %select_n3A_887, %select_n3A_873 : vector<16xf32>
      %select_n3A_889 = arith.select %and3A_875, %get3A_30, %broadcast_in_dim3A_9 : vector<16xi1>, vector<16xf32>
      %select_n3A_890 = arith.select %and3A_875, %get3A_60, %broadcast_in_dim3A_7 : vector<16xi1>, vector<16xf32>
      %mul3A_891 = arith.mulf %select_n3A_890, %select_n3A_873 : vector<16xf32>
      %select_n3A_892 = arith.select %and3A_877, %get3A_35, %broadcast_in_dim3A_9 : vector<16xi1>, vector<16xf32>
      %select_n3A_893 = arith.select %and3A_877, %get3A_65, %broadcast_in_dim3A_7 : vector<16xi1>, vector<16xf32>
      %mul3A_894 = arith.mulf %select_n3A_893, %select_n3A_873 : vector<16xf32>
      %select_n3A_895 = arith.select %and3A_879, %get3A_40, %broadcast_in_dim3A_9 : vector<16xi1>, vector<16xf32>
      %select_n3A_896 = arith.select %and3A_879, %get3A_70, %broadcast_in_dim3A_7 : vector<16xi1>, vector<16xf32>
      %mul3A_897 = arith.mulf %select_n3A_896, %select_n3A_873 : vector<16xf32>
      %mul3A_898 = arith.mulf %sub3A_716, %select_n3A_880 : vector<16xf32>
      %mul3A_899 = arith.mulf %sub3A_740, %mul3A_882 : vector<16xf32>
      %sub3A_900 = arith.subf %mul3A_898, %mul3A_899 : vector<16xf32>
      %mul3A_901 = arith.mulf %sub3A_716, %mul3A_882 : vector<16xf32>
      %mul3A_902 = arith.mulf %sub3A_740, %select_n3A_880 : vector<16xf32>
      %add3A_903 = arith.addf %mul3A_901, %mul3A_902 : vector<16xf32>
      %mul3A_904 = arith.mulf %sub3A_722, %select_n3A_880 : vector<16xf32>
      %mul3A_905 = arith.mulf %sub3A_746, %mul3A_882 : vector<16xf32>
      %sub3A_906 = arith.subf %mul3A_904, %mul3A_905 : vector<16xf32>
      %mul3A_907 = arith.mulf %sub3A_722, %mul3A_882 : vector<16xf32>
      %mul3A_908 = arith.mulf %sub3A_746, %select_n3A_880 : vector<16xf32>
      %add3A_909 = arith.addf %mul3A_907, %mul3A_908 : vector<16xf32>
      %mul3A_910 = arith.mulf %sub3A_728, %select_n3A_880 : vector<16xf32>
      %mul3A_911 = arith.mulf %sub3A_752, %mul3A_882 : vector<16xf32>
      %sub3A_912 = arith.subf %mul3A_910, %mul3A_911 : vector<16xf32>
      %mul3A_913 = arith.mulf %sub3A_728, %mul3A_882 : vector<16xf32>
      %mul3A_914 = arith.mulf %sub3A_752, %select_n3A_880 : vector<16xf32>
      %add3A_915 = arith.addf %mul3A_913, %mul3A_914 : vector<16xf32>
      %mul3A_916 = arith.mulf %sub3A_734, %select_n3A_880 : vector<16xf32>
      %mul3A_917 = arith.mulf %sub3A_758, %mul3A_882 : vector<16xf32>
      %sub3A_918 = arith.subf %mul3A_916, %mul3A_917 : vector<16xf32>
      %mul3A_919 = arith.mulf %sub3A_734, %mul3A_882 : vector<16xf32>
      %mul3A_920 = arith.mulf %sub3A_758, %select_n3A_880 : vector<16xf32>
      %add3A_921 = arith.addf %mul3A_919, %mul3A_920 : vector<16xf32>
      %mul3A_922 = arith.mulf %add3A_903, %select_n3A_883 : vector<16xf32>
      %mul3A_923 = arith.mulf %sub3A_764, %mul3A_885 : vector<16xf32>
      %sub3A_924 = arith.subf %mul3A_922, %mul3A_923 : vector<16xf32>
      %mul3A_925 = arith.mulf %add3A_903, %mul3A_885 : vector<16xf32>
      %mul3A_926 = arith.mulf %sub3A_764, %select_n3A_883 : vector<16xf32>
      %add3A_927 = arith.addf %mul3A_925, %mul3A_926 : vector<16xf32>
      %mul3A_928 = arith.mulf %add3A_909, %select_n3A_883 : vector<16xf32>
      %mul3A_929 = arith.mulf %sub3A_770, %mul3A_885 : vector<16xf32>
      %sub3A_930 = arith.subf %mul3A_928, %mul3A_929 : vector<16xf32>
      %mul3A_931 = arith.mulf %add3A_909, %mul3A_885 : vector<16xf32>
      %mul3A_932 = arith.mulf %sub3A_770, %select_n3A_883 : vector<16xf32>
      %add3A_933 = arith.addf %mul3A_931, %mul3A_932 : vector<16xf32>
      %mul3A_934 = arith.mulf %add3A_915, %select_n3A_883 : vector<16xf32>
      %mul3A_935 = arith.mulf %sub3A_776, %mul3A_885 : vector<16xf32>
      %sub3A_936 = arith.subf %mul3A_934, %mul3A_935 : vector<16xf32>
      %mul3A_937 = arith.mulf %add3A_915, %mul3A_885 : vector<16xf32>
      %mul3A_938 = arith.mulf %sub3A_776, %select_n3A_883 : vector<16xf32>
      %add3A_939 = arith.addf %mul3A_937, %mul3A_938 : vector<16xf32>
      %mul3A_940 = arith.mulf %add3A_921, %select_n3A_883 : vector<16xf32>
      %mul3A_941 = arith.mulf %sub3A_782, %mul3A_885 : vector<16xf32>
      %sub3A_942 = arith.subf %mul3A_940, %mul3A_941 : vector<16xf32>
      %mul3A_943 = arith.mulf %add3A_921, %mul3A_885 : vector<16xf32>
      %mul3A_944 = arith.mulf %sub3A_782, %select_n3A_883 : vector<16xf32>
      %add3A_945 = arith.addf %mul3A_943, %mul3A_944 : vector<16xf32>
      %mul3A_946 = arith.mulf %add3A_927, %select_n3A_886 : vector<16xf32>
      %mul3A_947 = arith.mulf %add3A_767, %mul3A_888 : vector<16xf32>
      %sub3A_948 = arith.subf %mul3A_946, %mul3A_947 : vector<16xf32>
      %mul3A_949 = arith.mulf %add3A_927, %mul3A_888 : vector<16xf32>
      %mul3A_950 = arith.mulf %add3A_767, %select_n3A_886 : vector<16xf32>
      %add3A_951 = arith.addf %mul3A_949, %mul3A_950 : vector<16xf32>
      %mul3A_952 = arith.mulf %add3A_933, %select_n3A_886 : vector<16xf32>
      %mul3A_953 = arith.mulf %add3A_773, %mul3A_888 : vector<16xf32>
      %sub3A_954 = arith.subf %mul3A_952, %mul3A_953 : vector<16xf32>
      %mul3A_955 = arith.mulf %add3A_933, %mul3A_888 : vector<16xf32>
      %mul3A_956 = arith.mulf %add3A_773, %select_n3A_886 : vector<16xf32>
      %add3A_957 = arith.addf %mul3A_955, %mul3A_956 : vector<16xf32>
      %mul3A_958 = arith.mulf %add3A_939, %select_n3A_886 : vector<16xf32>
      %mul3A_959 = arith.mulf %add3A_779, %mul3A_888 : vector<16xf32>
      %sub3A_960 = arith.subf %mul3A_958, %mul3A_959 : vector<16xf32>
      %mul3A_961 = arith.mulf %add3A_939, %mul3A_888 : vector<16xf32>
      %mul3A_962 = arith.mulf %add3A_779, %select_n3A_886 : vector<16xf32>
      %add3A_963 = arith.addf %mul3A_961, %mul3A_962 : vector<16xf32>
      %mul3A_964 = arith.mulf %add3A_945, %select_n3A_886 : vector<16xf32>
      %mul3A_965 = arith.mulf %add3A_785, %mul3A_888 : vector<16xf32>
      %sub3A_966 = arith.subf %mul3A_964, %mul3A_965 : vector<16xf32>
      %mul3A_967 = arith.mulf %add3A_945, %mul3A_888 : vector<16xf32>
      %mul3A_968 = arith.mulf %add3A_785, %select_n3A_886 : vector<16xf32>
      %add3A_969 = arith.addf %mul3A_967, %mul3A_968 : vector<16xf32>
      %mul3A_970 = arith.mulf %sub3A_788, %select_n3A_889 : vector<16xf32>
      %mul3A_971 = arith.mulf %sub3A_812, %mul3A_891 : vector<16xf32>
      %sub3A_972 = arith.subf %mul3A_970, %mul3A_971 : vector<16xf32>
      %mul3A_973 = arith.mulf %sub3A_788, %mul3A_891 : vector<16xf32>
      %mul3A_974 = arith.mulf %sub3A_812, %select_n3A_889 : vector<16xf32>
      %add3A_975 = arith.addf %mul3A_973, %mul3A_974 : vector<16xf32>
      %mul3A_976 = arith.mulf %sub3A_794, %select_n3A_889 : vector<16xf32>
      %mul3A_977 = arith.mulf %sub3A_818, %mul3A_891 : vector<16xf32>
      %sub3A_978 = arith.subf %mul3A_976, %mul3A_977 : vector<16xf32>
      %mul3A_979 = arith.mulf %sub3A_794, %mul3A_891 : vector<16xf32>
      %mul3A_980 = arith.mulf %sub3A_818, %select_n3A_889 : vector<16xf32>
      %add3A_981 = arith.addf %mul3A_979, %mul3A_980 : vector<16xf32>
      %mul3A_982 = arith.mulf %sub3A_800, %select_n3A_889 : vector<16xf32>
      %mul3A_983 = arith.mulf %sub3A_824, %mul3A_891 : vector<16xf32>
      %sub3A_984 = arith.subf %mul3A_982, %mul3A_983 : vector<16xf32>
      %mul3A_985 = arith.mulf %sub3A_800, %mul3A_891 : vector<16xf32>
      %mul3A_986 = arith.mulf %sub3A_824, %select_n3A_889 : vector<16xf32>
      %add3A_987 = arith.addf %mul3A_985, %mul3A_986 : vector<16xf32>
      %mul3A_988 = arith.mulf %sub3A_806, %select_n3A_889 : vector<16xf32>
      %mul3A_989 = arith.mulf %sub3A_830, %mul3A_891 : vector<16xf32>
      %sub3A_990 = arith.subf %mul3A_988, %mul3A_989 : vector<16xf32>
      %mul3A_991 = arith.mulf %sub3A_806, %mul3A_891 : vector<16xf32>
      %mul3A_992 = arith.mulf %sub3A_830, %select_n3A_889 : vector<16xf32>
      %add3A_993 = arith.addf %mul3A_991, %mul3A_992 : vector<16xf32>
      %mul3A_994 = arith.mulf %add3A_975, %select_n3A_892 : vector<16xf32>
      %mul3A_995 = arith.mulf %sub3A_836, %mul3A_894 : vector<16xf32>
      %sub3A_996 = arith.subf %mul3A_994, %mul3A_995 : vector<16xf32>
      %mul3A_997 = arith.mulf %add3A_975, %mul3A_894 : vector<16xf32>
      %mul3A_998 = arith.mulf %sub3A_836, %select_n3A_892 : vector<16xf32>
      %add3A_999 = arith.addf %mul3A_997, %mul3A_998 : vector<16xf32>
      %mul3A_1000 = arith.mulf %add3A_981, %select_n3A_892 : vector<16xf32>
      %mul3A_1001 = arith.mulf %sub3A_842, %mul3A_894 : vector<16xf32>
      %sub3A_1002 = arith.subf %mul3A_1000, %mul3A_1001 : vector<16xf32>
      %mul3A_1003 = arith.mulf %add3A_981, %mul3A_894 : vector<16xf32>
      %mul3A_1004 = arith.mulf %sub3A_842, %select_n3A_892 : vector<16xf32>
      %add3A_1005 = arith.addf %mul3A_1003, %mul3A_1004 : vector<16xf32>
      %mul3A_1006 = arith.mulf %add3A_987, %select_n3A_892 : vector<16xf32>
      %mul3A_1007 = arith.mulf %sub3A_848, %mul3A_894 : vector<16xf32>
      %sub3A_1008 = arith.subf %mul3A_1006, %mul3A_1007 : vector<16xf32>
      %mul3A_1009 = arith.mulf %add3A_987, %mul3A_894 : vector<16xf32>
      %mul3A_1010 = arith.mulf %sub3A_848, %select_n3A_892 : vector<16xf32>
      %add3A_1011 = arith.addf %mul3A_1009, %mul3A_1010 : vector<16xf32>
      %mul3A_1012 = arith.mulf %add3A_993, %select_n3A_892 : vector<16xf32>
      %mul3A_1013 = arith.mulf %sub3A_854, %mul3A_894 : vector<16xf32>
      %sub3A_1014 = arith.subf %mul3A_1012, %mul3A_1013 : vector<16xf32>
      %mul3A_1015 = arith.mulf %add3A_993, %mul3A_894 : vector<16xf32>
      %mul3A_1016 = arith.mulf %sub3A_854, %select_n3A_892 : vector<16xf32>
      %add3A_1017 = arith.addf %mul3A_1015, %mul3A_1016 : vector<16xf32>
      %mul3A_1018 = arith.mulf %add3A_999, %select_n3A_895 : vector<16xf32>
      %mul3A_1019 = arith.mulf %add3A_839, %mul3A_897 : vector<16xf32>
      %sub3A_1020 = arith.subf %mul3A_1018, %mul3A_1019 : vector<16xf32>
      %mul3A_1021 = arith.mulf %add3A_999, %mul3A_897 : vector<16xf32>
      %mul3A_1022 = arith.mulf %add3A_839, %select_n3A_895 : vector<16xf32>
      %add3A_1023 = arith.addf %mul3A_1021, %mul3A_1022 : vector<16xf32>
      %mul3A_1024 = arith.mulf %add3A_1005, %select_n3A_895 : vector<16xf32>
      %mul3A_1025 = arith.mulf %add3A_845, %mul3A_897 : vector<16xf32>
      %sub3A_1026 = arith.subf %mul3A_1024, %mul3A_1025 : vector<16xf32>
      %mul3A_1027 = arith.mulf %add3A_1005, %mul3A_897 : vector<16xf32>
      %mul3A_1028 = arith.mulf %add3A_845, %select_n3A_895 : vector<16xf32>
      %add3A_1029 = arith.addf %mul3A_1027, %mul3A_1028 : vector<16xf32>
      %mul3A_1030 = arith.mulf %add3A_1011, %select_n3A_895 : vector<16xf32>
      %mul3A_1031 = arith.mulf %add3A_851, %mul3A_897 : vector<16xf32>
      %sub3A_1032 = arith.subf %mul3A_1030, %mul3A_1031 : vector<16xf32>
      %mul3A_1033 = arith.mulf %add3A_1011, %mul3A_897 : vector<16xf32>
      %mul3A_1034 = arith.mulf %add3A_851, %select_n3A_895 : vector<16xf32>
      %add3A_1035 = arith.addf %mul3A_1033, %mul3A_1034 : vector<16xf32>
      %mul3A_1036 = arith.mulf %add3A_1017, %select_n3A_895 : vector<16xf32>
      %mul3A_1037 = arith.mulf %add3A_857, %mul3A_897 : vector<16xf32>
      %sub3A_1038 = arith.subf %mul3A_1036, %mul3A_1037 : vector<16xf32>
      %mul3A_1039 = arith.mulf %add3A_1017, %mul3A_897 : vector<16xf32>
      %mul3A_1040 = arith.mulf %add3A_857, %select_n3A_895 : vector<16xf32>
      %add3A_1041 = arith.addf %mul3A_1039, %mul3A_1040 : vector<16xf32>
      %scan3A_1042 = arith.constant 3 : i32
      %scan3A_1043 = arith.addi %scan3A_467, %scan3A_1042 : i32
      %mul3A_1044 = arith.constant 2 : i32
      %mul3A_1045 = arith.muli %scan3A_1043, %mul3A_1044 : i32
      %add3A_1046 = arith.constant 0 : i32
      %add3A_1047 = arith.addi %mul3A_1045, %add3A_1046 : i32
      %get3A_1048 = arith.index_cast %add3A_1047 : i32 to index
      %get3A_1049 = arith.constant 0 : index
      %get3A_1050 = tpu.vector_load %arg5[%get3A_1048, %get3A_1049] {strides = array<i32>} : memref<40x16xi32, #tpu.memory_space<vmem>>, vector<1x16xi32>,
      %get3A_1051 = vector.shape_cast %get3A_1050 : vector<1x16xi32> to vector<16xi32>
      %ne3A_1052 = arith.cmpi ne, %get3A_1051, %broadcast_in_dim3A_1 : vector<16xi32>
      %abs3A_1053 = math.absi %get3A_1051 : vector<16xi32>
      %sub3A_1054 = arith.subi %abs3A_1053, %broadcast_in_dim3A_3 : vector<16xi32>
      %max3A_1055 = arith.maxsi %sub3A_1054, %broadcast_in_dim3A_1 : vector<16xi32>
      %lt3A_1056 = arith.cmpi slt, %get3A_1051, %broadcast_in_dim3A_1 : vector<16xi32>
      %select_n3A_1057 = arith.select %lt3A_1056, %broadcast_in_dim3A_11, %broadcast_in_dim3A_9 : vector<16xi1>, vector<16xf32>
      %eq3A_1058 = arith.cmpi eq, %max3A_1055, %broadcast_in_dim3A_1 : vector<16xi32>
      %and3A_1059 = arith.andi %ne3A_1052, %eq3A_1058 : vector<16xi1>
      %eq3A_1060 = arith.cmpi eq, %max3A_1055, %broadcast_in_dim3A_3 : vector<16xi32>
      %and3A_1061 = arith.andi %ne3A_1052, %eq3A_1060 : vector<16xi1>
      %eq3A_1062 = arith.cmpi eq, %max3A_1055, %broadcast_in_dim3A_72 : vector<16xi32>
      %and3A_1063 = arith.andi %ne3A_1052, %eq3A_1062 : vector<16xi1>
      %select_n3A_1064 = arith.select %and3A_1059, %get3A_15, %broadcast_in_dim3A_9 : vector<16xi1>, vector<16xf32>
      %select_n3A_1065 = arith.select %and3A_1059, %get3A_45, %broadcast_in_dim3A_7 : vector<16xi1>, vector<16xf32>
      %mul3A_1066 = arith.mulf %select_n3A_1065, %select_n3A_1057 : vector<16xf32>
      %select_n3A_1067 = arith.select %and3A_1061, %get3A_20, %broadcast_in_dim3A_9 : vector<16xi1>, vector<16xf32>
      %select_n3A_1068 = arith.select %and3A_1061, %get3A_50, %broadcast_in_dim3A_7 : vector<16xi1>, vector<16xf32>
      %mul3A_1069 = arith.mulf %select_n3A_1068, %select_n3A_1057 : vector<16xf32>
      %select_n3A_1070 = arith.select %and3A_1063, %get3A_25, %broadcast_in_dim3A_9 : vector<16xi1>, vector<16xf32>
      %select_n3A_1071 = arith.select %and3A_1063, %get3A_55, %broadcast_in_dim3A_7 : vector<16xi1>, vector<16xf32>
      %mul3A_1072 = arith.mulf %select_n3A_1071, %select_n3A_1057 : vector<16xf32>
      %select_n3A_1073 = arith.select %and3A_1059, %get3A_30, %broadcast_in_dim3A_9 : vector<16xi1>, vector<16xf32>
      %select_n3A_1074 = arith.select %and3A_1059, %get3A_60, %broadcast_in_dim3A_7 : vector<16xi1>, vector<16xf32>
      %mul3A_1075 = arith.mulf %select_n3A_1074, %select_n3A_1057 : vector<16xf32>
      %select_n3A_1076 = arith.select %and3A_1061, %get3A_35, %broadcast_in_dim3A_9 : vector<16xi1>, vector<16xf32>
      %select_n3A_1077 = arith.select %and3A_1061, %get3A_65, %broadcast_in_dim3A_7 : vector<16xi1>, vector<16xf32>
      %mul3A_1078 = arith.mulf %select_n3A_1077, %select_n3A_1057 : vector<16xf32>
      %select_n3A_1079 = arith.select %and3A_1063, %get3A_40, %broadcast_in_dim3A_9 : vector<16xi1>, vector<16xf32>
      %select_n3A_1080 = arith.select %and3A_1063, %get3A_70, %broadcast_in_dim3A_7 : vector<16xi1>, vector<16xf32>
      %mul3A_1081 = arith.mulf %select_n3A_1080, %select_n3A_1057 : vector<16xf32>
      %mul3A_1082 = arith.mulf %sub3A_900, %select_n3A_1064 : vector<16xf32>
      %mul3A_1083 = arith.mulf %sub3A_924, %mul3A_1066 : vector<16xf32>
      %sub3A_1084 = arith.subf %mul3A_1082, %mul3A_1083 : vector<16xf32>
      %mul3A_1085 = arith.mulf %sub3A_900, %mul3A_1066 : vector<16xf32>
      %mul3A_1086 = arith.mulf %sub3A_924, %select_n3A_1064 : vector<16xf32>
      %add3A_1087 = arith.addf %mul3A_1085, %mul3A_1086 : vector<16xf32>
      %mul3A_1088 = arith.mulf %sub3A_906, %select_n3A_1064 : vector<16xf32>
      %mul3A_1089 = arith.mulf %sub3A_930, %mul3A_1066 : vector<16xf32>
      %sub3A_1090 = arith.subf %mul3A_1088, %mul3A_1089 : vector<16xf32>
      %mul3A_1091 = arith.mulf %sub3A_906, %mul3A_1066 : vector<16xf32>
      %mul3A_1092 = arith.mulf %sub3A_930, %select_n3A_1064 : vector<16xf32>
      %add3A_1093 = arith.addf %mul3A_1091, %mul3A_1092 : vector<16xf32>
      %mul3A_1094 = arith.mulf %sub3A_912, %select_n3A_1064 : vector<16xf32>
      %mul3A_1095 = arith.mulf %sub3A_936, %mul3A_1066 : vector<16xf32>
      %sub3A_1096 = arith.subf %mul3A_1094, %mul3A_1095 : vector<16xf32>
      %mul3A_1097 = arith.mulf %sub3A_912, %mul3A_1066 : vector<16xf32>
      %mul3A_1098 = arith.mulf %sub3A_936, %select_n3A_1064 : vector<16xf32>
      %add3A_1099 = arith.addf %mul3A_1097, %mul3A_1098 : vector<16xf32>
      %mul3A_1100 = arith.mulf %sub3A_918, %select_n3A_1064 : vector<16xf32>
      %mul3A_1101 = arith.mulf %sub3A_942, %mul3A_1066 : vector<16xf32>
      %sub3A_1102 = arith.subf %mul3A_1100, %mul3A_1101 : vector<16xf32>
      %mul3A_1103 = arith.mulf %sub3A_918, %mul3A_1066 : vector<16xf32>
      %mul3A_1104 = arith.mulf %sub3A_942, %select_n3A_1064 : vector<16xf32>
      %add3A_1105 = arith.addf %mul3A_1103, %mul3A_1104 : vector<16xf32>
      %mul3A_1106 = arith.mulf %add3A_1087, %select_n3A_1067 : vector<16xf32>
      %mul3A_1107 = arith.mulf %sub3A_948, %mul3A_1069 : vector<16xf32>
      %sub3A_1108 = arith.subf %mul3A_1106, %mul3A_1107 : vector<16xf32>
      %mul3A_1109 = arith.mulf %add3A_1087, %mul3A_1069 : vector<16xf32>
      %mul3A_1110 = arith.mulf %sub3A_948, %select_n3A_1067 : vector<16xf32>
      %add3A_1111 = arith.addf %mul3A_1109, %mul3A_1110 : vector<16xf32>
      %mul3A_1112 = arith.mulf %add3A_1093, %select_n3A_1067 : vector<16xf32>
      %mul3A_1113 = arith.mulf %sub3A_954, %mul3A_1069 : vector<16xf32>
      %sub3A_1114 = arith.subf %mul3A_1112, %mul3A_1113 : vector<16xf32>
      %mul3A_1115 = arith.mulf %add3A_1093, %mul3A_1069 : vector<16xf32>
      %mul3A_1116 = arith.mulf %sub3A_954, %select_n3A_1067 : vector<16xf32>
      %add3A_1117 = arith.addf %mul3A_1115, %mul3A_1116 : vector<16xf32>
      %mul3A_1118 = arith.mulf %add3A_1099, %select_n3A_1067 : vector<16xf32>
      %mul3A_1119 = arith.mulf %sub3A_960, %mul3A_1069 : vector<16xf32>
      %sub3A_1120 = arith.subf %mul3A_1118, %mul3A_1119 : vector<16xf32>
      %mul3A_1121 = arith.mulf %add3A_1099, %mul3A_1069 : vector<16xf32>
      %mul3A_1122 = arith.mulf %sub3A_960, %select_n3A_1067 : vector<16xf32>
      %add3A_1123 = arith.addf %mul3A_1121, %mul3A_1122 : vector<16xf32>
      %mul3A_1124 = arith.mulf %add3A_1105, %select_n3A_1067 : vector<16xf32>
      %mul3A_1125 = arith.mulf %sub3A_966, %mul3A_1069 : vector<16xf32>
      %sub3A_1126 = arith.subf %mul3A_1124, %mul3A_1125 : vector<16xf32>
      %mul3A_1127 = arith.mulf %add3A_1105, %mul3A_1069 : vector<16xf32>
      %mul3A_1128 = arith.mulf %sub3A_966, %select_n3A_1067 : vector<16xf32>
      %add3A_1129 = arith.addf %mul3A_1127, %mul3A_1128 : vector<16xf32>
      %mul3A_1130 = arith.mulf %add3A_1111, %select_n3A_1070 : vector<16xf32>
      %mul3A_1131 = arith.mulf %add3A_951, %mul3A_1072 : vector<16xf32>
      %sub3A_1132 = arith.subf %mul3A_1130, %mul3A_1131 : vector<16xf32>
      %mul3A_1133 = arith.mulf %add3A_1111, %mul3A_1072 : vector<16xf32>
      %mul3A_1134 = arith.mulf %add3A_951, %select_n3A_1070 : vector<16xf32>
      %add3A_1135 = arith.addf %mul3A_1133, %mul3A_1134 : vector<16xf32>
      %mul3A_1136 = arith.mulf %add3A_1117, %select_n3A_1070 : vector<16xf32>
      %mul3A_1137 = arith.mulf %add3A_957, %mul3A_1072 : vector<16xf32>
      %sub3A_1138 = arith.subf %mul3A_1136, %mul3A_1137 : vector<16xf32>
      %mul3A_1139 = arith.mulf %add3A_1117, %mul3A_1072 : vector<16xf32>
      %mul3A_1140 = arith.mulf %add3A_957, %select_n3A_1070 : vector<16xf32>
      %add3A_1141 = arith.addf %mul3A_1139, %mul3A_1140 : vector<16xf32>
      %mul3A_1142 = arith.mulf %add3A_1123, %select_n3A_1070 : vector<16xf32>
      %mul3A_1143 = arith.mulf %add3A_963, %mul3A_1072 : vector<16xf32>
      %sub3A_1144 = arith.subf %mul3A_1142, %mul3A_1143 : vector<16xf32>
      %mul3A_1145 = arith.mulf %add3A_1123, %mul3A_1072 : vector<16xf32>
      %mul3A_1146 = arith.mulf %add3A_963, %select_n3A_1070 : vector<16xf32>
      %add3A_1147 = arith.addf %mul3A_1145, %mul3A_1146 : vector<16xf32>
      %mul3A_1148 = arith.mulf %add3A_1129, %select_n3A_1070 : vector<16xf32>
      %mul3A_1149 = arith.mulf %add3A_969, %mul3A_1072 : vector<16xf32>
      %sub3A_1150 = arith.subf %mul3A_1148, %mul3A_1149 : vector<16xf32>
      %mul3A_1151 = arith.mulf %add3A_1129, %mul3A_1072 : vector<16xf32>
      %mul3A_1152 = arith.mulf %add3A_969, %select_n3A_1070 : vector<16xf32>
      %add3A_1153 = arith.addf %mul3A_1151, %mul3A_1152 : vector<16xf32>
      %mul3A_1154 = arith.mulf %sub3A_972, %select_n3A_1073 : vector<16xf32>
      %mul3A_1155 = arith.mulf %sub3A_996, %mul3A_1075 : vector<16xf32>
      %sub3A_1156 = arith.subf %mul3A_1154, %mul3A_1155 : vector<16xf32>
      %mul3A_1157 = arith.mulf %sub3A_972, %mul3A_1075 : vector<16xf32>
      %mul3A_1158 = arith.mulf %sub3A_996, %select_n3A_1073 : vector<16xf32>
      %add3A_1159 = arith.addf %mul3A_1157, %mul3A_1158 : vector<16xf32>
      %mul3A_1160 = arith.mulf %sub3A_978, %select_n3A_1073 : vector<16xf32>
      %mul3A_1161 = arith.mulf %sub3A_1002, %mul3A_1075 : vector<16xf32>
      %sub3A_1162 = arith.subf %mul3A_1160, %mul3A_1161 : vector<16xf32>
      %mul3A_1163 = arith.mulf %sub3A_978, %mul3A_1075 : vector<16xf32>
      %mul3A_1164 = arith.mulf %sub3A_1002, %select_n3A_1073 : vector<16xf32>
      %add3A_1165 = arith.addf %mul3A_1163, %mul3A_1164 : vector<16xf32>
      %mul3A_1166 = arith.mulf %sub3A_984, %select_n3A_1073 : vector<16xf32>
      %mul3A_1167 = arith.mulf %sub3A_1008, %mul3A_1075 : vector<16xf32>
      %sub3A_1168 = arith.subf %mul3A_1166, %mul3A_1167 : vector<16xf32>
      %mul3A_1169 = arith.mulf %sub3A_984, %mul3A_1075 : vector<16xf32>
      %mul3A_1170 = arith.mulf %sub3A_1008, %select_n3A_1073 : vector<16xf32>
      %add3A_1171 = arith.addf %mul3A_1169, %mul3A_1170 : vector<16xf32>
      %mul3A_1172 = arith.mulf %sub3A_990, %select_n3A_1073 : vector<16xf32>
      %mul3A_1173 = arith.mulf %sub3A_1014, %mul3A_1075 : vector<16xf32>
      %sub3A_1174 = arith.subf %mul3A_1172, %mul3A_1173 : vector<16xf32>
      %mul3A_1175 = arith.mulf %sub3A_990, %mul3A_1075 : vector<16xf32>
      %mul3A_1176 = arith.mulf %sub3A_1014, %select_n3A_1073 : vector<16xf32>
      %add3A_1177 = arith.addf %mul3A_1175, %mul3A_1176 : vector<16xf32>
      %mul3A_1178 = arith.mulf %add3A_1159, %select_n3A_1076 : vector<16xf32>
      %mul3A_1179 = arith.mulf %sub3A_1020, %mul3A_1078 : vector<16xf32>
      %sub3A_1180 = arith.subf %mul3A_1178, %mul3A_1179 : vector<16xf32>
      %mul3A_1181 = arith.mulf %add3A_1159, %mul3A_1078 : vector<16xf32>
      %mul3A_1182 = arith.mulf %sub3A_1020, %select_n3A_1076 : vector<16xf32>
      %add3A_1183 = arith.addf %mul3A_1181, %mul3A_1182 : vector<16xf32>
      %mul3A_1184 = arith.mulf %add3A_1165, %select_n3A_1076 : vector<16xf32>
      %mul3A_1185 = arith.mulf %sub3A_1026, %mul3A_1078 : vector<16xf32>
      %sub3A_1186 = arith.subf %mul3A_1184, %mul3A_1185 : vector<16xf32>
      %mul3A_1187 = arith.mulf %add3A_1165, %mul3A_1078 : vector<16xf32>
      %mul3A_1188 = arith.mulf %sub3A_1026, %select_n3A_1076 : vector<16xf32>
      %add3A_1189 = arith.addf %mul3A_1187, %mul3A_1188 : vector<16xf32>
      %mul3A_1190 = arith.mulf %add3A_1171, %select_n3A_1076 : vector<16xf32>
      %mul3A_1191 = arith.mulf %sub3A_1032, %mul3A_1078 : vector<16xf32>
      %sub3A_1192 = arith.subf %mul3A_1190, %mul3A_1191 : vector<16xf32>
      %mul3A_1193 = arith.mulf %add3A_1171, %mul3A_1078 : vector<16xf32>
      %mul3A_1194 = arith.mulf %sub3A_1032, %select_n3A_1076 : vector<16xf32>
      %add3A_1195 = arith.addf %mul3A_1193, %mul3A_1194 : vector<16xf32>
      %mul3A_1196 = arith.mulf %add3A_1177, %select_n3A_1076 : vector<16xf32>
      %mul3A_1197 = arith.mulf %sub3A_1038, %mul3A_1078 : vector<16xf32>
      %sub3A_1198 = arith.subf %mul3A_1196, %mul3A_1197 : vector<16xf32>
      %mul3A_1199 = arith.mulf %add3A_1177, %mul3A_1078 : vector<16xf32>
      %mul3A_1200 = arith.mulf %sub3A_1038, %select_n3A_1076 : vector<16xf32>
      %add3A_1201 = arith.addf %mul3A_1199, %mul3A_1200 : vector<16xf32>
      %mul3A_1202 = arith.mulf %add3A_1183, %select_n3A_1079 : vector<16xf32>
      %mul3A_1203 = arith.mulf %add3A_1023, %mul3A_1081 : vector<16xf32>
      %sub3A_1204 = arith.subf %mul3A_1202, %mul3A_1203 : vector<16xf32>
      %mul3A_1205 = arith.mulf %add3A_1183, %mul3A_1081 : vector<16xf32>
      %mul3A_1206 = arith.mulf %add3A_1023, %select_n3A_1079 : vector<16xf32>
      %add3A_1207 = arith.addf %mul3A_1205, %mul3A_1206 : vector<16xf32>
      %mul3A_1208 = arith.mulf %add3A_1189, %select_n3A_1079 : vector<16xf32>
      %mul3A_1209 = arith.mulf %add3A_1029, %mul3A_1081 : vector<16xf32>
      %sub3A_1210 = arith.subf %mul3A_1208, %mul3A_1209 : vector<16xf32>
      %mul3A_1211 = arith.mulf %add3A_1189, %mul3A_1081 : vector<16xf32>
      %mul3A_1212 = arith.mulf %add3A_1029, %select_n3A_1079 : vector<16xf32>
      %add3A_1213 = arith.addf %mul3A_1211, %mul3A_1212 : vector<16xf32>
      %mul3A_1214 = arith.mulf %add3A_1195, %select_n3A_1079 : vector<16xf32>
      %mul3A_1215 = arith.mulf %add3A_1035, %mul3A_1081 : vector<16xf32>
      %sub3A_1216 = arith.subf %mul3A_1214, %mul3A_1215 : vector<16xf32>
      %mul3A_1217 = arith.mulf %add3A_1195, %mul3A_1081 : vector<16xf32>
      %mul3A_1218 = arith.mulf %add3A_1035, %select_n3A_1079 : vector<16xf32>
      %add3A_1219 = arith.addf %mul3A_1217, %mul3A_1218 : vector<16xf32>
      %mul3A_1220 = arith.mulf %add3A_1201, %select_n3A_1079 : vector<16xf32>
      %mul3A_1221 = arith.mulf %add3A_1041, %mul3A_1081 : vector<16xf32>
      %sub3A_1222 = arith.subf %mul3A_1220, %mul3A_1221 : vector<16xf32>
      %mul3A_1223 = arith.mulf %add3A_1201, %mul3A_1081 : vector<16xf32>
      %mul3A_1224 = arith.mulf %add3A_1041, %select_n3A_1079 : vector<16xf32>
      %add3A_1225 = arith.addf %mul3A_1223, %mul3A_1224 : vector<16xf32>
      scf.yield %sub3A_1084, %sub3A_1090, %sub3A_1096, %sub3A_1102, %sub3A_1108, %sub3A_1114, %sub3A_1120, %sub3A_1126, %sub3A_1132, %sub3A_1138, %sub3A_1144, %sub3A_1150, %add3A_1135, %add3A_1141, %add3A_1147, %add3A_1153, %sub3A_1156, %sub3A_1162, %sub3A_1168, %sub3A_1174, %sub3A_1180, %sub3A_1186, %sub3A_1192, %sub3A_1198, %sub3A_1204, %sub3A_1210, %sub3A_1216, %sub3A_1222, %add3A_1207, %add3A_1213, %add3A_1219, %add3A_1225 : vector<16xf32>, vector<16xf32>, vector<16xf32>, vector<16xf32>, vector<16xf32>, vector<16xf32>, vector<16xf32>, vector<16xf32>, vector<16xf32>, vector<16xf32>, vector<16xf32>, vector<16xf32>, vector<16xf32>, vector<16xf32>, vector<16xf32>, vector<16xf32>, vector<16xf32>, vector<16xf32>, vector<16xf32>, vector<16xf32>, vector<16xf32>, vector<16xf32>, vector<16xf32>, vector<16xf32>, vector<16xf32>, vector<16xf32>, vector<16xf32>, vector<16xf32>, vector<16xf32>, vector<16xf32>, vector<16xf32>, vector<16xf32>
    }
    %scan3A_77 = arith.constant 20 : i32
    %swap3A = arith.constant 0 : i32
    %swap3A_78 = arith.index_cast %swap3A : i32 to index
    %swap3A_79 = arith.constant 0 : index
    %swap3A_80 = tpu.vector_load %arg7[%swap3A_78, %swap3A_79] {strides = array<i32>} : memref<32x32xf32, #tpu.memory_space<vmem>>, vector<1x16xf32>,
    %swap3A_81 = vector.shape_cast %swap3A_80 : vector<1x16xf32> to vector<16xf32>
    %swap3A_82 = vector.shape_cast %scan3A_76#0 : vector<16xf32> to vector<1x16xf32>
    tpu.vector_store %arg7[%swap3A_78, %swap3A_79], %swap3A_82 {strides = array<i32>} : memref<32x32xf32, #tpu.memory_space<vmem>>, vector<1x16xf32>,
    %swap3A_83 = arith.constant 1 : i32
    %swap3A_84 = arith.index_cast %swap3A_83 : i32 to index
    %swap3A_85 = arith.constant 0 : index
    %swap3A_86 = tpu.vector_load %arg7[%swap3A_84, %swap3A_85] {strides = array<i32>} : memref<32x32xf32, #tpu.memory_space<vmem>>, vector<1x16xf32>,
    %swap3A_87 = vector.shape_cast %swap3A_86 : vector<1x16xf32> to vector<16xf32>
    %swap3A_88 = vector.shape_cast %scan3A_76#1 : vector<16xf32> to vector<1x16xf32>
    tpu.vector_store %arg7[%swap3A_84, %swap3A_85], %swap3A_88 {strides = array<i32>} : memref<32x32xf32, #tpu.memory_space<vmem>>, vector<1x16xf32>,
    %swap3A_89 = arith.constant 2 : i32
    %swap3A_90 = arith.index_cast %swap3A_89 : i32 to index
    %swap3A_91 = arith.constant 0 : index
    %swap3A_92 = tpu.vector_load %arg7[%swap3A_90, %swap3A_91] {strides = array<i32>} : memref<32x32xf32, #tpu.memory_space<vmem>>, vector<1x16xf32>,
    %swap3A_93 = vector.shape_cast %swap3A_92 : vector<1x16xf32> to vector<16xf32>
    %swap3A_94 = vector.shape_cast %scan3A_76#2 : vector<16xf32> to vector<1x16xf32>
    tpu.vector_store %arg7[%swap3A_90, %swap3A_91], %swap3A_94 {strides = array<i32>} : memref<32x32xf32, #tpu.memory_space<vmem>>, vector<1x16xf32>,
    %swap3A_95 = arith.constant 3 : i32
    %swap3A_96 = arith.index_cast %swap3A_95 : i32 to index
    %swap3A_97 = arith.constant 0 : index
    %swap3A_98 = tpu.vector_load %arg7[%swap3A_96, %swap3A_97] {strides = array<i32>} : memref<32x32xf32, #tpu.memory_space<vmem>>, vector<1x16xf32>,
    %swap3A_99 = vector.shape_cast %swap3A_98 : vector<1x16xf32> to vector<16xf32>
    %swap3A_100 = vector.shape_cast %scan3A_76#3 : vector<16xf32> to vector<1x16xf32>
    tpu.vector_store %arg7[%swap3A_96, %swap3A_97], %swap3A_100 {strides = array<i32>} : memref<32x32xf32, #tpu.memory_space<vmem>>, vector<1x16xf32>,
    %swap3A_101 = arith.constant 4 : i32
    %swap3A_102 = arith.index_cast %swap3A_101 : i32 to index
    %swap3A_103 = arith.constant 0 : index
    %swap3A_104 = tpu.vector_load %arg7[%swap3A_102, %swap3A_103] {strides = array<i32>} : memref<32x32xf32, #tpu.memory_space<vmem>>, vector<1x16xf32>,
    %swap3A_105 = vector.shape_cast %swap3A_104 : vector<1x16xf32> to vector<16xf32>
    %swap3A_106 = vector.shape_cast %scan3A_76#4 : vector<16xf32> to vector<1x16xf32>
    tpu.vector_store %arg7[%swap3A_102, %swap3A_103], %swap3A_106 {strides = array<i32>} : memref<32x32xf32, #tpu.memory_space<vmem>>, vector<1x16xf32>,
    %swap3A_107 = arith.constant 5 : i32
    %swap3A_108 = arith.index_cast %swap3A_107 : i32 to index
    %swap3A_109 = arith.constant 0 : index
    %swap3A_110 = tpu.vector_load %arg7[%swap3A_108, %swap3A_109] {strides = array<i32>} : memref<32x32xf32, #tpu.memory_space<vmem>>, vector<1x16xf32>,
    %swap3A_111 = vector.shape_cast %swap3A_110 : vector<1x16xf32> to vector<16xf32>
    %swap3A_112 = vector.shape_cast %scan3A_76#5 : vector<16xf32> to vector<1x16xf32>
    tpu.vector_store %arg7[%swap3A_108, %swap3A_109], %swap3A_112 {strides = array<i32>} : memref<32x32xf32, #tpu.memory_space<vmem>>, vector<1x16xf32>,
    %swap3A_113 = arith.constant 6 : i32
    %swap3A_114 = arith.index_cast %swap3A_113 : i32 to index
    %swap3A_115 = arith.constant 0 : index
    %swap3A_116 = tpu.vector_load %arg7[%swap3A_114, %swap3A_115] {strides = array<i32>} : memref<32x32xf32, #tpu.memory_space<vmem>>, vector<1x16xf32>,
    %swap3A_117 = vector.shape_cast %swap3A_116 : vector<1x16xf32> to vector<16xf32>
    %swap3A_118 = vector.shape_cast %scan3A_76#6 : vector<16xf32> to vector<1x16xf32>
    tpu.vector_store %arg7[%swap3A_114, %swap3A_115], %swap3A_118 {strides = array<i32>} : memref<32x32xf32, #tpu.memory_space<vmem>>, vector<1x16xf32>,
    %swap3A_119 = arith.constant 7 : i32
    %swap3A_120 = arith.index_cast %swap3A_119 : i32 to index
    %swap3A_121 = arith.constant 0 : index
    %swap3A_122 = tpu.vector_load %arg7[%swap3A_120, %swap3A_121] {strides = array<i32>} : memref<32x32xf32, #tpu.memory_space<vmem>>, vector<1x16xf32>,
    %swap3A_123 = vector.shape_cast %swap3A_122 : vector<1x16xf32> to vector<16xf32>
    %swap3A_124 = vector.shape_cast %scan3A_76#7 : vector<16xf32> to vector<1x16xf32>
    tpu.vector_store %arg7[%swap3A_120, %swap3A_121], %swap3A_124 {strides = array<i32>} : memref<32x32xf32, #tpu.memory_space<vmem>>, vector<1x16xf32>,
    %swap3A_125 = arith.constant 8 : i32
    %swap3A_126 = arith.index_cast %swap3A_125 : i32 to index
    %swap3A_127 = arith.constant 0 : index
    %swap3A_128 = tpu.vector_load %arg7[%swap3A_126, %swap3A_127] {strides = array<i32>} : memref<32x32xf32, #tpu.memory_space<vmem>>, vector<1x16xf32>,
    %swap3A_129 = vector.shape_cast %swap3A_128 : vector<1x16xf32> to vector<16xf32>
    %swap3A_130 = vector.shape_cast %scan3A_76#8 : vector<16xf32> to vector<1x16xf32>
    tpu.vector_store %arg7[%swap3A_126, %swap3A_127], %swap3A_130 {strides = array<i32>} : memref<32x32xf32, #tpu.memory_space<vmem>>, vector<1x16xf32>,
    %swap3A_131 = arith.constant 9 : i32
    %swap3A_132 = arith.index_cast %swap3A_131 : i32 to index
    %swap3A_133 = arith.constant 0 : index
    %swap3A_134 = tpu.vector_load %arg7[%swap3A_132, %swap3A_133] {strides = array<i32>} : memref<32x32xf32, #tpu.memory_space<vmem>>, vector<1x16xf32>,
    %swap3A_135 = vector.shape_cast %swap3A_134 : vector<1x16xf32> to vector<16xf32>
    %swap3A_136 = vector.shape_cast %scan3A_76#9 : vector<16xf32> to vector<1x16xf32>
    tpu.vector_store %arg7[%swap3A_132, %swap3A_133], %swap3A_136 {strides = array<i32>} : memref<32x32xf32, #tpu.memory_space<vmem>>, vector<1x16xf32>,
    %swap3A_137 = arith.constant 10 : i32
    %swap3A_138 = arith.index_cast %swap3A_137 : i32 to index
    %swap3A_139 = arith.constant 0 : index
    %swap3A_140 = tpu.vector_load %arg7[%swap3A_138, %swap3A_139] {strides = array<i32>} : memref<32x32xf32, #tpu.memory_space<vmem>>, vector<1x16xf32>,
    %swap3A_141 = vector.shape_cast %swap3A_140 : vector<1x16xf32> to vector<16xf32>
    %swap3A_142 = vector.shape_cast %scan3A_76#10 : vector<16xf32> to vector<1x16xf32>
    tpu.vector_store %arg7[%swap3A_138, %swap3A_139], %swap3A_142 {strides = array<i32>} : memref<32x32xf32, #tpu.memory_space<vmem>>, vector<1x16xf32>,
    %swap3A_143 = arith.constant 11 : i32
    %swap3A_144 = arith.index_cast %swap3A_143 : i32 to index
    %swap3A_145 = arith.constant 0 : index
    %swap3A_146 = tpu.vector_load %arg7[%swap3A_144, %swap3A_145] {strides = array<i32>} : memref<32x32xf32, #tpu.memory_space<vmem>>, vector<1x16xf32>,
    %swap3A_147 = vector.shape_cast %swap3A_146 : vector<1x16xf32> to vector<16xf32>
    %swap3A_148 = vector.shape_cast %scan3A_76#11 : vector<16xf32> to vector<1x16xf32>
    tpu.vector_store %arg7[%swap3A_144, %swap3A_145], %swap3A_148 {strides = array<i32>} : memref<32x32xf32, #tpu.memory_space<vmem>>, vector<1x16xf32>,
    %swap3A_149 = arith.constant 12 : i32
    %swap3A_150 = arith.index_cast %swap3A_149 : i32 to index
    %swap3A_151 = arith.constant 0 : index
    %swap3A_152 = tpu.vector_load %arg7[%swap3A_150, %swap3A_151] {strides = array<i32>} : memref<32x32xf32, #tpu.memory_space<vmem>>, vector<1x16xf32>,
    %swap3A_153 = vector.shape_cast %swap3A_152 : vector<1x16xf32> to vector<16xf32>
    %swap3A_154 = vector.shape_cast %scan3A_76#12 : vector<16xf32> to vector<1x16xf32>
    tpu.vector_store %arg7[%swap3A_150, %swap3A_151], %swap3A_154 {strides = array<i32>} : memref<32x32xf32, #tpu.memory_space<vmem>>, vector<1x16xf32>,
    %swap3A_155 = arith.constant 13 : i32
    %swap3A_156 = arith.index_cast %swap3A_155 : i32 to index
    %swap3A_157 = arith.constant 0 : index
    %swap3A_158 = tpu.vector_load %arg7[%swap3A_156, %swap3A_157] {strides = array<i32>} : memref<32x32xf32, #tpu.memory_space<vmem>>, vector<1x16xf32>,
    %swap3A_159 = vector.shape_cast %swap3A_158 : vector<1x16xf32> to vector<16xf32>
    %swap3A_160 = vector.shape_cast %scan3A_76#13 : vector<16xf32> to vector<1x16xf32>
    tpu.vector_store %arg7[%swap3A_156, %swap3A_157], %swap3A_160 {strides = array<i32>} : memref<32x32xf32, #tpu.memory_space<vmem>>, vector<1x16xf32>,
    %swap3A_161 = arith.constant 14 : i32
    %swap3A_162 = arith.index_cast %swap3A_161 : i32 to index
    %swap3A_163 = arith.constant 0 : index
    %swap3A_164 = tpu.vector_load %arg7[%swap3A_162, %swap3A_163] {strides = array<i32>} : memref<32x32xf32, #tpu.memory_space<vmem>>, vector<1x16xf32>,
    %swap3A_165 = vector.shape_cast %swap3A_164 : vector<1x16xf32> to vector<16xf32>
    %swap3A_166 = vector.shape_cast %scan3A_76#14 : vector<16xf32> to vector<1x16xf32>
    tpu.vector_store %arg7[%swap3A_162, %swap3A_163], %swap3A_166 {strides = array<i32>} : memref<32x32xf32, #tpu.memory_space<vmem>>, vector<1x16xf32>,
    %swap3A_167 = arith.constant 15 : i32
    %swap3A_168 = arith.index_cast %swap3A_167 : i32 to index
    %swap3A_169 = arith.constant 0 : index
    %swap3A_170 = tpu.vector_load %arg7[%swap3A_168, %swap3A_169] {strides = array<i32>} : memref<32x32xf32, #tpu.memory_space<vmem>>, vector<1x16xf32>,
    %swap3A_171 = vector.shape_cast %swap3A_170 : vector<1x16xf32> to vector<16xf32>
    %swap3A_172 = vector.shape_cast %scan3A_76#15 : vector<16xf32> to vector<1x16xf32>
    tpu.vector_store %arg7[%swap3A_168, %swap3A_169], %swap3A_172 {strides = array<i32>} : memref<32x32xf32, #tpu.memory_space<vmem>>, vector<1x16xf32>,
    %swap3A_173 = arith.constant 16 : i32
    %swap3A_174 = arith.index_cast %swap3A_173 : i32 to index
    %swap3A_175 = arith.constant 0 : index
    %swap3A_176 = tpu.vector_load %arg7[%swap3A_174, %swap3A_175] {strides = array<i32>} : memref<32x32xf32, #tpu.memory_space<vmem>>, vector<1x16xf32>,
    %swap3A_177 = vector.shape_cast %swap3A_176 : vector<1x16xf32> to vector<16xf32>
    %swap3A_178 = vector.shape_cast %scan3A_76#16 : vector<16xf32> to vector<1x16xf32>
    tpu.vector_store %arg7[%swap3A_174, %swap3A_175], %swap3A_178 {strides = array<i32>} : memref<32x32xf32, #tpu.memory_space<vmem>>, vector<1x16xf32>,
    %swap3A_179 = arith.constant 17 : i32
    %swap3A_180 = arith.index_cast %swap3A_179 : i32 to index
    %swap3A_181 = arith.constant 0 : index
    %swap3A_182 = tpu.vector_load %arg7[%swap3A_180, %swap3A_181] {strides = array<i32>} : memref<32x32xf32, #tpu.memory_space<vmem>>, vector<1x16xf32>,
    %swap3A_183 = vector.shape_cast %swap3A_182 : vector<1x16xf32> to vector<16xf32>
    %swap3A_184 = vector.shape_cast %scan3A_76#17 : vector<16xf32> to vector<1x16xf32>
    tpu.vector_store %arg7[%swap3A_180, %swap3A_181], %swap3A_184 {strides = array<i32>} : memref<32x32xf32, #tpu.memory_space<vmem>>, vector<1x16xf32>,
    %swap3A_185 = arith.constant 18 : i32
    %swap3A_186 = arith.index_cast %swap3A_185 : i32 to index
    %swap3A_187 = arith.constant 0 : index
    %swap3A_188 = tpu.vector_load %arg7[%swap3A_186, %swap3A_187] {strides = array<i32>} : memref<32x32xf32, #tpu.memory_space<vmem>>, vector<1x16xf32>,
    %swap3A_189 = vector.shape_cast %swap3A_188 : vector<1x16xf32> to vector<16xf32>
    %swap3A_190 = vector.shape_cast %scan3A_76#18 : vector<16xf32> to vector<1x16xf32>
    tpu.vector_store %arg7[%swap3A_186, %swap3A_187], %swap3A_190 {strides = array<i32>} : memref<32x32xf32, #tpu.memory_space<vmem>>, vector<1x16xf32>,
    %swap3A_191 = arith.constant 19 : i32
    %swap3A_192 = arith.index_cast %swap3A_191 : i32 to index
    %swap3A_193 = arith.constant 0 : index
    %swap3A_194 = tpu.vector_load %arg7[%swap3A_192, %swap3A_193] {strides = array<i32>} : memref<32x32xf32, #tpu.memory_space<vmem>>, vector<1x16xf32>,
    %swap3A_195 = vector.shape_cast %swap3A_194 : vector<1x16xf32> to vector<16xf32>
    %swap3A_196 = vector.shape_cast %scan3A_76#19 : vector<16xf32> to vector<1x16xf32>
    tpu.vector_store %arg7[%swap3A_192, %swap3A_193], %swap3A_196 {strides = array<i32>} : memref<32x32xf32, #tpu.memory_space<vmem>>, vector<1x16xf32>,
    %swap3A_197 = arith.constant 20 : i32
    %swap3A_198 = arith.index_cast %swap3A_197 : i32 to index
    %swap3A_199 = arith.constant 0 : index
    %swap3A_200 = tpu.vector_load %arg7[%swap3A_198, %swap3A_199] {strides = array<i32>} : memref<32x32xf32, #tpu.memory_space<vmem>>, vector<1x16xf32>,
    %swap3A_201 = vector.shape_cast %swap3A_200 : vector<1x16xf32> to vector<16xf32>
    %swap3A_202 = vector.shape_cast %scan3A_76#20 : vector<16xf32> to vector<1x16xf32>
    tpu.vector_store %arg7[%swap3A_198, %swap3A_199], %swap3A_202 {strides = array<i32>} : memref<32x32xf32, #tpu.memory_space<vmem>>, vector<1x16xf32>,
    %swap3A_203 = arith.constant 21 : i32
    %swap3A_204 = arith.index_cast %swap3A_203 : i32 to index
    %swap3A_205 = arith.constant 0 : index
    %swap3A_206 = tpu.vector_load %arg7[%swap3A_204, %swap3A_205] {strides = array<i32>} : memref<32x32xf32, #tpu.memory_space<vmem>>, vector<1x16xf32>,
    %swap3A_207 = vector.shape_cast %swap3A_206 : vector<1x16xf32> to vector<16xf32>
    %swap3A_208 = vector.shape_cast %scan3A_76#21 : vector<16xf32> to vector<1x16xf32>
    tpu.vector_store %arg7[%swap3A_204, %swap3A_205], %swap3A_208 {strides = array<i32>} : memref<32x32xf32, #tpu.memory_space<vmem>>, vector<1x16xf32>,
    %swap3A_209 = arith.constant 22 : i32
    %swap3A_210 = arith.index_cast %swap3A_209 : i32 to index
    %swap3A_211 = arith.constant 0 : index
    %swap3A_212 = tpu.vector_load %arg7[%swap3A_210, %swap3A_211] {strides = array<i32>} : memref<32x32xf32, #tpu.memory_space<vmem>>, vector<1x16xf32>,
    %swap3A_213 = vector.shape_cast %swap3A_212 : vector<1x16xf32> to vector<16xf32>
    %swap3A_214 = vector.shape_cast %scan3A_76#22 : vector<16xf32> to vector<1x16xf32>
    tpu.vector_store %arg7[%swap3A_210, %swap3A_211], %swap3A_214 {strides = array<i32>} : memref<32x32xf32, #tpu.memory_space<vmem>>, vector<1x16xf32>,
    %swap3A_215 = arith.constant 23 : i32
    %swap3A_216 = arith.index_cast %swap3A_215 : i32 to index
    %swap3A_217 = arith.constant 0 : index
    %swap3A_218 = tpu.vector_load %arg7[%swap3A_216, %swap3A_217] {strides = array<i32>} : memref<32x32xf32, #tpu.memory_space<vmem>>, vector<1x16xf32>,
    %swap3A_219 = vector.shape_cast %swap3A_218 : vector<1x16xf32> to vector<16xf32>
    %swap3A_220 = vector.shape_cast %scan3A_76#23 : vector<16xf32> to vector<1x16xf32>
    tpu.vector_store %arg7[%swap3A_216, %swap3A_217], %swap3A_220 {strides = array<i32>} : memref<32x32xf32, #tpu.memory_space<vmem>>, vector<1x16xf32>,
    %swap3A_221 = arith.constant 24 : i32
    %swap3A_222 = arith.index_cast %swap3A_221 : i32 to index
    %swap3A_223 = arith.constant 0 : index
    %swap3A_224 = tpu.vector_load %arg7[%swap3A_222, %swap3A_223] {strides = array<i32>} : memref<32x32xf32, #tpu.memory_space<vmem>>, vector<1x16xf32>,
    %swap3A_225 = vector.shape_cast %swap3A_224 : vector<1x16xf32> to vector<16xf32>
    %swap3A_226 = vector.shape_cast %scan3A_76#24 : vector<16xf32> to vector<1x16xf32>
    tpu.vector_store %arg7[%swap3A_222, %swap3A_223], %swap3A_226 {strides = array<i32>} : memref<32x32xf32, #tpu.memory_space<vmem>>, vector<1x16xf32>,
    %swap3A_227 = arith.constant 25 : i32
    %swap3A_228 = arith.index_cast %swap3A_227 : i32 to index
    %swap3A_229 = arith.constant 0 : index
    %swap3A_230 = tpu.vector_load %arg7[%swap3A_228, %swap3A_229] {strides = array<i32>} : memref<32x32xf32, #tpu.memory_space<vmem>>, vector<1x16xf32>,
    %swap3A_231 = vector.shape_cast %swap3A_230 : vector<1x16xf32> to vector<16xf32>
    %swap3A_232 = vector.shape_cast %scan3A_76#25 : vector<16xf32> to vector<1x16xf32>
    tpu.vector_store %arg7[%swap3A_228, %swap3A_229], %swap3A_232 {strides = array<i32>} : memref<32x32xf32, #tpu.memory_space<vmem>>, vector<1x16xf32>,
    %swap3A_233 = arith.constant 26 : i32
    %swap3A_234 = arith.index_cast %swap3A_233 : i32 to index
    %swap3A_235 = arith.constant 0 : index
    %swap3A_236 = tpu.vector_load %arg7[%swap3A_234, %swap3A_235] {strides = array<i32>} : memref<32x32xf32, #tpu.memory_space<vmem>>, vector<1x16xf32>,
    %swap3A_237 = vector.shape_cast %swap3A_236 : vector<1x16xf32> to vector<16xf32>
    %swap3A_238 = vector.shape_cast %scan3A_76#26 : vector<16xf32> to vector<1x16xf32>
    tpu.vector_store %arg7[%swap3A_234, %swap3A_235], %swap3A_238 {strides = array<i32>} : memref<32x32xf32, #tpu.memory_space<vmem>>, vector<1x16xf32>,
    %swap3A_239 = arith.constant 27 : i32
    %swap3A_240 = arith.index_cast %swap3A_239 : i32 to index
    %swap3A_241 = arith.constant 0 : index
    %swap3A_242 = tpu.vector_load %arg7[%swap3A_240, %swap3A_241] {strides = array<i32>} : memref<32x32xf32, #tpu.memory_space<vmem>>, vector<1x16xf32>,
    %swap3A_243 = vector.shape_cast %swap3A_242 : vector<1x16xf32> to vector<16xf32>
    %swap3A_244 = vector.shape_cast %scan3A_76#27 : vector<16xf32> to vector<1x16xf32>
    tpu.vector_store %arg7[%swap3A_240, %swap3A_241], %swap3A_244 {strides = array<i32>} : memref<32x32xf32, #tpu.memory_space<vmem>>, vector<1x16xf32>,
    %swap3A_245 = arith.constant 28 : i32
    %swap3A_246 = arith.index_cast %swap3A_245 : i32 to index
    %swap3A_247 = arith.constant 0 : index
    %swap3A_248 = tpu.vector_load %arg7[%swap3A_246, %swap3A_247] {strides = array<i32>} : memref<32x32xf32, #tpu.memory_space<vmem>>, vector<1x16xf32>,
    %swap3A_249 = vector.shape_cast %swap3A_248 : vector<1x16xf32> to vector<16xf32>
    %swap3A_250 = vector.shape_cast %scan3A_76#28 : vector<16xf32> to vector<1x16xf32>
    tpu.vector_store %arg7[%swap3A_246, %swap3A_247], %swap3A_250 {strides = array<i32>} : memref<32x32xf32, #tpu.memory_space<vmem>>, vector<1x16xf32>,
    %swap3A_251 = arith.constant 29 : i32
    %swap3A_252 = arith.index_cast %swap3A_251 : i32 to index
    %swap3A_253 = arith.constant 0 : index
    %swap3A_254 = tpu.vector_load %arg7[%swap3A_252, %swap3A_253] {strides = array<i32>} : memref<32x32xf32, #tpu.memory_space<vmem>>, vector<1x16xf32>,
    %swap3A_255 = vector.shape_cast %swap3A_254 : vector<1x16xf32> to vector<16xf32>
    %swap3A_256 = vector.shape_cast %scan3A_76#29 : vector<16xf32> to vector<1x16xf32>
    tpu.vector_store %arg7[%swap3A_252, %swap3A_253], %swap3A_256 {strides = array<i32>} : memref<32x32xf32, #tpu.memory_space<vmem>>, vector<1x16xf32>,
    %swap3A_257 = arith.constant 30 : i32
    %swap3A_258 = arith.index_cast %swap3A_257 : i32 to index
    %swap3A_259 = arith.constant 0 : index
    %swap3A_260 = tpu.vector_load %arg7[%swap3A_258, %swap3A_259] {strides = array<i32>} : memref<32x32xf32, #tpu.memory_space<vmem>>, vector<1x16xf32>,
    %swap3A_261 = vector.shape_cast %swap3A_260 : vector<1x16xf32> to vector<16xf32>
    %swap3A_262 = vector.shape_cast %scan3A_76#30 : vector<16xf32> to vector<1x16xf32>
    tpu.vector_store %arg7[%swap3A_258, %swap3A_259], %swap3A_262 {strides = array<i32>} : memref<32x32xf32, #tpu.memory_space<vmem>>, vector<1x16xf32>,
    %swap3A_263 = arith.constant 31 : i32
    %swap3A_264 = arith.index_cast %swap3A_263 : i32 to index
    %swap3A_265 = arith.constant 0 : index
    %swap3A_266 = tpu.vector_load %arg7[%swap3A_264, %swap3A_265] {strides = array<i32>} : memref<32x32xf32, #tpu.memory_space<vmem>>, vector<1x16xf32>,
    %swap3A_267 = vector.shape_cast %swap3A_266 : vector<1x16xf32> to vector<16xf32>
    %swap3A_268 = vector.shape_cast %scan3A_76#31 : vector<16xf32> to vector<1x16xf32>
    tpu.vector_store %arg7[%swap3A_264, %swap3A_265], %swap3A_268 {strides = array<i32>} : memref<32x32xf32, #tpu.memory_space<vmem>>, vector<1x16xf32>,
    %scan3A_269 = arith.constant 0 : i32
    %scan3A_270 = arith.constant 20 : i32
    %scan3A_271 = arith.addi %scan3A_269, %scan3A_270 : i32
    %scan3A_272 = arith.constant 4 : i32
    %scan3A_273:32 = scf.for %scan3A_467 = %scan3A_269 to %scan3A_271 step %scan3A_272 iter_args(%scan3A_468 = %broadcast_in_dim3A_9, %scan3A_469 = %broadcast_in_dim3A_7, %scan3A_470 = %broadcast_in_dim3A_7, %scan3A_471 = %broadcast_in_dim3A_7, %scan3A_472 = %broadcast_in_dim3A_7, %scan3A_473 = %broadcast_in_dim3A_9, %scan3A_474 = %broadcast_in_dim3A_7, %scan3A_475 = %broadcast_in_dim3A_7, %scan3A_476 = %broadcast_in_dim3A_7, %scan3A_477 = %broadcast_in_dim3A_7, %scan3A_478 = %broadcast_in_dim3A_9, %scan3A_479 = %broadcast_in_dim3A_7, %scan3A_480 = %broadcast_in_dim3A_7, %scan3A_481 = %broadcast_in_dim3A_7, %scan3A_482 = %broadcast_in_dim3A_7, %scan3A_483 = %broadcast_in_dim3A_9, %scan3A_484 = %broadcast_in_dim3A_9, %scan3A_485 = %broadcast_in_dim3A_7, %scan3A_486 = %broadcast_in_dim3A_7, %scan3A_487 = %broadcast_in_dim3A_7, %scan3A_488 = %broadcast_in_dim3A_7, %scan3A_489 = %broadcast_in_dim3A_9, %scan3A_490 = %broadcast_in_dim3A_7, %scan3A_491 = %broadcast_in_dim3A_7, %scan3A_492 = %broadcast_in_dim3A_7, %scan3A_493 = %broadcast_in_dim3A_7, %scan3A_494 = %broadcast_in_dim3A_9, %scan3A_495 = %broadcast_in_dim3A_7, %scan3A_496 = %broadcast_in_dim3A_7, %scan3A_497 = %broadcast_in_dim3A_7, %scan3A_498 = %broadcast_in_dim3A_7, %scan3A_499 = %broadcast_in_dim3A_9) -> (vector<16xf32>, vector<16xf32>, vector<16xf32>, vector<16xf32>, vector<16xf32>, vector<16xf32>, vector<16xf32>, vector<16xf32>, vector<16xf32>, vector<16xf32>, vector<16xf32>, vector<16xf32>, vector<16xf32>, vector<16xf32>, vector<16xf32>, vector<16xf32>, vector<16xf32>, vector<16xf32>, vector<16xf32>, vector<16xf32>, vector<16xf32>, vector<16xf32>, vector<16xf32>, vector<16xf32>, vector<16xf32>, vector<16xf32>, vector<16xf32>, vector<16xf32>, vector<16xf32>, vector<16xf32>, vector<16xf32>, vector<16xf32>)  : i32 {
      %mul3A_500 = arith.constant 2 : i32
      %mul3A_501 = arith.muli %scan3A_467, %mul3A_500 : i32
      %add3A_502 = arith.constant 1 : i32
      %add3A_503 = arith.addi %mul3A_501, %add3A_502 : i32
      %get3A_504 = arith.index_cast %add3A_503 : i32 to index
      %get3A_505 = arith.constant 0 : index
      %get3A_506 = tpu.vector_load %arg5[%get3A_504, %get3A_505] {strides = array<i32>} : memref<40x16xi32, #tpu.memory_space<vmem>>, vector<1x16xi32>,
      %get3A_507 = vector.shape_cast %get3A_506 : vector<1x16xi32> to vector<16xi32>
      %ne3A = arith.cmpi ne, %get3A_507, %broadcast_in_dim3A_1 : vector<16xi32>
      %abs3A = math.absi %get3A_507 : vector<16xi32>
      %sub3A = arith.subi %abs3A, %broadcast_in_dim3A_3 : vector<16xi32>
      %max3A = arith.maxsi %sub3A, %broadcast_in_dim3A_1 : vector<16xi32>
      %lt3A = arith.cmpi slt, %get3A_507, %broadcast_in_dim3A_1 : vector<16xi32>
      %select_n3A = arith.select %lt3A, %broadcast_in_dim3A_11, %broadcast_in_dim3A_9 : vector<16xi1>, vector<16xf32>
      %eq3A = arith.cmpi eq, %max3A, %broadcast_in_dim3A_1 : vector<16xi32>
      %and3A = arith.andi %ne3A, %eq3A : vector<16xi1>
      %eq3A_508 = arith.cmpi eq, %max3A, %broadcast_in_dim3A_3 : vector<16xi32>
      %and3A_509 = arith.andi %ne3A, %eq3A_508 : vector<16xi1>
      %eq3A_510 = arith.cmpi eq, %max3A, %broadcast_in_dim3A_72 : vector<16xi32>
      %and3A_511 = arith.andi %ne3A, %eq3A_510 : vector<16xi1>
      %select_n3A_512 = arith.select %and3A, %get3A_15, %broadcast_in_dim3A_9 : vector<16xi1>, vector<16xf32>
      %select_n3A_513 = arith.select %and3A, %get3A_45, %broadcast_in_dim3A_7 : vector<16xi1>, vector<16xf32>
      %mul3A_514 = arith.mulf %select_n3A_513, %select_n3A : vector<16xf32>
      %select_n3A_515 = arith.select %and3A_509, %get3A_20, %broadcast_in_dim3A_9 : vector<16xi1>, vector<16xf32>
      %select_n3A_516 = arith.select %and3A_509, %get3A_50, %broadcast_in_dim3A_7 : vector<16xi1>, vector<16xf32>
      %mul3A_517 = arith.mulf %select_n3A_516, %select_n3A : vector<16xf32>
      %select_n3A_518 = arith.select %and3A_511, %get3A_25, %broadcast_in_dim3A_9 : vector<16xi1>, vector<16xf32>
      %select_n3A_519 = arith.select %and3A_511, %get3A_55, %broadcast_in_dim3A_7 : vector<16xi1>, vector<16xf32>
      %mul3A_520 = arith.mulf %select_n3A_519, %select_n3A : vector<16xf32>
      %select_n3A_521 = arith.select %and3A, %get3A_30, %broadcast_in_dim3A_9 : vector<16xi1>, vector<16xf32>
      %select_n3A_522 = arith.select %and3A, %get3A_60, %broadcast_in_dim3A_7 : vector<16xi1>, vector<16xf32>
      %mul3A_523 = arith.mulf %select_n3A_522, %select_n3A : vector<16xf32>
      %select_n3A_524 = arith.select %and3A_509, %get3A_35, %broadcast_in_dim3A_9 : vector<16xi1>, vector<16xf32>
      %select_n3A_525 = arith.select %and3A_509, %get3A_65, %broadcast_in_dim3A_7 : vector<16xi1>, vector<16xf32>
      %mul3A_526 = arith.mulf %select_n3A_525, %select_n3A : vector<16xf32>
      %select_n3A_527 = arith.select %and3A_511, %get3A_40, %broadcast_in_dim3A_9 : vector<16xi1>, vector<16xf32>
      %select_n3A_528 = arith.select %and3A_511, %get3A_70, %broadcast_in_dim3A_7 : vector<16xi1>, vector<16xf32>
      %mul3A_529 = arith.mulf %select_n3A_528, %select_n3A : vector<16xf32>
      %mul3A_530 = arith.mulf %scan3A_468, %select_n3A_512 : vector<16xf32>
      %mul3A_531 = arith.mulf %scan3A_472, %mul3A_514 : vector<16xf32>
      %sub3A_532 = arith.subf %mul3A_530, %mul3A_531 : vector<16xf32>
      %mul3A_533 = arith.mulf %scan3A_468, %mul3A_514 : vector<16xf32>
      %mul3A_534 = arith.mulf %scan3A_472, %select_n3A_512 : vector<16xf32>
      %add3A_535 = arith.addf %mul3A_533, %mul3A_534 : vector<16xf32>
      %mul3A_536 = arith.mulf %scan3A_469, %select_n3A_512 : vector<16xf32>
      %mul3A_537 = arith.mulf %scan3A_473, %mul3A_514 : vector<16xf32>
      %sub3A_538 = arith.subf %mul3A_536, %mul3A_537 : vector<16xf32>
      %mul3A_539 = arith.mulf %scan3A_469, %mul3A_514 : vector<16xf32>
      %mul3A_540 = arith.mulf %scan3A_473, %select_n3A_512 : vector<16xf32>
      %add3A_541 = arith.addf %mul3A_539, %mul3A_540 : vector<16xf32>
      %mul3A_542 = arith.mulf %scan3A_470, %select_n3A_512 : vector<16xf32>
      %mul3A_543 = arith.mulf %scan3A_474, %mul3A_514 : vector<16xf32>
      %sub3A_544 = arith.subf %mul3A_542, %mul3A_543 : vector<16xf32>
      %mul3A_545 = arith.mulf %scan3A_470, %mul3A_514 : vector<16xf32>
      %mul3A_546 = arith.mulf %scan3A_474, %select_n3A_512 : vector<16xf32>
      %add3A_547 = arith.addf %mul3A_545, %mul3A_546 : vector<16xf32>
      %mul3A_548 = arith.mulf %scan3A_471, %select_n3A_512 : vector<16xf32>
      %mul3A_549 = arith.mulf %scan3A_475, %mul3A_514 : vector<16xf32>
      %sub3A_550 = arith.subf %mul3A_548, %mul3A_549 : vector<16xf32>
      %mul3A_551 = arith.mulf %scan3A_471, %mul3A_514 : vector<16xf32>
      %mul3A_552 = arith.mulf %scan3A_475, %select_n3A_512 : vector<16xf32>
      %add3A_553 = arith.addf %mul3A_551, %mul3A_552 : vector<16xf32>
      %mul3A_554 = arith.mulf %add3A_535, %select_n3A_515 : vector<16xf32>
      %mul3A_555 = arith.mulf %scan3A_476, %mul3A_517 : vector<16xf32>
      %sub3A_556 = arith.subf %mul3A_554, %mul3A_555 : vector<16xf32>
      %mul3A_557 = arith.mulf %add3A_535, %mul3A_517 : vector<16xf32>
      %mul3A_558 = arith.mulf %scan3A_476, %select_n3A_515 : vector<16xf32>
      %add3A_559 = arith.addf %mul3A_557, %mul3A_558 : vector<16xf32>
      %mul3A_560 = arith.mulf %add3A_541, %select_n3A_515 : vector<16xf32>
      %mul3A_561 = arith.mulf %scan3A_477, %mul3A_517 : vector<16xf32>
      %sub3A_562 = arith.subf %mul3A_560, %mul3A_561 : vector<16xf32>
      %mul3A_563 = arith.mulf %add3A_541, %mul3A_517 : vector<16xf32>
      %mul3A_564 = arith.mulf %scan3A_477, %select_n3A_515 : vector<16xf32>
      %add3A_565 = arith.addf %mul3A_563, %mul3A_564 : vector<16xf32>
      %mul3A_566 = arith.mulf %add3A_547, %select_n3A_515 : vector<16xf32>
      %mul3A_567 = arith.mulf %scan3A_478, %mul3A_517 : vector<16xf32>
      %sub3A_568 = arith.subf %mul3A_566, %mul3A_567 : vector<16xf32>
      %mul3A_569 = arith.mulf %add3A_547, %mul3A_517 : vector<16xf32>
      %mul3A_570 = arith.mulf %scan3A_478, %select_n3A_515 : vector<16xf32>
      %add3A_571 = arith.addf %mul3A_569, %mul3A_570 : vector<16xf32>
      %mul3A_572 = arith.mulf %add3A_553, %select_n3A_515 : vector<16xf32>
      %mul3A_573 = arith.mulf %scan3A_479, %mul3A_517 : vector<16xf32>
      %sub3A_574 = arith.subf %mul3A_572, %mul3A_573 : vector<16xf32>
      %mul3A_575 = arith.mulf %add3A_553, %mul3A_517 : vector<16xf32>
      %mul3A_576 = arith.mulf %scan3A_479, %select_n3A_515 : vector<16xf32>
      %add3A_577 = arith.addf %mul3A_575, %mul3A_576 : vector<16xf32>
      %mul3A_578 = arith.mulf %add3A_559, %select_n3A_518 : vector<16xf32>
      %mul3A_579 = arith.mulf %scan3A_480, %mul3A_520 : vector<16xf32>
      %sub3A_580 = arith.subf %mul3A_578, %mul3A_579 : vector<16xf32>
      %mul3A_581 = arith.mulf %add3A_559, %mul3A_520 : vector<16xf32>
      %mul3A_582 = arith.mulf %scan3A_480, %select_n3A_518 : vector<16xf32>
      %add3A_583 = arith.addf %mul3A_581, %mul3A_582 : vector<16xf32>
      %mul3A_584 = arith.mulf %add3A_565, %select_n3A_518 : vector<16xf32>
      %mul3A_585 = arith.mulf %scan3A_481, %mul3A_520 : vector<16xf32>
      %sub3A_586 = arith.subf %mul3A_584, %mul3A_585 : vector<16xf32>
      %mul3A_587 = arith.mulf %add3A_565, %mul3A_520 : vector<16xf32>
      %mul3A_588 = arith.mulf %scan3A_481, %select_n3A_518 : vector<16xf32>
      %add3A_589 = arith.addf %mul3A_587, %mul3A_588 : vector<16xf32>
      %mul3A_590 = arith.mulf %add3A_571, %select_n3A_518 : vector<16xf32>
      %mul3A_591 = arith.mulf %scan3A_482, %mul3A_520 : vector<16xf32>
      %sub3A_592 = arith.subf %mul3A_590, %mul3A_591 : vector<16xf32>
      %mul3A_593 = arith.mulf %add3A_571, %mul3A_520 : vector<16xf32>
      %mul3A_594 = arith.mulf %scan3A_482, %select_n3A_518 : vector<16xf32>
      %add3A_595 = arith.addf %mul3A_593, %mul3A_594 : vector<16xf32>
      %mul3A_596 = arith.mulf %add3A_577, %select_n3A_518 : vector<16xf32>
      %mul3A_597 = arith.mulf %scan3A_483, %mul3A_520 : vector<16xf32>
      %sub3A_598 = arith.subf %mul3A_596, %mul3A_597 : vector<16xf32>
      %mul3A_599 = arith.mulf %add3A_577, %mul3A_520 : vector<16xf32>
      %mul3A_600 = arith.mulf %scan3A_483, %select_n3A_518 : vector<16xf32>
      %add3A_601 = arith.addf %mul3A_599, %mul3A_600 : vector<16xf32>
      %mul3A_602 = arith.mulf %scan3A_484, %select_n3A_521 : vector<16xf32>
      %mul3A_603 = arith.mulf %scan3A_488, %mul3A_523 : vector<16xf32>
      %sub3A_604 = arith.subf %mul3A_602, %mul3A_603 : vector<16xf32>
      %mul3A_605 = arith.mulf %scan3A_484, %mul3A_523 : vector<16xf32>
      %mul3A_606 = arith.mulf %scan3A_488, %select_n3A_521 : vector<16xf32>
      %add3A_607 = arith.addf %mul3A_605, %mul3A_606 : vector<16xf32>
      %mul3A_608 = arith.mulf %scan3A_485, %select_n3A_521 : vector<16xf32>
      %mul3A_609 = arith.mulf %scan3A_489, %mul3A_523 : vector<16xf32>
      %sub3A_610 = arith.subf %mul3A_608, %mul3A_609 : vector<16xf32>
      %mul3A_611 = arith.mulf %scan3A_485, %mul3A_523 : vector<16xf32>
      %mul3A_612 = arith.mulf %scan3A_489, %select_n3A_521 : vector<16xf32>
      %add3A_613 = arith.addf %mul3A_611, %mul3A_612 : vector<16xf32>
      %mul3A_614 = arith.mulf %scan3A_486, %select_n3A_521 : vector<16xf32>
      %mul3A_615 = arith.mulf %scan3A_490, %mul3A_523 : vector<16xf32>
      %sub3A_616 = arith.subf %mul3A_614, %mul3A_615 : vector<16xf32>
      %mul3A_617 = arith.mulf %scan3A_486, %mul3A_523 : vector<16xf32>
      %mul3A_618 = arith.mulf %scan3A_490, %select_n3A_521 : vector<16xf32>
      %add3A_619 = arith.addf %mul3A_617, %mul3A_618 : vector<16xf32>
      %mul3A_620 = arith.mulf %scan3A_487, %select_n3A_521 : vector<16xf32>
      %mul3A_621 = arith.mulf %scan3A_491, %mul3A_523 : vector<16xf32>
      %sub3A_622 = arith.subf %mul3A_620, %mul3A_621 : vector<16xf32>
      %mul3A_623 = arith.mulf %scan3A_487, %mul3A_523 : vector<16xf32>
      %mul3A_624 = arith.mulf %scan3A_491, %select_n3A_521 : vector<16xf32>
      %add3A_625 = arith.addf %mul3A_623, %mul3A_624 : vector<16xf32>
      %mul3A_626 = arith.mulf %add3A_607, %select_n3A_524 : vector<16xf32>
      %mul3A_627 = arith.mulf %scan3A_492, %mul3A_526 : vector<16xf32>
      %sub3A_628 = arith.subf %mul3A_626, %mul3A_627 : vector<16xf32>
      %mul3A_629 = arith.mulf %add3A_607, %mul3A_526 : vector<16xf32>
      %mul3A_630 = arith.mulf %scan3A_492, %select_n3A_524 : vector<16xf32>
      %add3A_631 = arith.addf %mul3A_629, %mul3A_630 : vector<16xf32>
      %mul3A_632 = arith.mulf %add3A_613, %select_n3A_524 : vector<16xf32>
      %mul3A_633 = arith.mulf %scan3A_493, %mul3A_526 : vector<16xf32>
      %sub3A_634 = arith.subf %mul3A_632, %mul3A_633 : vector<16xf32>
      %mul3A_635 = arith.mulf %add3A_613, %mul3A_526 : vector<16xf32>
      %mul3A_636 = arith.mulf %scan3A_493, %select_n3A_524 : vector<16xf32>
      %add3A_637 = arith.addf %mul3A_635, %mul3A_636 : vector<16xf32>
      %mul3A_638 = arith.mulf %add3A_619, %select_n3A_524 : vector<16xf32>
      %mul3A_639 = arith.mulf %scan3A_494, %mul3A_526 : vector<16xf32>
      %sub3A_640 = arith.subf %mul3A_638, %mul3A_639 : vector<16xf32>
      %mul3A_641 = arith.mulf %add3A_619, %mul3A_526 : vector<16xf32>
      %mul3A_642 = arith.mulf %scan3A_494, %select_n3A_524 : vector<16xf32>
      %add3A_643 = arith.addf %mul3A_641, %mul3A_642 : vector<16xf32>
      %mul3A_644 = arith.mulf %add3A_625, %select_n3A_524 : vector<16xf32>
      %mul3A_645 = arith.mulf %scan3A_495, %mul3A_526 : vector<16xf32>
      %sub3A_646 = arith.subf %mul3A_644, %mul3A_645 : vector<16xf32>
      %mul3A_647 = arith.mulf %add3A_625, %mul3A_526 : vector<16xf32>
      %mul3A_648 = arith.mulf %scan3A_495, %select_n3A_524 : vector<16xf32>
      %add3A_649 = arith.addf %mul3A_647, %mul3A_648 : vector<16xf32>
      %mul3A_650 = arith.mulf %add3A_631, %select_n3A_527 : vector<16xf32>
      %mul3A_651 = arith.mulf %scan3A_496, %mul3A_529 : vector<16xf32>
      %sub3A_652 = arith.subf %mul3A_650, %mul3A_651 : vector<16xf32>
      %mul3A_653 = arith.mulf %add3A_631, %mul3A_529 : vector<16xf32>
      %mul3A_654 = arith.mulf %scan3A_496, %select_n3A_527 : vector<16xf32>
      %add3A_655 = arith.addf %mul3A_653, %mul3A_654 : vector<16xf32>
      %mul3A_656 = arith.mulf %add3A_637, %select_n3A_527 : vector<16xf32>
      %mul3A_657 = arith.mulf %scan3A_497, %mul3A_529 : vector<16xf32>
      %sub3A_658 = arith.subf %mul3A_656, %mul3A_657 : vector<16xf32>
      %mul3A_659 = arith.mulf %add3A_637, %mul3A_529 : vector<16xf32>
      %mul3A_660 = arith.mulf %scan3A_497, %select_n3A_527 : vector<16xf32>
      %add3A_661 = arith.addf %mul3A_659, %mul3A_660 : vector<16xf32>
      %mul3A_662 = arith.mulf %add3A_643, %select_n3A_527 : vector<16xf32>
      %mul3A_663 = arith.mulf %scan3A_498, %mul3A_529 : vector<16xf32>
      %sub3A_664 = arith.subf %mul3A_662, %mul3A_663 : vector<16xf32>
      %mul3A_665 = arith.mulf %add3A_643, %mul3A_529 : vector<16xf32>
      %mul3A_666 = arith.mulf %scan3A_498, %select_n3A_527 : vector<16xf32>
      %add3A_667 = arith.addf %mul3A_665, %mul3A_666 : vector<16xf32>
      %mul3A_668 = arith.mulf %add3A_649, %select_n3A_527 : vector<16xf32>
      %mul3A_669 = arith.mulf %scan3A_499, %mul3A_529 : vector<16xf32>
      %sub3A_670 = arith.subf %mul3A_668, %mul3A_669 : vector<16xf32>
      %mul3A_671 = arith.mulf %add3A_649, %mul3A_529 : vector<16xf32>
      %mul3A_672 = arith.mulf %scan3A_499, %select_n3A_527 : vector<16xf32>
      %add3A_673 = arith.addf %mul3A_671, %mul3A_672 : vector<16xf32>
      %scan3A_674 = arith.constant 1 : i32
      %scan3A_675 = arith.addi %scan3A_467, %scan3A_674 : i32
      %mul3A_676 = arith.constant 2 : i32
      %mul3A_677 = arith.muli %scan3A_675, %mul3A_676 : i32
      %add3A_678 = arith.constant 1 : i32
      %add3A_679 = arith.addi %mul3A_677, %add3A_678 : i32
      %get3A_680 = arith.index_cast %add3A_679 : i32 to index
      %get3A_681 = arith.constant 0 : index
      %get3A_682 = tpu.vector_load %arg5[%get3A_680, %get3A_681] {strides = array<i32>} : memref<40x16xi32, #tpu.memory_space<vmem>>, vector<1x16xi32>,
      %get3A_683 = vector.shape_cast %get3A_682 : vector<1x16xi32> to vector<16xi32>
      %ne3A_684 = arith.cmpi ne, %get3A_683, %broadcast_in_dim3A_1 : vector<16xi32>
      %abs3A_685 = math.absi %get3A_683 : vector<16xi32>
      %sub3A_686 = arith.subi %abs3A_685, %broadcast_in_dim3A_3 : vector<16xi32>
      %max3A_687 = arith.maxsi %sub3A_686, %broadcast_in_dim3A_1 : vector<16xi32>
      %lt3A_688 = arith.cmpi slt, %get3A_683, %broadcast_in_dim3A_1 : vector<16xi32>
      %select_n3A_689 = arith.select %lt3A_688, %broadcast_in_dim3A_11, %broadcast_in_dim3A_9 : vector<16xi1>, vector<16xf32>
      %eq3A_690 = arith.cmpi eq, %max3A_687, %broadcast_in_dim3A_1 : vector<16xi32>
      %and3A_691 = arith.andi %ne3A_684, %eq3A_690 : vector<16xi1>
      %eq3A_692 = arith.cmpi eq, %max3A_687, %broadcast_in_dim3A_3 : vector<16xi32>
      %and3A_693 = arith.andi %ne3A_684, %eq3A_692 : vector<16xi1>
      %eq3A_694 = arith.cmpi eq, %max3A_687, %broadcast_in_dim3A_72 : vector<16xi32>
      %and3A_695 = arith.andi %ne3A_684, %eq3A_694 : vector<16xi1>
      %select_n3A_696 = arith.select %and3A_691, %get3A_15, %broadcast_in_dim3A_9 : vector<16xi1>, vector<16xf32>
      %select_n3A_697 = arith.select %and3A_691, %get3A_45, %broadcast_in_dim3A_7 : vector<16xi1>, vector<16xf32>
      %mul3A_698 = arith.mulf %select_n3A_697, %select_n3A_689 : vector<16xf32>
      %select_n3A_699 = arith.select %and3A_693, %get3A_20, %broadcast_in_dim3A_9 : vector<16xi1>, vector<16xf32>
      %select_n3A_700 = arith.select %and3A_693, %get3A_50, %broadcast_in_dim3A_7 : vector<16xi1>, vector<16xf32>
      %mul3A_701 = arith.mulf %select_n3A_700, %select_n3A_689 : vector<16xf32>
      %select_n3A_702 = arith.select %and3A_695, %get3A_25, %broadcast_in_dim3A_9 : vector<16xi1>, vector<16xf32>
      %select_n3A_703 = arith.select %and3A_695, %get3A_55, %broadcast_in_dim3A_7 : vector<16xi1>, vector<16xf32>
      %mul3A_704 = arith.mulf %select_n3A_703, %select_n3A_689 : vector<16xf32>
      %select_n3A_705 = arith.select %and3A_691, %get3A_30, %broadcast_in_dim3A_9 : vector<16xi1>, vector<16xf32>
      %select_n3A_706 = arith.select %and3A_691, %get3A_60, %broadcast_in_dim3A_7 : vector<16xi1>, vector<16xf32>
      %mul3A_707 = arith.mulf %select_n3A_706, %select_n3A_689 : vector<16xf32>
      %select_n3A_708 = arith.select %and3A_693, %get3A_35, %broadcast_in_dim3A_9 : vector<16xi1>, vector<16xf32>
      %select_n3A_709 = arith.select %and3A_693, %get3A_65, %broadcast_in_dim3A_7 : vector<16xi1>, vector<16xf32>
      %mul3A_710 = arith.mulf %select_n3A_709, %select_n3A_689 : vector<16xf32>
      %select_n3A_711 = arith.select %and3A_695, %get3A_40, %broadcast_in_dim3A_9 : vector<16xi1>, vector<16xf32>
      %select_n3A_712 = arith.select %and3A_695, %get3A_70, %broadcast_in_dim3A_7 : vector<16xi1>, vector<16xf32>
      %mul3A_713 = arith.mulf %select_n3A_712, %select_n3A_689 : vector<16xf32>
      %mul3A_714 = arith.mulf %sub3A_532, %select_n3A_696 : vector<16xf32>
      %mul3A_715 = arith.mulf %sub3A_556, %mul3A_698 : vector<16xf32>
      %sub3A_716 = arith.subf %mul3A_714, %mul3A_715 : vector<16xf32>
      %mul3A_717 = arith.mulf %sub3A_532, %mul3A_698 : vector<16xf32>
      %mul3A_718 = arith.mulf %sub3A_556, %select_n3A_696 : vector<16xf32>
      %add3A_719 = arith.addf %mul3A_717, %mul3A_718 : vector<16xf32>
      %mul3A_720 = arith.mulf %sub3A_538, %select_n3A_696 : vector<16xf32>
      %mul3A_721 = arith.mulf %sub3A_562, %mul3A_698 : vector<16xf32>
      %sub3A_722 = arith.subf %mul3A_720, %mul3A_721 : vector<16xf32>
      %mul3A_723 = arith.mulf %sub3A_538, %mul3A_698 : vector<16xf32>
      %mul3A_724 = arith.mulf %sub3A_562, %select_n3A_696 : vector<16xf32>
      %add3A_725 = arith.addf %mul3A_723, %mul3A_724 : vector<16xf32>
      %mul3A_726 = arith.mulf %sub3A_544, %select_n3A_696 : vector<16xf32>
      %mul3A_727 = arith.mulf %sub3A_568, %mul3A_698 : vector<16xf32>
      %sub3A_728 = arith.subf %mul3A_726, %mul3A_727 : vector<16xf32>
      %mul3A_729 = arith.mulf %sub3A_544, %mul3A_698 : vector<16xf32>
      %mul3A_730 = arith.mulf %sub3A_568, %select_n3A_696 : vector<16xf32>
      %add3A_731 = arith.addf %mul3A_729, %mul3A_730 : vector<16xf32>
      %mul3A_732 = arith.mulf %sub3A_550, %select_n3A_696 : vector<16xf32>
      %mul3A_733 = arith.mulf %sub3A_574, %mul3A_698 : vector<16xf32>
      %sub3A_734 = arith.subf %mul3A_732, %mul3A_733 : vector<16xf32>
      %mul3A_735 = arith.mulf %sub3A_550, %mul3A_698 : vector<16xf32>
      %mul3A_736 = arith.mulf %sub3A_574, %select_n3A_696 : vector<16xf32>
      %add3A_737 = arith.addf %mul3A_735, %mul3A_736 : vector<16xf32>
      %mul3A_738 = arith.mulf %add3A_719, %select_n3A_699 : vector<16xf32>
      %mul3A_739 = arith.mulf %sub3A_580, %mul3A_701 : vector<16xf32>
      %sub3A_740 = arith.subf %mul3A_738, %mul3A_739 : vector<16xf32>
      %mul3A_741 = arith.mulf %add3A_719, %mul3A_701 : vector<16xf32>
      %mul3A_742 = arith.mulf %sub3A_580, %select_n3A_699 : vector<16xf32>
      %add3A_743 = arith.addf %mul3A_741, %mul3A_742 : vector<16xf32>
      %mul3A_744 = arith.mulf %add3A_725, %select_n3A_699 : vector<16xf32>
      %mul3A_745 = arith.mulf %sub3A_586, %mul3A_701 : vector<16xf32>
      %sub3A_746 = arith.subf %mul3A_744, %mul3A_745 : vector<16xf32>
      %mul3A_747 = arith.mulf %add3A_725, %mul3A_701 : vector<16xf32>
      %mul3A_748 = arith.mulf %sub3A_586, %select_n3A_699 : vector<16xf32>
      %add3A_749 = arith.addf %mul3A_747, %mul3A_748 : vector<16xf32>
      %mul3A_750 = arith.mulf %add3A_731, %select_n3A_699 : vector<16xf32>
      %mul3A_751 = arith.mulf %sub3A_592, %mul3A_701 : vector<16xf32>
      %sub3A_752 = arith.subf %mul3A_750, %mul3A_751 : vector<16xf32>
      %mul3A_753 = arith.mulf %add3A_731, %mul3A_701 : vector<16xf32>
      %mul3A_754 = arith.mulf %sub3A_592, %select_n3A_699 : vector<16xf32>
      %add3A_755 = arith.addf %mul3A_753, %mul3A_754 : vector<16xf32>
      %mul3A_756 = arith.mulf %add3A_737, %select_n3A_699 : vector<16xf32>
      %mul3A_757 = arith.mulf %sub3A_598, %mul3A_701 : vector<16xf32>
      %sub3A_758 = arith.subf %mul3A_756, %mul3A_757 : vector<16xf32>
      %mul3A_759 = arith.mulf %add3A_737, %mul3A_701 : vector<16xf32>
      %mul3A_760 = arith.mulf %sub3A_598, %select_n3A_699 : vector<16xf32>
      %add3A_761 = arith.addf %mul3A_759, %mul3A_760 : vector<16xf32>
      %mul3A_762 = arith.mulf %add3A_743, %select_n3A_702 : vector<16xf32>
      %mul3A_763 = arith.mulf %add3A_583, %mul3A_704 : vector<16xf32>
      %sub3A_764 = arith.subf %mul3A_762, %mul3A_763 : vector<16xf32>
      %mul3A_765 = arith.mulf %add3A_743, %mul3A_704 : vector<16xf32>
      %mul3A_766 = arith.mulf %add3A_583, %select_n3A_702 : vector<16xf32>
      %add3A_767 = arith.addf %mul3A_765, %mul3A_766 : vector<16xf32>
      %mul3A_768 = arith.mulf %add3A_749, %select_n3A_702 : vector<16xf32>
      %mul3A_769 = arith.mulf %add3A_589, %mul3A_704 : vector<16xf32>
      %sub3A_770 = arith.subf %mul3A_768, %mul3A_769 : vector<16xf32>
      %mul3A_771 = arith.mulf %add3A_749, %mul3A_704 : vector<16xf32>
      %mul3A_772 = arith.mulf %add3A_589, %select_n3A_702 : vector<16xf32>
      %add3A_773 = arith.addf %mul3A_771, %mul3A_772 : vector<16xf32>
      %mul3A_774 = arith.mulf %add3A_755, %select_n3A_702 : vector<16xf32>
      %mul3A_775 = arith.mulf %add3A_595, %mul3A_704 : vector<16xf32>
      %sub3A_776 = arith.subf %mul3A_774, %mul3A_775 : vector<16xf32>
      %mul3A_777 = arith.mulf %add3A_755, %mul3A_704 : vector<16xf32>
      %mul3A_778 = arith.mulf %add3A_595, %select_n3A_702 : vector<16xf32>
      %add3A_779 = arith.addf %mul3A_777, %mul3A_778 : vector<16xf32>
      %mul3A_780 = arith.mulf %add3A_761, %select_n3A_702 : vector<16xf32>
      %mul3A_781 = arith.mulf %add3A_601, %mul3A_704 : vector<16xf32>
      %sub3A_782 = arith.subf %mul3A_780, %mul3A_781 : vector<16xf32>
      %mul3A_783 = arith.mulf %add3A_761, %mul3A_704 : vector<16xf32>
      %mul3A_784 = arith.mulf %add3A_601, %select_n3A_702 : vector<16xf32>
      %add3A_785 = arith.addf %mul3A_783, %mul3A_784 : vector<16xf32>
      %mul3A_786 = arith.mulf %sub3A_604, %select_n3A_705 : vector<16xf32>
      %mul3A_787 = arith.mulf %sub3A_628, %mul3A_707 : vector<16xf32>
      %sub3A_788 = arith.subf %mul3A_786, %mul3A_787 : vector<16xf32>
      %mul3A_789 = arith.mulf %sub3A_604, %mul3A_707 : vector<16xf32>
      %mul3A_790 = arith.mulf %sub3A_628, %select_n3A_705 : vector<16xf32>
      %add3A_791 = arith.addf %mul3A_789, %mul3A_790 : vector<16xf32>
      %mul3A_792 = arith.mulf %sub3A_610, %select_n3A_705 : vector<16xf32>
      %mul3A_793 = arith.mulf %sub3A_634, %mul3A_707 : vector<16xf32>
      %sub3A_794 = arith.subf %mul3A_792, %mul3A_793 : vector<16xf32>
      %mul3A_795 = arith.mulf %sub3A_610, %mul3A_707 : vector<16xf32>
      %mul3A_796 = arith.mulf %sub3A_634, %select_n3A_705 : vector<16xf32>
      %add3A_797 = arith.addf %mul3A_795, %mul3A_796 : vector<16xf32>
      %mul3A_798 = arith.mulf %sub3A_616, %select_n3A_705 : vector<16xf32>
      %mul3A_799 = arith.mulf %sub3A_640, %mul3A_707 : vector<16xf32>
      %sub3A_800 = arith.subf %mul3A_798, %mul3A_799 : vector<16xf32>
      %mul3A_801 = arith.mulf %sub3A_616, %mul3A_707 : vector<16xf32>
      %mul3A_802 = arith.mulf %sub3A_640, %select_n3A_705 : vector<16xf32>
      %add3A_803 = arith.addf %mul3A_801, %mul3A_802 : vector<16xf32>
      %mul3A_804 = arith.mulf %sub3A_622, %select_n3A_705 : vector<16xf32>
      %mul3A_805 = arith.mulf %sub3A_646, %mul3A_707 : vector<16xf32>
      %sub3A_806 = arith.subf %mul3A_804, %mul3A_805 : vector<16xf32>
      %mul3A_807 = arith.mulf %sub3A_622, %mul3A_707 : vector<16xf32>
      %mul3A_808 = arith.mulf %sub3A_646, %select_n3A_705 : vector<16xf32>
      %add3A_809 = arith.addf %mul3A_807, %mul3A_808 : vector<16xf32>
      %mul3A_810 = arith.mulf %add3A_791, %select_n3A_708 : vector<16xf32>
      %mul3A_811 = arith.mulf %sub3A_652, %mul3A_710 : vector<16xf32>
      %sub3A_812 = arith.subf %mul3A_810, %mul3A_811 : vector<16xf32>
      %mul3A_813 = arith.mulf %add3A_791, %mul3A_710 : vector<16xf32>
      %mul3A_814 = arith.mulf %sub3A_652, %select_n3A_708 : vector<16xf32>
      %add3A_815 = arith.addf %mul3A_813, %mul3A_814 : vector<16xf32>
      %mul3A_816 = arith.mulf %add3A_797, %select_n3A_708 : vector<16xf32>
      %mul3A_817 = arith.mulf %sub3A_658, %mul3A_710 : vector<16xf32>
      %sub3A_818 = arith.subf %mul3A_816, %mul3A_817 : vector<16xf32>
      %mul3A_819 = arith.mulf %add3A_797, %mul3A_710 : vector<16xf32>
      %mul3A_820 = arith.mulf %sub3A_658, %select_n3A_708 : vector<16xf32>
      %add3A_821 = arith.addf %mul3A_819, %mul3A_820 : vector<16xf32>
      %mul3A_822 = arith.mulf %add3A_803, %select_n3A_708 : vector<16xf32>
      %mul3A_823 = arith.mulf %sub3A_664, %mul3A_710 : vector<16xf32>
      %sub3A_824 = arith.subf %mul3A_822, %mul3A_823 : vector<16xf32>
      %mul3A_825 = arith.mulf %add3A_803, %mul3A_710 : vector<16xf32>
      %mul3A_826 = arith.mulf %sub3A_664, %select_n3A_708 : vector<16xf32>
      %add3A_827 = arith.addf %mul3A_825, %mul3A_826 : vector<16xf32>
      %mul3A_828 = arith.mulf %add3A_809, %select_n3A_708 : vector<16xf32>
      %mul3A_829 = arith.mulf %sub3A_670, %mul3A_710 : vector<16xf32>
      %sub3A_830 = arith.subf %mul3A_828, %mul3A_829 : vector<16xf32>
      %mul3A_831 = arith.mulf %add3A_809, %mul3A_710 : vector<16xf32>
      %mul3A_832 = arith.mulf %sub3A_670, %select_n3A_708 : vector<16xf32>
      %add3A_833 = arith.addf %mul3A_831, %mul3A_832 : vector<16xf32>
      %mul3A_834 = arith.mulf %add3A_815, %select_n3A_711 : vector<16xf32>
      %mul3A_835 = arith.mulf %add3A_655, %mul3A_713 : vector<16xf32>
      %sub3A_836 = arith.subf %mul3A_834, %mul3A_835 : vector<16xf32>
      %mul3A_837 = arith.mulf %add3A_815, %mul3A_713 : vector<16xf32>
      %mul3A_838 = arith.mulf %add3A_655, %select_n3A_711 : vector<16xf32>
      %add3A_839 = arith.addf %mul3A_837, %mul3A_838 : vector<16xf32>
      %mul3A_840 = arith.mulf %add3A_821, %select_n3A_711 : vector<16xf32>
      %mul3A_841 = arith.mulf %add3A_661, %mul3A_713 : vector<16xf32>
      %sub3A_842 = arith.subf %mul3A_840, %mul3A_841 : vector<16xf32>
      %mul3A_843 = arith.mulf %add3A_821, %mul3A_713 : vector<16xf32>
      %mul3A_844 = arith.mulf %add3A_661, %select_n3A_711 : vector<16xf32>
      %add3A_845 = arith.addf %mul3A_843, %mul3A_844 : vector<16xf32>
      %mul3A_846 = arith.mulf %add3A_827, %select_n3A_711 : vector<16xf32>
      %mul3A_847 = arith.mulf %add3A_667, %mul3A_713 : vector<16xf32>
      %sub3A_848 = arith.subf %mul3A_846, %mul3A_847 : vector<16xf32>
      %mul3A_849 = arith.mulf %add3A_827, %mul3A_713 : vector<16xf32>
      %mul3A_850 = arith.mulf %add3A_667, %select_n3A_711 : vector<16xf32>
      %add3A_851 = arith.addf %mul3A_849, %mul3A_850 : vector<16xf32>
      %mul3A_852 = arith.mulf %add3A_833, %select_n3A_711 : vector<16xf32>
      %mul3A_853 = arith.mulf %add3A_673, %mul3A_713 : vector<16xf32>
      %sub3A_854 = arith.subf %mul3A_852, %mul3A_853 : vector<16xf32>
      %mul3A_855 = arith.mulf %add3A_833, %mul3A_713 : vector<16xf32>
      %mul3A_856 = arith.mulf %add3A_673, %select_n3A_711 : vector<16xf32>
      %add3A_857 = arith.addf %mul3A_855, %mul3A_856 : vector<16xf32>
      %scan3A_858 = arith.constant 2 : i32
      %scan3A_859 = arith.addi %scan3A_467, %scan3A_858 : i32
      %mul3A_860 = arith.constant 2 : i32
      %mul3A_861 = arith.muli %scan3A_859, %mul3A_860 : i32
      %add3A_862 = arith.constant 1 : i32
      %add3A_863 = arith.addi %mul3A_861, %add3A_862 : i32
      %get3A_864 = arith.index_cast %add3A_863 : i32 to index
      %get3A_865 = arith.constant 0 : index
      %get3A_866 = tpu.vector_load %arg5[%get3A_864, %get3A_865] {strides = array<i32>} : memref<40x16xi32, #tpu.memory_space<vmem>>, vector<1x16xi32>,
      %get3A_867 = vector.shape_cast %get3A_866 : vector<1x16xi32> to vector<16xi32>
      %ne3A_868 = arith.cmpi ne, %get3A_867, %broadcast_in_dim3A_1 : vector<16xi32>
      %abs3A_869 = math.absi %get3A_867 : vector<16xi32>
      %sub3A_870 = arith.subi %abs3A_869, %broadcast_in_dim3A_3 : vector<16xi32>
      %max3A_871 = arith.maxsi %sub3A_870, %broadcast_in_dim3A_1 : vector<16xi32>
      %lt3A_872 = arith.cmpi slt, %get3A_867, %broadcast_in_dim3A_1 : vector<16xi32>
      %select_n3A_873 = arith.select %lt3A_872, %broadcast_in_dim3A_11, %broadcast_in_dim3A_9 : vector<16xi1>, vector<16xf32>
      %eq3A_874 = arith.cmpi eq, %max3A_871, %broadcast_in_dim3A_1 : vector<16xi32>
      %and3A_875 = arith.andi %ne3A_868, %eq3A_874 : vector<16xi1>
      %eq3A_876 = arith.cmpi eq, %max3A_871, %broadcast_in_dim3A_3 : vector<16xi32>
      %and3A_877 = arith.andi %ne3A_868, %eq3A_876 : vector<16xi1>
      %eq3A_878 = arith.cmpi eq, %max3A_871, %broadcast_in_dim3A_72 : vector<16xi32>
      %and3A_879 = arith.andi %ne3A_868, %eq3A_878 : vector<16xi1>
      %select_n3A_880 = arith.select %and3A_875, %get3A_15, %broadcast_in_dim3A_9 : vector<16xi1>, vector<16xf32>
      %select_n3A_881 = arith.select %and3A_875, %get3A_45, %broadcast_in_dim3A_7 : vector<16xi1>, vector<16xf32>
      %mul3A_882 = arith.mulf %select_n3A_881, %select_n3A_873 : vector<16xf32>
      %select_n3A_883 = arith.select %and3A_877, %get3A_20, %broadcast_in_dim3A_9 : vector<16xi1>, vector<16xf32>
      %select_n3A_884 = arith.select %and3A_877, %get3A_50, %broadcast_in_dim3A_7 : vector<16xi1>, vector<16xf32>
      %mul3A_885 = arith.mulf %select_n3A_884, %select_n3A_873 : vector<16xf32>
      %select_n3A_886 = arith.select %and3A_879, %get3A_25, %broadcast_in_dim3A_9 : vector<16xi1>, vector<16xf32>
      %select_n3A_887 = arith.select %and3A_879, %get3A_55, %broadcast_in_dim3A_7 : vector<16xi1>, vector<16xf32>
      %mul3A_888 = arith.mulf %select_n3A_887, %select_n3A_873 : vector<16xf32>
      %select_n3A_889 = arith.select %and3A_875, %get3A_30, %broadcast_in_dim3A_9 : vector<16xi1>, vector<16xf32>
      %select_n3A_890 = arith.select %and3A_875, %get3A_60, %broadcast_in_dim3A_7 : vector<16xi1>, vector<16xf32>
      %mul3A_891 = arith.mulf %select_n3A_890, %select_n3A_873 : vector<16xf32>
      %select_n3A_892 = arith.select %and3A_877, %get3A_35, %broadcast_in_dim3A_9 : vector<16xi1>, vector<16xf32>
      %select_n3A_893 = arith.select %and3A_877, %get3A_65, %broadcast_in_dim3A_7 : vector<16xi1>, vector<16xf32>
      %mul3A_894 = arith.mulf %select_n3A_893, %select_n3A_873 : vector<16xf32>
      %select_n3A_895 = arith.select %and3A_879, %get3A_40, %broadcast_in_dim3A_9 : vector<16xi1>, vector<16xf32>
      %select_n3A_896 = arith.select %and3A_879, %get3A_70, %broadcast_in_dim3A_7 : vector<16xi1>, vector<16xf32>
      %mul3A_897 = arith.mulf %select_n3A_896, %select_n3A_873 : vector<16xf32>
      %mul3A_898 = arith.mulf %sub3A_716, %select_n3A_880 : vector<16xf32>
      %mul3A_899 = arith.mulf %sub3A_740, %mul3A_882 : vector<16xf32>
      %sub3A_900 = arith.subf %mul3A_898, %mul3A_899 : vector<16xf32>
      %mul3A_901 = arith.mulf %sub3A_716, %mul3A_882 : vector<16xf32>
      %mul3A_902 = arith.mulf %sub3A_740, %select_n3A_880 : vector<16xf32>
      %add3A_903 = arith.addf %mul3A_901, %mul3A_902 : vector<16xf32>
      %mul3A_904 = arith.mulf %sub3A_722, %select_n3A_880 : vector<16xf32>
      %mul3A_905 = arith.mulf %sub3A_746, %mul3A_882 : vector<16xf32>
      %sub3A_906 = arith.subf %mul3A_904, %mul3A_905 : vector<16xf32>
      %mul3A_907 = arith.mulf %sub3A_722, %mul3A_882 : vector<16xf32>
      %mul3A_908 = arith.mulf %sub3A_746, %select_n3A_880 : vector<16xf32>
      %add3A_909 = arith.addf %mul3A_907, %mul3A_908 : vector<16xf32>
      %mul3A_910 = arith.mulf %sub3A_728, %select_n3A_880 : vector<16xf32>
      %mul3A_911 = arith.mulf %sub3A_752, %mul3A_882 : vector<16xf32>
      %sub3A_912 = arith.subf %mul3A_910, %mul3A_911 : vector<16xf32>
      %mul3A_913 = arith.mulf %sub3A_728, %mul3A_882 : vector<16xf32>
      %mul3A_914 = arith.mulf %sub3A_752, %select_n3A_880 : vector<16xf32>
      %add3A_915 = arith.addf %mul3A_913, %mul3A_914 : vector<16xf32>
      %mul3A_916 = arith.mulf %sub3A_734, %select_n3A_880 : vector<16xf32>
      %mul3A_917 = arith.mulf %sub3A_758, %mul3A_882 : vector<16xf32>
      %sub3A_918 = arith.subf %mul3A_916, %mul3A_917 : vector<16xf32>
      %mul3A_919 = arith.mulf %sub3A_734, %mul3A_882 : vector<16xf32>
      %mul3A_920 = arith.mulf %sub3A_758, %select_n3A_880 : vector<16xf32>
      %add3A_921 = arith.addf %mul3A_919, %mul3A_920 : vector<16xf32>
      %mul3A_922 = arith.mulf %add3A_903, %select_n3A_883 : vector<16xf32>
      %mul3A_923 = arith.mulf %sub3A_764, %mul3A_885 : vector<16xf32>
      %sub3A_924 = arith.subf %mul3A_922, %mul3A_923 : vector<16xf32>
      %mul3A_925 = arith.mulf %add3A_903, %mul3A_885 : vector<16xf32>
      %mul3A_926 = arith.mulf %sub3A_764, %select_n3A_883 : vector<16xf32>
      %add3A_927 = arith.addf %mul3A_925, %mul3A_926 : vector<16xf32>
      %mul3A_928 = arith.mulf %add3A_909, %select_n3A_883 : vector<16xf32>
      %mul3A_929 = arith.mulf %sub3A_770, %mul3A_885 : vector<16xf32>
      %sub3A_930 = arith.subf %mul3A_928, %mul3A_929 : vector<16xf32>
      %mul3A_931 = arith.mulf %add3A_909, %mul3A_885 : vector<16xf32>
      %mul3A_932 = arith.mulf %sub3A_770, %select_n3A_883 : vector<16xf32>
      %add3A_933 = arith.addf %mul3A_931, %mul3A_932 : vector<16xf32>
      %mul3A_934 = arith.mulf %add3A_915, %select_n3A_883 : vector<16xf32>
      %mul3A_935 = arith.mulf %sub3A_776, %mul3A_885 : vector<16xf32>
      %sub3A_936 = arith.subf %mul3A_934, %mul3A_935 : vector<16xf32>
      %mul3A_937 = arith.mulf %add3A_915, %mul3A_885 : vector<16xf32>
      %mul3A_938 = arith.mulf %sub3A_776, %select_n3A_883 : vector<16xf32>
      %add3A_939 = arith.addf %mul3A_937, %mul3A_938 : vector<16xf32>
      %mul3A_940 = arith.mulf %add3A_921, %select_n3A_883 : vector<16xf32>
      %mul3A_941 = arith.mulf %sub3A_782, %mul3A_885 : vector<16xf32>
      %sub3A_942 = arith.subf %mul3A_940, %mul3A_941 : vector<16xf32>
      %mul3A_943 = arith.mulf %add3A_921, %mul3A_885 : vector<16xf32>
      %mul3A_944 = arith.mulf %sub3A_782, %select_n3A_883 : vector<16xf32>
      %add3A_945 = arith.addf %mul3A_943, %mul3A_944 : vector<16xf32>
      %mul3A_946 = arith.mulf %add3A_927, %select_n3A_886 : vector<16xf32>
      %mul3A_947 = arith.mulf %add3A_767, %mul3A_888 : vector<16xf32>
      %sub3A_948 = arith.subf %mul3A_946, %mul3A_947 : vector<16xf32>
      %mul3A_949 = arith.mulf %add3A_927, %mul3A_888 : vector<16xf32>
      %mul3A_950 = arith.mulf %add3A_767, %select_n3A_886 : vector<16xf32>
      %add3A_951 = arith.addf %mul3A_949, %mul3A_950 : vector<16xf32>
      %mul3A_952 = arith.mulf %add3A_933, %select_n3A_886 : vector<16xf32>
      %mul3A_953 = arith.mulf %add3A_773, %mul3A_888 : vector<16xf32>
      %sub3A_954 = arith.subf %mul3A_952, %mul3A_953 : vector<16xf32>
      %mul3A_955 = arith.mulf %add3A_933, %mul3A_888 : vector<16xf32>
      %mul3A_956 = arith.mulf %add3A_773, %select_n3A_886 : vector<16xf32>
      %add3A_957 = arith.addf %mul3A_955, %mul3A_956 : vector<16xf32>
      %mul3A_958 = arith.mulf %add3A_939, %select_n3A_886 : vector<16xf32>
      %mul3A_959 = arith.mulf %add3A_779, %mul3A_888 : vector<16xf32>
      %sub3A_960 = arith.subf %mul3A_958, %mul3A_959 : vector<16xf32>
      %mul3A_961 = arith.mulf %add3A_939, %mul3A_888 : vector<16xf32>
      %mul3A_962 = arith.mulf %add3A_779, %select_n3A_886 : vector<16xf32>
      %add3A_963 = arith.addf %mul3A_961, %mul3A_962 : vector<16xf32>
      %mul3A_964 = arith.mulf %add3A_945, %select_n3A_886 : vector<16xf32>
      %mul3A_965 = arith.mulf %add3A_785, %mul3A_888 : vector<16xf32>
      %sub3A_966 = arith.subf %mul3A_964, %mul3A_965 : vector<16xf32>
      %mul3A_967 = arith.mulf %add3A_945, %mul3A_888 : vector<16xf32>
      %mul3A_968 = arith.mulf %add3A_785, %select_n3A_886 : vector<16xf32>
      %add3A_969 = arith.addf %mul3A_967, %mul3A_968 : vector<16xf32>
      %mul3A_970 = arith.mulf %sub3A_788, %select_n3A_889 : vector<16xf32>
      %mul3A_971 = arith.mulf %sub3A_812, %mul3A_891 : vector<16xf32>
      %sub3A_972 = arith.subf %mul3A_970, %mul3A_971 : vector<16xf32>
      %mul3A_973 = arith.mulf %sub3A_788, %mul3A_891 : vector<16xf32>
      %mul3A_974 = arith.mulf %sub3A_812, %select_n3A_889 : vector<16xf32>
      %add3A_975 = arith.addf %mul3A_973, %mul3A_974 : vector<16xf32>
      %mul3A_976 = arith.mulf %sub3A_794, %select_n3A_889 : vector<16xf32>
      %mul3A_977 = arith.mulf %sub3A_818, %mul3A_891 : vector<16xf32>
      %sub3A_978 = arith.subf %mul3A_976, %mul3A_977 : vector<16xf32>
      %mul3A_979 = arith.mulf %sub3A_794, %mul3A_891 : vector<16xf32>
      %mul3A_980 = arith.mulf %sub3A_818, %select_n3A_889 : vector<16xf32>
      %add3A_981 = arith.addf %mul3A_979, %mul3A_980 : vector<16xf32>
      %mul3A_982 = arith.mulf %sub3A_800, %select_n3A_889 : vector<16xf32>
      %mul3A_983 = arith.mulf %sub3A_824, %mul3A_891 : vector<16xf32>
      %sub3A_984 = arith.subf %mul3A_982, %mul3A_983 : vector<16xf32>
      %mul3A_985 = arith.mulf %sub3A_800, %mul3A_891 : vector<16xf32>
      %mul3A_986 = arith.mulf %sub3A_824, %select_n3A_889 : vector<16xf32>
      %add3A_987 = arith.addf %mul3A_985, %mul3A_986 : vector<16xf32>
      %mul3A_988 = arith.mulf %sub3A_806, %select_n3A_889 : vector<16xf32>
      %mul3A_989 = arith.mulf %sub3A_830, %mul3A_891 : vector<16xf32>
      %sub3A_990 = arith.subf %mul3A_988, %mul3A_989 : vector<16xf32>
      %mul3A_991 = arith.mulf %sub3A_806, %mul3A_891 : vector<16xf32>
      %mul3A_992 = arith.mulf %sub3A_830, %select_n3A_889 : vector<16xf32>
      %add3A_993 = arith.addf %mul3A_991, %mul3A_992 : vector<16xf32>
      %mul3A_994 = arith.mulf %add3A_975, %select_n3A_892 : vector<16xf32>
      %mul3A_995 = arith.mulf %sub3A_836, %mul3A_894 : vector<16xf32>
      %sub3A_996 = arith.subf %mul3A_994, %mul3A_995 : vector<16xf32>
      %mul3A_997 = arith.mulf %add3A_975, %mul3A_894 : vector<16xf32>
      %mul3A_998 = arith.mulf %sub3A_836, %select_n3A_892 : vector<16xf32>
      %add3A_999 = arith.addf %mul3A_997, %mul3A_998 : vector<16xf32>
      %mul3A_1000 = arith.mulf %add3A_981, %select_n3A_892 : vector<16xf32>
      %mul3A_1001 = arith.mulf %sub3A_842, %mul3A_894 : vector<16xf32>
      %sub3A_1002 = arith.subf %mul3A_1000, %mul3A_1001 : vector<16xf32>
      %mul3A_1003 = arith.mulf %add3A_981, %mul3A_894 : vector<16xf32>
      %mul3A_1004 = arith.mulf %sub3A_842, %select_n3A_892 : vector<16xf32>
      %add3A_1005 = arith.addf %mul3A_1003, %mul3A_1004 : vector<16xf32>
      %mul3A_1006 = arith.mulf %add3A_987, %select_n3A_892 : vector<16xf32>
      %mul3A_1007 = arith.mulf %sub3A_848, %mul3A_894 : vector<16xf32>
      %sub3A_1008 = arith.subf %mul3A_1006, %mul3A_1007 : vector<16xf32>
      %mul3A_1009 = arith.mulf %add3A_987, %mul3A_894 : vector<16xf32>
      %mul3A_1010 = arith.mulf %sub3A_848, %select_n3A_892 : vector<16xf32>
      %add3A_1011 = arith.addf %mul3A_1009, %mul3A_1010 : vector<16xf32>
      %mul3A_1012 = arith.mulf %add3A_993, %select_n3A_892 : vector<16xf32>
      %mul3A_1013 = arith.mulf %sub3A_854, %mul3A_894 : vector<16xf32>
      %sub3A_1014 = arith.subf %mul3A_1012, %mul3A_1013 : vector<16xf32>
      %mul3A_1015 = arith.mulf %add3A_993, %mul3A_894 : vector<16xf32>
      %mul3A_1016 = arith.mulf %sub3A_854, %select_n3A_892 : vector<16xf32>
      %add3A_1017 = arith.addf %mul3A_1015, %mul3A_1016 : vector<16xf32>
      %mul3A_1018 = arith.mulf %add3A_999, %select_n3A_895 : vector<16xf32>
      %mul3A_1019 = arith.mulf %add3A_839, %mul3A_897 : vector<16xf32>
      %sub3A_1020 = arith.subf %mul3A_1018, %mul3A_1019 : vector<16xf32>
      %mul3A_1021 = arith.mulf %add3A_999, %mul3A_897 : vector<16xf32>
      %mul3A_1022 = arith.mulf %add3A_839, %select_n3A_895 : vector<16xf32>
      %add3A_1023 = arith.addf %mul3A_1021, %mul3A_1022 : vector<16xf32>
      %mul3A_1024 = arith.mulf %add3A_1005, %select_n3A_895 : vector<16xf32>
      %mul3A_1025 = arith.mulf %add3A_845, %mul3A_897 : vector<16xf32>
      %sub3A_1026 = arith.subf %mul3A_1024, %mul3A_1025 : vector<16xf32>
      %mul3A_1027 = arith.mulf %add3A_1005, %mul3A_897 : vector<16xf32>
      %mul3A_1028 = arith.mulf %add3A_845, %select_n3A_895 : vector<16xf32>
      %add3A_1029 = arith.addf %mul3A_1027, %mul3A_1028 : vector<16xf32>
      %mul3A_1030 = arith.mulf %add3A_1011, %select_n3A_895 : vector<16xf32>
      %mul3A_1031 = arith.mulf %add3A_851, %mul3A_897 : vector<16xf32>
      %sub3A_1032 = arith.subf %mul3A_1030, %mul3A_1031 : vector<16xf32>
      %mul3A_1033 = arith.mulf %add3A_1011, %mul3A_897 : vector<16xf32>
      %mul3A_1034 = arith.mulf %add3A_851, %select_n3A_895 : vector<16xf32>
      %add3A_1035 = arith.addf %mul3A_1033, %mul3A_1034 : vector<16xf32>
      %mul3A_1036 = arith.mulf %add3A_1017, %select_n3A_895 : vector<16xf32>
      %mul3A_1037 = arith.mulf %add3A_857, %mul3A_897 : vector<16xf32>
      %sub3A_1038 = arith.subf %mul3A_1036, %mul3A_1037 : vector<16xf32>
      %mul3A_1039 = arith.mulf %add3A_1017, %mul3A_897 : vector<16xf32>
      %mul3A_1040 = arith.mulf %add3A_857, %select_n3A_895 : vector<16xf32>
      %add3A_1041 = arith.addf %mul3A_1039, %mul3A_1040 : vector<16xf32>
      %scan3A_1042 = arith.constant 3 : i32
      %scan3A_1043 = arith.addi %scan3A_467, %scan3A_1042 : i32
      %mul3A_1044 = arith.constant 2 : i32
      %mul3A_1045 = arith.muli %scan3A_1043, %mul3A_1044 : i32
      %add3A_1046 = arith.constant 1 : i32
      %add3A_1047 = arith.addi %mul3A_1045, %add3A_1046 : i32
      %get3A_1048 = arith.index_cast %add3A_1047 : i32 to index
      %get3A_1049 = arith.constant 0 : index
      %get3A_1050 = tpu.vector_load %arg5[%get3A_1048, %get3A_1049] {strides = array<i32>} : memref<40x16xi32, #tpu.memory_space<vmem>>, vector<1x16xi32>,
      %get3A_1051 = vector.shape_cast %get3A_1050 : vector<1x16xi32> to vector<16xi32>
      %ne3A_1052 = arith.cmpi ne, %get3A_1051, %broadcast_in_dim3A_1 : vector<16xi32>
      %abs3A_1053 = math.absi %get3A_1051 : vector<16xi32>
      %sub3A_1054 = arith.subi %abs3A_1053, %broadcast_in_dim3A_3 : vector<16xi32>
      %max3A_1055 = arith.maxsi %sub3A_1054, %broadcast_in_dim3A_1 : vector<16xi32>
      %lt3A_1056 = arith.cmpi slt, %get3A_1051, %broadcast_in_dim3A_1 : vector<16xi32>
      %select_n3A_1057 = arith.select %lt3A_1056, %broadcast_in_dim3A_11, %broadcast_in_dim3A_9 : vector<16xi1>, vector<16xf32>
      %eq3A_1058 = arith.cmpi eq, %max3A_1055, %broadcast_in_dim3A_1 : vector<16xi32>
      %and3A_1059 = arith.andi %ne3A_1052, %eq3A_1058 : vector<16xi1>
      %eq3A_1060 = arith.cmpi eq, %max3A_1055, %broadcast_in_dim3A_3 : vector<16xi32>
      %and3A_1061 = arith.andi %ne3A_1052, %eq3A_1060 : vector<16xi1>
      %eq3A_1062 = arith.cmpi eq, %max3A_1055, %broadcast_in_dim3A_72 : vector<16xi32>
      %and3A_1063 = arith.andi %ne3A_1052, %eq3A_1062 : vector<16xi1>
      %select_n3A_1064 = arith.select %and3A_1059, %get3A_15, %broadcast_in_dim3A_9 : vector<16xi1>, vector<16xf32>
      %select_n3A_1065 = arith.select %and3A_1059, %get3A_45, %broadcast_in_dim3A_7 : vector<16xi1>, vector<16xf32>
      %mul3A_1066 = arith.mulf %select_n3A_1065, %select_n3A_1057 : vector<16xf32>
      %select_n3A_1067 = arith.select %and3A_1061, %get3A_20, %broadcast_in_dim3A_9 : vector<16xi1>, vector<16xf32>
      %select_n3A_1068 = arith.select %and3A_1061, %get3A_50, %broadcast_in_dim3A_7 : vector<16xi1>, vector<16xf32>
      %mul3A_1069 = arith.mulf %select_n3A_1068, %select_n3A_1057 : vector<16xf32>
      %select_n3A_1070 = arith.select %and3A_1063, %get3A_25, %broadcast_in_dim3A_9 : vector<16xi1>, vector<16xf32>
      %select_n3A_1071 = arith.select %and3A_1063, %get3A_55, %broadcast_in_dim3A_7 : vector<16xi1>, vector<16xf32>
      %mul3A_1072 = arith.mulf %select_n3A_1071, %select_n3A_1057 : vector<16xf32>
      %select_n3A_1073 = arith.select %and3A_1059, %get3A_30, %broadcast_in_dim3A_9 : vector<16xi1>, vector<16xf32>
      %select_n3A_1074 = arith.select %and3A_1059, %get3A_60, %broadcast_in_dim3A_7 : vector<16xi1>, vector<16xf32>
      %mul3A_1075 = arith.mulf %select_n3A_1074, %select_n3A_1057 : vector<16xf32>
      %select_n3A_1076 = arith.select %and3A_1061, %get3A_35, %broadcast_in_dim3A_9 : vector<16xi1>, vector<16xf32>
      %select_n3A_1077 = arith.select %and3A_1061, %get3A_65, %broadcast_in_dim3A_7 : vector<16xi1>, vector<16xf32>
      %mul3A_1078 = arith.mulf %select_n3A_1077, %select_n3A_1057 : vector<16xf32>
      %select_n3A_1079 = arith.select %and3A_1063, %get3A_40, %broadcast_in_dim3A_9 : vector<16xi1>, vector<16xf32>
      %select_n3A_1080 = arith.select %and3A_1063, %get3A_70, %broadcast_in_dim3A_7 : vector<16xi1>, vector<16xf32>
      %mul3A_1081 = arith.mulf %select_n3A_1080, %select_n3A_1057 : vector<16xf32>
      %mul3A_1082 = arith.mulf %sub3A_900, %select_n3A_1064 : vector<16xf32>
      %mul3A_1083 = arith.mulf %sub3A_924, %mul3A_1066 : vector<16xf32>
      %sub3A_1084 = arith.subf %mul3A_1082, %mul3A_1083 : vector<16xf32>
      %mul3A_1085 = arith.mulf %sub3A_900, %mul3A_1066 : vector<16xf32>
      %mul3A_1086 = arith.mulf %sub3A_924, %select_n3A_1064 : vector<16xf32>
      %add3A_1087 = arith.addf %mul3A_1085, %mul3A_1086 : vector<16xf32>
      %mul3A_1088 = arith.mulf %sub3A_906, %select_n3A_1064 : vector<16xf32>
      %mul3A_1089 = arith.mulf %sub3A_930, %mul3A_1066 : vector<16xf32>
      %sub3A_1090 = arith.subf %mul3A_1088, %mul3A_1089 : vector<16xf32>
      %mul3A_1091 = arith.mulf %sub3A_906, %mul3A_1066 : vector<16xf32>
      %mul3A_1092 = arith.mulf %sub3A_930, %select_n3A_1064 : vector<16xf32>
      %add3A_1093 = arith.addf %mul3A_1091, %mul3A_1092 : vector<16xf32>
      %mul3A_1094 = arith.mulf %sub3A_912, %select_n3A_1064 : vector<16xf32>
      %mul3A_1095 = arith.mulf %sub3A_936, %mul3A_1066 : vector<16xf32>
      %sub3A_1096 = arith.subf %mul3A_1094, %mul3A_1095 : vector<16xf32>
      %mul3A_1097 = arith.mulf %sub3A_912, %mul3A_1066 : vector<16xf32>
      %mul3A_1098 = arith.mulf %sub3A_936, %select_n3A_1064 : vector<16xf32>
      %add3A_1099 = arith.addf %mul3A_1097, %mul3A_1098 : vector<16xf32>
      %mul3A_1100 = arith.mulf %sub3A_918, %select_n3A_1064 : vector<16xf32>
      %mul3A_1101 = arith.mulf %sub3A_942, %mul3A_1066 : vector<16xf32>
      %sub3A_1102 = arith.subf %mul3A_1100, %mul3A_1101 : vector<16xf32>
      %mul3A_1103 = arith.mulf %sub3A_918, %mul3A_1066 : vector<16xf32>
      %mul3A_1104 = arith.mulf %sub3A_942, %select_n3A_1064 : vector<16xf32>
      %add3A_1105 = arith.addf %mul3A_1103, %mul3A_1104 : vector<16xf32>
      %mul3A_1106 = arith.mulf %add3A_1087, %select_n3A_1067 : vector<16xf32>
      %mul3A_1107 = arith.mulf %sub3A_948, %mul3A_1069 : vector<16xf32>
      %sub3A_1108 = arith.subf %mul3A_1106, %mul3A_1107 : vector<16xf32>
      %mul3A_1109 = arith.mulf %add3A_1087, %mul3A_1069 : vector<16xf32>
      %mul3A_1110 = arith.mulf %sub3A_948, %select_n3A_1067 : vector<16xf32>
      %add3A_1111 = arith.addf %mul3A_1109, %mul3A_1110 : vector<16xf32>
      %mul3A_1112 = arith.mulf %add3A_1093, %select_n3A_1067 : vector<16xf32>
      %mul3A_1113 = arith.mulf %sub3A_954, %mul3A_1069 : vector<16xf32>
      %sub3A_1114 = arith.subf %mul3A_1112, %mul3A_1113 : vector<16xf32>
      %mul3A_1115 = arith.mulf %add3A_1093, %mul3A_1069 : vector<16xf32>
      %mul3A_1116 = arith.mulf %sub3A_954, %select_n3A_1067 : vector<16xf32>
      %add3A_1117 = arith.addf %mul3A_1115, %mul3A_1116 : vector<16xf32>
      %mul3A_1118 = arith.mulf %add3A_1099, %select_n3A_1067 : vector<16xf32>
      %mul3A_1119 = arith.mulf %sub3A_960, %mul3A_1069 : vector<16xf32>
      %sub3A_1120 = arith.subf %mul3A_1118, %mul3A_1119 : vector<16xf32>
      %mul3A_1121 = arith.mulf %add3A_1099, %mul3A_1069 : vector<16xf32>
      %mul3A_1122 = arith.mulf %sub3A_960, %select_n3A_1067 : vector<16xf32>
      %add3A_1123 = arith.addf %mul3A_1121, %mul3A_1122 : vector<16xf32>
      %mul3A_1124 = arith.mulf %add3A_1105, %select_n3A_1067 : vector<16xf32>
      %mul3A_1125 = arith.mulf %sub3A_966, %mul3A_1069 : vector<16xf32>
      %sub3A_1126 = arith.subf %mul3A_1124, %mul3A_1125 : vector<16xf32>
      %mul3A_1127 = arith.mulf %add3A_1105, %mul3A_1069 : vector<16xf32>
      %mul3A_1128 = arith.mulf %sub3A_966, %select_n3A_1067 : vector<16xf32>
      %add3A_1129 = arith.addf %mul3A_1127, %mul3A_1128 : vector<16xf32>
      %mul3A_1130 = arith.mulf %add3A_1111, %select_n3A_1070 : vector<16xf32>
      %mul3A_1131 = arith.mulf %add3A_951, %mul3A_1072 : vector<16xf32>
      %sub3A_1132 = arith.subf %mul3A_1130, %mul3A_1131 : vector<16xf32>
      %mul3A_1133 = arith.mulf %add3A_1111, %mul3A_1072 : vector<16xf32>
      %mul3A_1134 = arith.mulf %add3A_951, %select_n3A_1070 : vector<16xf32>
      %add3A_1135 = arith.addf %mul3A_1133, %mul3A_1134 : vector<16xf32>
      %mul3A_1136 = arith.mulf %add3A_1117, %select_n3A_1070 : vector<16xf32>
      %mul3A_1137 = arith.mulf %add3A_957, %mul3A_1072 : vector<16xf32>
      %sub3A_1138 = arith.subf %mul3A_1136, %mul3A_1137 : vector<16xf32>
      %mul3A_1139 = arith.mulf %add3A_1117, %mul3A_1072 : vector<16xf32>
      %mul3A_1140 = arith.mulf %add3A_957, %select_n3A_1070 : vector<16xf32>
      %add3A_1141 = arith.addf %mul3A_1139, %mul3A_1140 : vector<16xf32>
      %mul3A_1142 = arith.mulf %add3A_1123, %select_n3A_1070 : vector<16xf32>
      %mul3A_1143 = arith.mulf %add3A_963, %mul3A_1072 : vector<16xf32>
      %sub3A_1144 = arith.subf %mul3A_1142, %mul3A_1143 : vector<16xf32>
      %mul3A_1145 = arith.mulf %add3A_1123, %mul3A_1072 : vector<16xf32>
      %mul3A_1146 = arith.mulf %add3A_963, %select_n3A_1070 : vector<16xf32>
      %add3A_1147 = arith.addf %mul3A_1145, %mul3A_1146 : vector<16xf32>
      %mul3A_1148 = arith.mulf %add3A_1129, %select_n3A_1070 : vector<16xf32>
      %mul3A_1149 = arith.mulf %add3A_969, %mul3A_1072 : vector<16xf32>
      %sub3A_1150 = arith.subf %mul3A_1148, %mul3A_1149 : vector<16xf32>
      %mul3A_1151 = arith.mulf %add3A_1129, %mul3A_1072 : vector<16xf32>
      %mul3A_1152 = arith.mulf %add3A_969, %select_n3A_1070 : vector<16xf32>
      %add3A_1153 = arith.addf %mul3A_1151, %mul3A_1152 : vector<16xf32>
      %mul3A_1154 = arith.mulf %sub3A_972, %select_n3A_1073 : vector<16xf32>
      %mul3A_1155 = arith.mulf %sub3A_996, %mul3A_1075 : vector<16xf32>
      %sub3A_1156 = arith.subf %mul3A_1154, %mul3A_1155 : vector<16xf32>
      %mul3A_1157 = arith.mulf %sub3A_972, %mul3A_1075 : vector<16xf32>
      %mul3A_1158 = arith.mulf %sub3A_996, %select_n3A_1073 : vector<16xf32>
      %add3A_1159 = arith.addf %mul3A_1157, %mul3A_1158 : vector<16xf32>
      %mul3A_1160 = arith.mulf %sub3A_978, %select_n3A_1073 : vector<16xf32>
      %mul3A_1161 = arith.mulf %sub3A_1002, %mul3A_1075 : vector<16xf32>
      %sub3A_1162 = arith.subf %mul3A_1160, %mul3A_1161 : vector<16xf32>
      %mul3A_1163 = arith.mulf %sub3A_978, %mul3A_1075 : vector<16xf32>
      %mul3A_1164 = arith.mulf %sub3A_1002, %select_n3A_1073 : vector<16xf32>
      %add3A_1165 = arith.addf %mul3A_1163, %mul3A_1164 : vector<16xf32>
      %mul3A_1166 = arith.mulf %sub3A_984, %select_n3A_1073 : vector<16xf32>
      %mul3A_1167 = arith.mulf %sub3A_1008, %mul3A_1075 : vector<16xf32>
      %sub3A_1168 = arith.subf %mul3A_1166, %mul3A_1167 : vector<16xf32>
      %mul3A_1169 = arith.mulf %sub3A_984, %mul3A_1075 : vector<16xf32>
      %mul3A_1170 = arith.mulf %sub3A_1008, %select_n3A_1073 : vector<16xf32>
      %add3A_1171 = arith.addf %mul3A_1169, %mul3A_1170 : vector<16xf32>
      %mul3A_1172 = arith.mulf %sub3A_990, %select_n3A_1073 : vector<16xf32>
      %mul3A_1173 = arith.mulf %sub3A_1014, %mul3A_1075 : vector<16xf32>
      %sub3A_1174 = arith.subf %mul3A_1172, %mul3A_1173 : vector<16xf32>
      %mul3A_1175 = arith.mulf %sub3A_990, %mul3A_1075 : vector<16xf32>
      %mul3A_1176 = arith.mulf %sub3A_1014, %select_n3A_1073 : vector<16xf32>
      %add3A_1177 = arith.addf %mul3A_1175, %mul3A_1176 : vector<16xf32>
      %mul3A_1178 = arith.mulf %add3A_1159, %select_n3A_1076 : vector<16xf32>
      %mul3A_1179 = arith.mulf %sub3A_1020, %mul3A_1078 : vector<16xf32>
      %sub3A_1180 = arith.subf %mul3A_1178, %mul3A_1179 : vector<16xf32>
      %mul3A_1181 = arith.mulf %add3A_1159, %mul3A_1078 : vector<16xf32>
      %mul3A_1182 = arith.mulf %sub3A_1020, %select_n3A_1076 : vector<16xf32>
      %add3A_1183 = arith.addf %mul3A_1181, %mul3A_1182 : vector<16xf32>
      %mul3A_1184 = arith.mulf %add3A_1165, %select_n3A_1076 : vector<16xf32>
      %mul3A_1185 = arith.mulf %sub3A_1026, %mul3A_1078 : vector<16xf32>
      %sub3A_1186 = arith.subf %mul3A_1184, %mul3A_1185 : vector<16xf32>
      %mul3A_1187 = arith.mulf %add3A_1165, %mul3A_1078 : vector<16xf32>
      %mul3A_1188 = arith.mulf %sub3A_1026, %select_n3A_1076 : vector<16xf32>
      %add3A_1189 = arith.addf %mul3A_1187, %mul3A_1188 : vector<16xf32>
      %mul3A_1190 = arith.mulf %add3A_1171, %select_n3A_1076 : vector<16xf32>
      %mul3A_1191 = arith.mulf %sub3A_1032, %mul3A_1078 : vector<16xf32>
      %sub3A_1192 = arith.subf %mul3A_1190, %mul3A_1191 : vector<16xf32>
      %mul3A_1193 = arith.mulf %add3A_1171, %mul3A_1078 : vector<16xf32>
      %mul3A_1194 = arith.mulf %sub3A_1032, %select_n3A_1076 : vector<16xf32>
      %add3A_1195 = arith.addf %mul3A_1193, %mul3A_1194 : vector<16xf32>
      %mul3A_1196 = arith.mulf %add3A_1177, %select_n3A_1076 : vector<16xf32>
      %mul3A_1197 = arith.mulf %sub3A_1038, %mul3A_1078 : vector<16xf32>
      %sub3A_1198 = arith.subf %mul3A_1196, %mul3A_1197 : vector<16xf32>
      %mul3A_1199 = arith.mulf %add3A_1177, %mul3A_1078 : vector<16xf32>
      %mul3A_1200 = arith.mulf %sub3A_1038, %select_n3A_1076 : vector<16xf32>
      %add3A_1201 = arith.addf %mul3A_1199, %mul3A_1200 : vector<16xf32>
      %mul3A_1202 = arith.mulf %add3A_1183, %select_n3A_1079 : vector<16xf32>
      %mul3A_1203 = arith.mulf %add3A_1023, %mul3A_1081 : vector<16xf32>
      %sub3A_1204 = arith.subf %mul3A_1202, %mul3A_1203 : vector<16xf32>
      %mul3A_1205 = arith.mulf %add3A_1183, %mul3A_1081 : vector<16xf32>
      %mul3A_1206 = arith.mulf %add3A_1023, %select_n3A_1079 : vector<16xf32>
      %add3A_1207 = arith.addf %mul3A_1205, %mul3A_1206 : vector<16xf32>
      %mul3A_1208 = arith.mulf %add3A_1189, %select_n3A_1079 : vector<16xf32>
      %mul3A_1209 = arith.mulf %add3A_1029, %mul3A_1081 : vector<16xf32>
      %sub3A_1210 = arith.subf %mul3A_1208, %mul3A_1209 : vector<16xf32>
      %mul3A_1211 = arith.mulf %add3A_1189, %mul3A_1081 : vector<16xf32>
      %mul3A_1212 = arith.mulf %add3A_1029, %select_n3A_1079 : vector<16xf32>
      %add3A_1213 = arith.addf %mul3A_1211, %mul3A_1212 : vector<16xf32>
      %mul3A_1214 = arith.mulf %add3A_1195, %select_n3A_1079 : vector<16xf32>
      %mul3A_1215 = arith.mulf %add3A_1035, %mul3A_1081 : vector<16xf32>
      %sub3A_1216 = arith.subf %mul3A_1214, %mul3A_1215 : vector<16xf32>
      %mul3A_1217 = arith.mulf %add3A_1195, %mul3A_1081 : vector<16xf32>
      %mul3A_1218 = arith.mulf %add3A_1035, %select_n3A_1079 : vector<16xf32>
      %add3A_1219 = arith.addf %mul3A_1217, %mul3A_1218 : vector<16xf32>
      %mul3A_1220 = arith.mulf %add3A_1201, %select_n3A_1079 : vector<16xf32>
      %mul3A_1221 = arith.mulf %add3A_1041, %mul3A_1081 : vector<16xf32>
      %sub3A_1222 = arith.subf %mul3A_1220, %mul3A_1221 : vector<16xf32>
      %mul3A_1223 = arith.mulf %add3A_1201, %mul3A_1081 : vector<16xf32>
      %mul3A_1224 = arith.mulf %add3A_1041, %select_n3A_1079 : vector<16xf32>
      %add3A_1225 = arith.addf %mul3A_1223, %mul3A_1224 : vector<16xf32>
      scf.yield %sub3A_1084, %sub3A_1090, %sub3A_1096, %sub3A_1102, %sub3A_1108, %sub3A_1114, %sub3A_1120, %sub3A_1126, %sub3A_1132, %sub3A_1138, %sub3A_1144, %sub3A_1150, %add3A_1135, %add3A_1141, %add3A_1147, %add3A_1153, %sub3A_1156, %sub3A_1162, %sub3A_1168, %sub3A_1174, %sub3A_1180, %sub3A_1186, %sub3A_1192, %sub3A_1198, %sub3A_1204, %sub3A_1210, %sub3A_1216, %sub3A_1222, %add3A_1207, %add3A_1213, %add3A_1219, %add3A_1225 : vector<16xf32>, vector<16xf32>, vector<16xf32>, vector<16xf32>, vector<16xf32>, vector<16xf32>, vector<16xf32>, vector<16xf32>, vector<16xf32>, vector<16xf32>, vector<16xf32>, vector<16xf32>, vector<16xf32>, vector<16xf32>, vector<16xf32>, vector<16xf32>, vector<16xf32>, vector<16xf32>, vector<16xf32>, vector<16xf32>, vector<16xf32>, vector<16xf32>, vector<16xf32>, vector<16xf32>, vector<16xf32>, vector<16xf32>, vector<16xf32>, vector<16xf32>, vector<16xf32>, vector<16xf32>, vector<16xf32>, vector<16xf32>
    }
    %scan3A_274 = arith.constant 20 : i32
    %swap3A_275 = arith.constant 0 : i32
    %swap3A_276 = arith.index_cast %swap3A_275 : i32 to index
    %swap3A_277 = arith.constant 16 : index
    %swap3A_278 = tpu.vector_load %arg7[%swap3A_276, %swap3A_277] {strides = array<i32>} : memref<32x32xf32, #tpu.memory_space<vmem>>, vector<1x16xf32>,
    %swap3A_279 = vector.shape_cast %swap3A_278 : vector<1x16xf32> to vector<16xf32>
    %swap3A_280 = vector.shape_cast %scan3A_273#0 : vector<16xf32> to vector<1x16xf32>
    tpu.vector_store %arg7[%swap3A_276, %swap3A_277], %swap3A_280 {strides = array<i32>} : memref<32x32xf32, #tpu.memory_space<vmem>>, vector<1x16xf32>,
    %swap3A_281 = arith.constant 1 : i32
    %swap3A_282 = arith.index_cast %swap3A_281 : i32 to index
    %swap3A_283 = arith.constant 16 : index
    %swap3A_284 = tpu.vector_load %arg7[%swap3A_282, %swap3A_283] {strides = array<i32>} : memref<32x32xf32, #tpu.memory_space<vmem>>, vector<1x16xf32>,
    %swap3A_285 = vector.shape_cast %swap3A_284 : vector<1x16xf32> to vector<16xf32>
    %swap3A_286 = vector.shape_cast %scan3A_273#1 : vector<16xf32> to vector<1x16xf32>
    tpu.vector_store %arg7[%swap3A_282, %swap3A_283], %swap3A_286 {strides = array<i32>} : memref<32x32xf32, #tpu.memory_space<vmem>>, vector<1x16xf32>,
    %swap3A_287 = arith.constant 2 : i32
    %swap3A_288 = arith.index_cast %swap3A_287 : i32 to index
    %swap3A_289 = arith.constant 16 : index
    %swap3A_290 = tpu.vector_load %arg7[%swap3A_288, %swap3A_289] {strides = array<i32>} : memref<32x32xf32, #tpu.memory_space<vmem>>, vector<1x16xf32>,
    %swap3A_291 = vector.shape_cast %swap3A_290 : vector<1x16xf32> to vector<16xf32>
    %swap3A_292 = vector.shape_cast %scan3A_273#2 : vector<16xf32> to vector<1x16xf32>
    tpu.vector_store %arg7[%swap3A_288, %swap3A_289], %swap3A_292 {strides = array<i32>} : memref<32x32xf32, #tpu.memory_space<vmem>>, vector<1x16xf32>,
    %swap3A_293 = arith.constant 3 : i32
    %swap3A_294 = arith.index_cast %swap3A_293 : i32 to index
    %swap3A_295 = arith.constant 16 : index
    %swap3A_296 = tpu.vector_load %arg7[%swap3A_294, %swap3A_295] {strides = array<i32>} : memref<32x32xf32, #tpu.memory_space<vmem>>, vector<1x16xf32>,
    %swap3A_297 = vector.shape_cast %swap3A_296 : vector<1x16xf32> to vector<16xf32>
    %swap3A_298 = vector.shape_cast %scan3A_273#3 : vector<16xf32> to vector<1x16xf32>
    tpu.vector_store %arg7[%swap3A_294, %swap3A_295], %swap3A_298 {strides = array<i32>} : memref<32x32xf32, #tpu.memory_space<vmem>>, vector<1x16xf32>,
    %swap3A_299 = arith.constant 4 : i32
    %swap3A_300 = arith.index_cast %swap3A_299 : i32 to index
    %swap3A_301 = arith.constant 16 : index
    %swap3A_302 = tpu.vector_load %arg7[%swap3A_300, %swap3A_301] {strides = array<i32>} : memref<32x32xf32, #tpu.memory_space<vmem>>, vector<1x16xf32>,
    %swap3A_303 = vector.shape_cast %swap3A_302 : vector<1x16xf32> to vector<16xf32>
    %swap3A_304 = vector.shape_cast %scan3A_273#4 : vector<16xf32> to vector<1x16xf32>
    tpu.vector_store %arg7[%swap3A_300, %swap3A_301], %swap3A_304 {strides = array<i32>} : memref<32x32xf32, #tpu.memory_space<vmem>>, vector<1x16xf32>,
    %swap3A_305 = arith.constant 5 : i32
    %swap3A_306 = arith.index_cast %swap3A_305 : i32 to index
    %swap3A_307 = arith.constant 16 : index
    %swap3A_308 = tpu.vector_load %arg7[%swap3A_306, %swap3A_307] {strides = array<i32>} : memref<32x32xf32, #tpu.memory_space<vmem>>, vector<1x16xf32>,
    %swap3A_309 = vector.shape_cast %swap3A_308 : vector<1x16xf32> to vector<16xf32>
    %swap3A_310 = vector.shape_cast %scan3A_273#5 : vector<16xf32> to vector<1x16xf32>
    tpu.vector_store %arg7[%swap3A_306, %swap3A_307], %swap3A_310 {strides = array<i32>} : memref<32x32xf32, #tpu.memory_space<vmem>>, vector<1x16xf32>,
    %swap3A_311 = arith.constant 6 : i32
    %swap3A_312 = arith.index_cast %swap3A_311 : i32 to index
    %swap3A_313 = arith.constant 16 : index
    %swap3A_314 = tpu.vector_load %arg7[%swap3A_312, %swap3A_313] {strides = array<i32>} : memref<32x32xf32, #tpu.memory_space<vmem>>, vector<1x16xf32>,
    %swap3A_315 = vector.shape_cast %swap3A_314 : vector<1x16xf32> to vector<16xf32>
    %swap3A_316 = vector.shape_cast %scan3A_273#6 : vector<16xf32> to vector<1x16xf32>
    tpu.vector_store %arg7[%swap3A_312, %swap3A_313], %swap3A_316 {strides = array<i32>} : memref<32x32xf32, #tpu.memory_space<vmem>>, vector<1x16xf32>,
    %swap3A_317 = arith.constant 7 : i32
    %swap3A_318 = arith.index_cast %swap3A_317 : i32 to index
    %swap3A_319 = arith.constant 16 : index
    %swap3A_320 = tpu.vector_load %arg7[%swap3A_318, %swap3A_319] {strides = array<i32>} : memref<32x32xf32, #tpu.memory_space<vmem>>, vector<1x16xf32>,
    %swap3A_321 = vector.shape_cast %swap3A_320 : vector<1x16xf32> to vector<16xf32>
    %swap3A_322 = vector.shape_cast %scan3A_273#7 : vector<16xf32> to vector<1x16xf32>
    tpu.vector_store %arg7[%swap3A_318, %swap3A_319], %swap3A_322 {strides = array<i32>} : memref<32x32xf32, #tpu.memory_space<vmem>>, vector<1x16xf32>,
    %swap3A_323 = arith.constant 8 : i32
    %swap3A_324 = arith.index_cast %swap3A_323 : i32 to index
    %swap3A_325 = arith.constant 16 : index
    %swap3A_326 = tpu.vector_load %arg7[%swap3A_324, %swap3A_325] {strides = array<i32>} : memref<32x32xf32, #tpu.memory_space<vmem>>, vector<1x16xf32>,
    %swap3A_327 = vector.shape_cast %swap3A_326 : vector<1x16xf32> to vector<16xf32>
    %swap3A_328 = vector.shape_cast %scan3A_273#8 : vector<16xf32> to vector<1x16xf32>
    tpu.vector_store %arg7[%swap3A_324, %swap3A_325], %swap3A_328 {strides = array<i32>} : memref<32x32xf32, #tpu.memory_space<vmem>>, vector<1x16xf32>,
    %swap3A_329 = arith.constant 9 : i32
    %swap3A_330 = arith.index_cast %swap3A_329 : i32 to index
    %swap3A_331 = arith.constant 16 : index
    %swap3A_332 = tpu.vector_load %arg7[%swap3A_330, %swap3A_331] {strides = array<i32>} : memref<32x32xf32, #tpu.memory_space<vmem>>, vector<1x16xf32>,
    %swap3A_333 = vector.shape_cast %swap3A_332 : vector<1x16xf32> to vector<16xf32>
    %swap3A_334 = vector.shape_cast %scan3A_273#9 : vector<16xf32> to vector<1x16xf32>
    tpu.vector_store %arg7[%swap3A_330, %swap3A_331], %swap3A_334 {strides = array<i32>} : memref<32x32xf32, #tpu.memory_space<vmem>>, vector<1x16xf32>,
    %swap3A_335 = arith.constant 10 : i32
    %swap3A_336 = arith.index_cast %swap3A_335 : i32 to index
    %swap3A_337 = arith.constant 16 : index
    %swap3A_338 = tpu.vector_load %arg7[%swap3A_336, %swap3A_337] {strides = array<i32>} : memref<32x32xf32, #tpu.memory_space<vmem>>, vector<1x16xf32>,
    %swap3A_339 = vector.shape_cast %swap3A_338 : vector<1x16xf32> to vector<16xf32>
    %swap3A_340 = vector.shape_cast %scan3A_273#10 : vector<16xf32> to vector<1x16xf32>
    tpu.vector_store %arg7[%swap3A_336, %swap3A_337], %swap3A_340 {strides = array<i32>} : memref<32x32xf32, #tpu.memory_space<vmem>>, vector<1x16xf32>,
    %swap3A_341 = arith.constant 11 : i32
    %swap3A_342 = arith.index_cast %swap3A_341 : i32 to index
    %swap3A_343 = arith.constant 16 : index
    %swap3A_344 = tpu.vector_load %arg7[%swap3A_342, %swap3A_343] {strides = array<i32>} : memref<32x32xf32, #tpu.memory_space<vmem>>, vector<1x16xf32>,
    %swap3A_345 = vector.shape_cast %swap3A_344 : vector<1x16xf32> to vector<16xf32>
    %swap3A_346 = vector.shape_cast %scan3A_273#11 : vector<16xf32> to vector<1x16xf32>
    tpu.vector_store %arg7[%swap3A_342, %swap3A_343], %swap3A_346 {strides = array<i32>} : memref<32x32xf32, #tpu.memory_space<vmem>>, vector<1x16xf32>,
    %swap3A_347 = arith.constant 12 : i32
    %swap3A_348 = arith.index_cast %swap3A_347 : i32 to index
    %swap3A_349 = arith.constant 16 : index
    %swap3A_350 = tpu.vector_load %arg7[%swap3A_348, %swap3A_349] {strides = array<i32>} : memref<32x32xf32, #tpu.memory_space<vmem>>, vector<1x16xf32>,
    %swap3A_351 = vector.shape_cast %swap3A_350 : vector<1x16xf32> to vector<16xf32>
    %swap3A_352 = vector.shape_cast %scan3A_273#12 : vector<16xf32> to vector<1x16xf32>
    tpu.vector_store %arg7[%swap3A_348, %swap3A_349], %swap3A_352 {strides = array<i32>} : memref<32x32xf32, #tpu.memory_space<vmem>>, vector<1x16xf32>,
    %swap3A_353 = arith.constant 13 : i32
    %swap3A_354 = arith.index_cast %swap3A_353 : i32 to index
    %swap3A_355 = arith.constant 16 : index
    %swap3A_356 = tpu.vector_load %arg7[%swap3A_354, %swap3A_355] {strides = array<i32>} : memref<32x32xf32, #tpu.memory_space<vmem>>, vector<1x16xf32>,
    %swap3A_357 = vector.shape_cast %swap3A_356 : vector<1x16xf32> to vector<16xf32>
    %swap3A_358 = vector.shape_cast %scan3A_273#13 : vector<16xf32> to vector<1x16xf32>
    tpu.vector_store %arg7[%swap3A_354, %swap3A_355], %swap3A_358 {strides = array<i32>} : memref<32x32xf32, #tpu.memory_space<vmem>>, vector<1x16xf32>,
    %swap3A_359 = arith.constant 14 : i32
    %swap3A_360 = arith.index_cast %swap3A_359 : i32 to index
    %swap3A_361 = arith.constant 16 : index
    %swap3A_362 = tpu.vector_load %arg7[%swap3A_360, %swap3A_361] {strides = array<i32>} : memref<32x32xf32, #tpu.memory_space<vmem>>, vector<1x16xf32>,
    %swap3A_363 = vector.shape_cast %swap3A_362 : vector<1x16xf32> to vector<16xf32>
    %swap3A_364 = vector.shape_cast %scan3A_273#14 : vector<16xf32> to vector<1x16xf32>
    tpu.vector_store %arg7[%swap3A_360, %swap3A_361], %swap3A_364 {strides = array<i32>} : memref<32x32xf32, #tpu.memory_space<vmem>>, vector<1x16xf32>,
    %swap3A_365 = arith.constant 15 : i32
    %swap3A_366 = arith.index_cast %swap3A_365 : i32 to index
    %swap3A_367 = arith.constant 16 : index
    %swap3A_368 = tpu.vector_load %arg7[%swap3A_366, %swap3A_367] {strides = array<i32>} : memref<32x32xf32, #tpu.memory_space<vmem>>, vector<1x16xf32>,
    %swap3A_369 = vector.shape_cast %swap3A_368 : vector<1x16xf32> to vector<16xf32>
    %swap3A_370 = vector.shape_cast %scan3A_273#15 : vector<16xf32> to vector<1x16xf32>
    tpu.vector_store %arg7[%swap3A_366, %swap3A_367], %swap3A_370 {strides = array<i32>} : memref<32x32xf32, #tpu.memory_space<vmem>>, vector<1x16xf32>,
    %swap3A_371 = arith.constant 16 : i32
    %swap3A_372 = arith.index_cast %swap3A_371 : i32 to index
    %swap3A_373 = arith.constant 16 : index
    %swap3A_374 = tpu.vector_load %arg7[%swap3A_372, %swap3A_373] {strides = array<i32>} : memref<32x32xf32, #tpu.memory_space<vmem>>, vector<1x16xf32>,
    %swap3A_375 = vector.shape_cast %swap3A_374 : vector<1x16xf32> to vector<16xf32>
    %swap3A_376 = vector.shape_cast %scan3A_273#16 : vector<16xf32> to vector<1x16xf32>
    tpu.vector_store %arg7[%swap3A_372, %swap3A_373], %swap3A_376 {strides = array<i32>} : memref<32x32xf32, #tpu.memory_space<vmem>>, vector<1x16xf32>,
    %swap3A_377 = arith.constant 17 : i32
    %swap3A_378 = arith.index_cast %swap3A_377 : i32 to index
    %swap3A_379 = arith.constant 16 : index
    %swap3A_380 = tpu.vector_load %arg7[%swap3A_378, %swap3A_379] {strides = array<i32>} : memref<32x32xf32, #tpu.memory_space<vmem>>, vector<1x16xf32>,
    %swap3A_381 = vector.shape_cast %swap3A_380 : vector<1x16xf32> to vector<16xf32>
    %swap3A_382 = vector.shape_cast %scan3A_273#17 : vector<16xf32> to vector<1x16xf32>
    tpu.vector_store %arg7[%swap3A_378, %swap3A_379], %swap3A_382 {strides = array<i32>} : memref<32x32xf32, #tpu.memory_space<vmem>>, vector<1x16xf32>,
    %swap3A_383 = arith.constant 18 : i32
    %swap3A_384 = arith.index_cast %swap3A_383 : i32 to index
    %swap3A_385 = arith.constant 16 : index
    %swap3A_386 = tpu.vector_load %arg7[%swap3A_384, %swap3A_385] {strides = array<i32>} : memref<32x32xf32, #tpu.memory_space<vmem>>, vector<1x16xf32>,
    %swap3A_387 = vector.shape_cast %swap3A_386 : vector<1x16xf32> to vector<16xf32>
    %swap3A_388 = vector.shape_cast %scan3A_273#18 : vector<16xf32> to vector<1x16xf32>
    tpu.vector_store %arg7[%swap3A_384, %swap3A_385], %swap3A_388 {strides = array<i32>} : memref<32x32xf32, #tpu.memory_space<vmem>>, vector<1x16xf32>,
    %swap3A_389 = arith.constant 19 : i32
    %swap3A_390 = arith.index_cast %swap3A_389 : i32 to index
    %swap3A_391 = arith.constant 16 : index
    %swap3A_392 = tpu.vector_load %arg7[%swap3A_390, %swap3A_391] {strides = array<i32>} : memref<32x32xf32, #tpu.memory_space<vmem>>, vector<1x16xf32>,
    %swap3A_393 = vector.shape_cast %swap3A_392 : vector<1x16xf32> to vector<16xf32>
    %swap3A_394 = vector.shape_cast %scan3A_273#19 : vector<16xf32> to vector<1x16xf32>
    tpu.vector_store %arg7[%swap3A_390, %swap3A_391], %swap3A_394 {strides = array<i32>} : memref<32x32xf32, #tpu.memory_space<vmem>>, vector<1x16xf32>,
    %swap3A_395 = arith.constant 20 : i32
    %swap3A_396 = arith.index_cast %swap3A_395 : i32 to index
    %swap3A_397 = arith.constant 16 : index
    %swap3A_398 = tpu.vector_load %arg7[%swap3A_396, %swap3A_397] {strides = array<i32>} : memref<32x32xf32, #tpu.memory_space<vmem>>, vector<1x16xf32>,
    %swap3A_399 = vector.shape_cast %swap3A_398 : vector<1x16xf32> to vector<16xf32>
    %swap3A_400 = vector.shape_cast %scan3A_273#20 : vector<16xf32> to vector<1x16xf32>
    tpu.vector_store %arg7[%swap3A_396, %swap3A_397], %swap3A_400 {strides = array<i32>} : memref<32x32xf32, #tpu.memory_space<vmem>>, vector<1x16xf32>,
    %swap3A_401 = arith.constant 21 : i32
    %swap3A_402 = arith.index_cast %swap3A_401 : i32 to index
    %swap3A_403 = arith.constant 16 : index
    %swap3A_404 = tpu.vector_load %arg7[%swap3A_402, %swap3A_403] {strides = array<i32>} : memref<32x32xf32, #tpu.memory_space<vmem>>, vector<1x16xf32>,
    %swap3A_405 = vector.shape_cast %swap3A_404 : vector<1x16xf32> to vector<16xf32>
    %swap3A_406 = vector.shape_cast %scan3A_273#21 : vector<16xf32> to vector<1x16xf32>
    tpu.vector_store %arg7[%swap3A_402, %swap3A_403], %swap3A_406 {strides = array<i32>} : memref<32x32xf32, #tpu.memory_space<vmem>>, vector<1x16xf32>,
    %swap3A_407 = arith.constant 22 : i32
    %swap3A_408 = arith.index_cast %swap3A_407 : i32 to index
    %swap3A_409 = arith.constant 16 : index
    %swap3A_410 = tpu.vector_load %arg7[%swap3A_408, %swap3A_409] {strides = array<i32>} : memref<32x32xf32, #tpu.memory_space<vmem>>, vector<1x16xf32>,
    %swap3A_411 = vector.shape_cast %swap3A_410 : vector<1x16xf32> to vector<16xf32>
    %swap3A_412 = vector.shape_cast %scan3A_273#22 : vector<16xf32> to vector<1x16xf32>
    tpu.vector_store %arg7[%swap3A_408, %swap3A_409], %swap3A_412 {strides = array<i32>} : memref<32x32xf32, #tpu.memory_space<vmem>>, vector<1x16xf32>,
    %swap3A_413 = arith.constant 23 : i32
    %swap3A_414 = arith.index_cast %swap3A_413 : i32 to index
    %swap3A_415 = arith.constant 16 : index
    %swap3A_416 = tpu.vector_load %arg7[%swap3A_414, %swap3A_415] {strides = array<i32>} : memref<32x32xf32, #tpu.memory_space<vmem>>, vector<1x16xf32>,
    %swap3A_417 = vector.shape_cast %swap3A_416 : vector<1x16xf32> to vector<16xf32>
    %swap3A_418 = vector.shape_cast %scan3A_273#23 : vector<16xf32> to vector<1x16xf32>
    tpu.vector_store %arg7[%swap3A_414, %swap3A_415], %swap3A_418 {strides = array<i32>} : memref<32x32xf32, #tpu.memory_space<vmem>>, vector<1x16xf32>,
    %swap3A_419 = arith.constant 24 : i32
    %swap3A_420 = arith.index_cast %swap3A_419 : i32 to index
    %swap3A_421 = arith.constant 16 : index
    %swap3A_422 = tpu.vector_load %arg7[%swap3A_420, %swap3A_421] {strides = array<i32>} : memref<32x32xf32, #tpu.memory_space<vmem>>, vector<1x16xf32>,
    %swap3A_423 = vector.shape_cast %swap3A_422 : vector<1x16xf32> to vector<16xf32>
    %swap3A_424 = vector.shape_cast %scan3A_273#24 : vector<16xf32> to vector<1x16xf32>
    tpu.vector_store %arg7[%swap3A_420, %swap3A_421], %swap3A_424 {strides = array<i32>} : memref<32x32xf32, #tpu.memory_space<vmem>>, vector<1x16xf32>,
    %swap3A_425 = arith.constant 25 : i32
    %swap3A_426 = arith.index_cast %swap3A_425 : i32 to index
    %swap3A_427 = arith.constant 16 : index
    %swap3A_428 = tpu.vector_load %arg7[%swap3A_426, %swap3A_427] {strides = array<i32>} : memref<32x32xf32, #tpu.memory_space<vmem>>, vector<1x16xf32>,
    %swap3A_429 = vector.shape_cast %swap3A_428 : vector<1x16xf32> to vector<16xf32>
    %swap3A_430 = vector.shape_cast %scan3A_273#25 : vector<16xf32> to vector<1x16xf32>
    tpu.vector_store %arg7[%swap3A_426, %swap3A_427], %swap3A_430 {strides = array<i32>} : memref<32x32xf32, #tpu.memory_space<vmem>>, vector<1x16xf32>,
    %swap3A_431 = arith.constant 26 : i32
    %swap3A_432 = arith.index_cast %swap3A_431 : i32 to index
    %swap3A_433 = arith.constant 16 : index
    %swap3A_434 = tpu.vector_load %arg7[%swap3A_432, %swap3A_433] {strides = array<i32>} : memref<32x32xf32, #tpu.memory_space<vmem>>, vector<1x16xf32>,
    %swap3A_435 = vector.shape_cast %swap3A_434 : vector<1x16xf32> to vector<16xf32>
    %swap3A_436 = vector.shape_cast %scan3A_273#26 : vector<16xf32> to vector<1x16xf32>
    tpu.vector_store %arg7[%swap3A_432, %swap3A_433], %swap3A_436 {strides = array<i32>} : memref<32x32xf32, #tpu.memory_space<vmem>>, vector<1x16xf32>,
    %swap3A_437 = arith.constant 27 : i32
    %swap3A_438 = arith.index_cast %swap3A_437 : i32 to index
    %swap3A_439 = arith.constant 16 : index
    %swap3A_440 = tpu.vector_load %arg7[%swap3A_438, %swap3A_439] {strides = array<i32>} : memref<32x32xf32, #tpu.memory_space<vmem>>, vector<1x16xf32>,
    %swap3A_441 = vector.shape_cast %swap3A_440 : vector<1x16xf32> to vector<16xf32>
    %swap3A_442 = vector.shape_cast %scan3A_273#27 : vector<16xf32> to vector<1x16xf32>
    tpu.vector_store %arg7[%swap3A_438, %swap3A_439], %swap3A_442 {strides = array<i32>} : memref<32x32xf32, #tpu.memory_space<vmem>>, vector<1x16xf32>,
    %swap3A_443 = arith.constant 28 : i32
    %swap3A_444 = arith.index_cast %swap3A_443 : i32 to index
    %swap3A_445 = arith.constant 16 : index
    %swap3A_446 = tpu.vector_load %arg7[%swap3A_444, %swap3A_445] {strides = array<i32>} : memref<32x32xf32, #tpu.memory_space<vmem>>, vector<1x16xf32>,
    %swap3A_447 = vector.shape_cast %swap3A_446 : vector<1x16xf32> to vector<16xf32>
    %swap3A_448 = vector.shape_cast %scan3A_273#28 : vector<16xf32> to vector<1x16xf32>
    tpu.vector_store %arg7[%swap3A_444, %swap3A_445], %swap3A_448 {strides = array<i32>} : memref<32x32xf32, #tpu.memory_space<vmem>>, vector<1x16xf32>,
    %swap3A_449 = arith.constant 29 : i32
    %swap3A_450 = arith.index_cast %swap3A_449 : i32 to index
    %swap3A_451 = arith.constant 16 : index
    %swap3A_452 = tpu.vector_load %arg7[%swap3A_450, %swap3A_451] {strides = array<i32>} : memref<32x32xf32, #tpu.memory_space<vmem>>, vector<1x16xf32>,
    %swap3A_453 = vector.shape_cast %swap3A_452 : vector<1x16xf32> to vector<16xf32>
    %swap3A_454 = vector.shape_cast %scan3A_273#29 : vector<16xf32> to vector<1x16xf32>
    tpu.vector_store %arg7[%swap3A_450, %swap3A_451], %swap3A_454 {strides = array<i32>} : memref<32x32xf32, #tpu.memory_space<vmem>>, vector<1x16xf32>,
    %swap3A_455 = arith.constant 30 : i32
    %swap3A_456 = arith.index_cast %swap3A_455 : i32 to index
    %swap3A_457 = arith.constant 16 : index
    %swap3A_458 = tpu.vector_load %arg7[%swap3A_456, %swap3A_457] {strides = array<i32>} : memref<32x32xf32, #tpu.memory_space<vmem>>, vector<1x16xf32>,
    %swap3A_459 = vector.shape_cast %swap3A_458 : vector<1x16xf32> to vector<16xf32>
    %swap3A_460 = vector.shape_cast %scan3A_273#30 : vector<16xf32> to vector<1x16xf32>
    tpu.vector_store %arg7[%swap3A_456, %swap3A_457], %swap3A_460 {strides = array<i32>} : memref<32x32xf32, #tpu.memory_space<vmem>>, vector<1x16xf32>,
    %swap3A_461 = arith.constant 31 : i32
    %swap3A_462 = arith.index_cast %swap3A_461 : i32 to index
    %swap3A_463 = arith.constant 16 : index
    %swap3A_464 = tpu.vector_load %arg7[%swap3A_462, %swap3A_463] {strides = array<i32>} : memref<32x32xf32, #tpu.memory_space<vmem>>, vector<1x16xf32>,
    %swap3A_465 = vector.shape_cast %swap3A_464 : vector<1x16xf32> to vector<16xf32>
    %swap3A_466 = vector.shape_cast %scan3A_273#31 : vector<16xf32> to vector<1x16xf32>
    tpu.vector_store %arg7[%swap3A_462, %swap3A_463], %swap3A_466 {strides = array<i32>} : memref<32x32xf32, #tpu.memory_space<vmem>>, vector<1x16xf32>,
    "tpu.region"() ({
      %run_scoped3A = tpu.sem_alloc : memref<!tpu.dma_semaphore, #tpu.memory_space<semaphore_mem>>
      %dma_start3A = arith.constant 0 : i32
      %dma_start3A_467 = arith.constant 0 : i32
      %dma_start3A_468 = tpu.memref_slice %arg4[%add3A, %dma_start3A, %dma_start3A_467] : memref<32x32x32xf32, #tpu.memory_space<hbm>> -> memref<1x32x32xf32, #tpu.memory_space<hbm>>
      %dma_start3A_469 = tpu.memref_squeeze %dma_start3A_468 : memref<1x32x32xf32, #tpu.memory_space<hbm>> -> memref<32x32xf32, #tpu.memory_space<hbm>>
      %dma_start3A_470 = arith.constant 0 : i32
      %dma_start3A_471 = arith.constant 0 : i32
      %dma_start3A_472 = tpu.memref_slice %arg4[%add3A, %dma_start3A_470, %dma_start3A_471] : memref<32x32x32xf32, #tpu.memory_space<hbm>> -> memref<1x32x32xf32, #tpu.memory_space<hbm>>
      %dma_start3A_473 = tpu.memref_squeeze %dma_start3A_472 : memref<1x32x32xf32, #tpu.memory_space<hbm>> -> memref<32x32xf32, #tpu.memory_space<hbm>>
      tpu.enqueue_dma source(%arg7 : memref<32x32xf32, #tpu.memory_space<vmem>>) target(%dma_start3A_473 : memref<32x32xf32, #tpu.memory_space<hbm>>) target_semaphore(%run_scoped3A : memref<!tpu.dma_semaphore, #tpu.memory_space<semaphore_mem>>)
      %dma_wait3A = arith.constant 0 : i32
      %dma_wait3A_474 = arith.constant 0 : i32
      %dma_wait3A_475 = tpu.memref_slice %arg4[%add3A, %dma_wait3A, %dma_wait3A_474] : memref<32x32x32xf32, #tpu.memory_space<hbm>> -> memref<1x32x32xf32, #tpu.memory_space<hbm>>
      %dma_wait3A_476 = tpu.memref_squeeze %dma_wait3A_475 : memref<1x32x32xf32, #tpu.memory_space<hbm>> -> memref<32x32xf32, #tpu.memory_space<hbm>>
      %dma_wait3A_477 = arith.constant 0 : i32
      %dma_wait3A_478 = arith.constant 0 : i32
      %dma_wait3A_479 = tpu.memref_slice %arg4[%add3A, %dma_wait3A_477, %dma_wait3A_478] : memref<32x32x32xf32, #tpu.memory_space<hbm>> -> memref<1x32x32xf32, #tpu.memory_space<hbm>>
      %dma_wait3A_480 = tpu.memref_squeeze %dma_wait3A_479 : memref<1x32x32xf32, #tpu.memory_space<hbm>> -> memref<32x32xf32, #tpu.memory_space<hbm>>
      tpu.wait_dma2 semaphore(%run_scoped3A : memref<!tpu.dma_semaphore, #tpu.memory_space<semaphore_mem>>) src(%arg7 : memref<32x32xf32, #tpu.memory_space<vmem>>) dst(%dma_wait3A_480 : memref<32x32xf32, #tpu.memory_space<hbm>>)
      tpu.yield
    }) : () -> ()
    return
  }
}

module attributes {stable_mosaic.version = 14 : i64} {
  func.func @_dense_kernel(%arg0: memref<1024x16xf32, #tpu.memory_space<vmem>>, %arg1: memref<1024x16xf32, #tpu.memory_space<vmem>>, %arg2: memref<4x128xf32, #tpu.memory_space<vmem>>, %arg3: memref<2x128xf32, #tpu.memory_space<vmem>>, %arg4: memref<2x128xf32, #tpu.memory_space<vmem>>, %arg5: memref<512x128xf32, #tpu.memory_space<vmem>>, %arg6: memref<1x128xf32, #tpu.memory_space<vmem>>, %arg7: memref<128x64xf32, #tpu.memory_space<vmem>>, %arg8: memref<1x64xf32, #tpu.memory_space<vmem>>, %arg9: memref<2x64xf32, #tpu.memory_space<vmem>>, %arg10: memref<2xf32, #tpu.memory_space<smem>>, %arg11: memref<1024x2xf32, #tpu.memory_space<vmem>>) attributes {dimension_semantics = [], scalar_prefetch = 0 : i64, scratch_operands = 0 : i64, tpu.core_type = #tpu.core_type<tc>} {
    %get3A = arith.constant 0 : index
    %get3A_0 = arith.constant 0 : index
    %get3A_1 = vector.load %arg0[%get3A, %get3A_0] : memref<1024x16xf32, #tpu.memory_space<vmem>>, vector<1024x1xf32>
    %get3A_2 = arith.constant 0 : index
    %get3A_3 = arith.constant 0 : index
    %get3A_4 = vector.load %arg2[%get3A_2, %get3A_3] : memref<4x128xf32, #tpu.memory_space<vmem>>, vector<1x128xf32>
    %mul3A = vector.broadcast %get3A_1 : vector<1024x1xf32> to vector<1024x128xf32>
    %mul3A_5 = vector.broadcast %get3A_4 : vector<1x128xf32> to vector<1024x128xf32>
    %mul3A_6 = arith.mulf %mul3A, %mul3A_5 : vector<1024x128xf32>
    %get3A_7 = arith.constant 0 : index
    %get3A_8 = arith.constant 1 : index
    %get3A_9 = vector.load %arg0[%get3A_7, %get3A_8] : memref<1024x16xf32, #tpu.memory_space<vmem>>, vector<1024x1xf32>
    %get3A_10 = arith.constant 1 : index
    %get3A_11 = arith.constant 0 : index
    %get3A_12 = vector.load %arg2[%get3A_10, %get3A_11] : memref<4x128xf32, #tpu.memory_space<vmem>>, vector<1x128xf32>
    %mul3A_13 = vector.broadcast %get3A_9 : vector<1024x1xf32> to vector<1024x128xf32>
    %mul3A_14 = vector.broadcast %get3A_12 : vector<1x128xf32> to vector<1024x128xf32>
    %mul3A_15 = arith.mulf %mul3A_13, %mul3A_14 : vector<1024x128xf32>
    %add3A = arith.addf %mul3A_6, %mul3A_15 : vector<1024x128xf32>
    %get3A_16 = arith.constant 0 : index
    %get3A_17 = arith.constant 2 : index
    %get3A_18 = vector.load %arg0[%get3A_16, %get3A_17] : memref<1024x16xf32, #tpu.memory_space<vmem>>, vector<1024x1xf32>
    %get3A_19 = arith.constant 2 : index
    %get3A_20 = arith.constant 0 : index
    %get3A_21 = vector.load %arg2[%get3A_19, %get3A_20] : memref<4x128xf32, #tpu.memory_space<vmem>>, vector<1x128xf32>
    %mul3A_22 = vector.broadcast %get3A_18 : vector<1024x1xf32> to vector<1024x128xf32>
    %mul3A_23 = vector.broadcast %get3A_21 : vector<1x128xf32> to vector<1024x128xf32>
    %mul3A_24 = arith.mulf %mul3A_22, %mul3A_23 : vector<1024x128xf32>
    %add3A_25 = arith.addf %add3A, %mul3A_24 : vector<1024x128xf32>
    %get3A_26 = arith.constant 0 : index
    %get3A_27 = arith.constant 3 : index
    %get3A_28 = vector.load %arg0[%get3A_26, %get3A_27] : memref<1024x16xf32, #tpu.memory_space<vmem>>, vector<1024x1xf32>
    %get3A_29 = arith.constant 3 : index
    %get3A_30 = arith.constant 0 : index
    %get3A_31 = vector.load %arg2[%get3A_29, %get3A_30] : memref<4x128xf32, #tpu.memory_space<vmem>>, vector<1x128xf32>
    %mul3A_32 = vector.broadcast %get3A_28 : vector<1024x1xf32> to vector<1024x128xf32>
    %mul3A_33 = vector.broadcast %get3A_31 : vector<1x128xf32> to vector<1024x128xf32>
    %mul3A_34 = arith.mulf %mul3A_32, %mul3A_33 : vector<1024x128xf32>
    %add3A_35 = arith.addf %add3A_25, %mul3A_34 : vector<1024x128xf32>
    %get3A_36 = arith.constant 0 : index
    %get3A_37 = arith.constant 4 : index
    %get3A_38 = vector.load %arg0[%get3A_36, %get3A_37] : memref<1024x16xf32, #tpu.memory_space<vmem>>, vector<1024x1xf32>
    %get3A_39 = arith.constant 0 : index
    %get3A_40 = arith.constant 0 : index
    %get3A_41 = vector.load %arg2[%get3A_39, %get3A_40] : memref<4x128xf32, #tpu.memory_space<vmem>>, vector<1x128xf32>
    %mul3A_42 = vector.broadcast %get3A_38 : vector<1024x1xf32> to vector<1024x128xf32>
    %mul3A_43 = vector.broadcast %get3A_41 : vector<1x128xf32> to vector<1024x128xf32>
    %mul3A_44 = arith.mulf %mul3A_42, %mul3A_43 : vector<1024x128xf32>
    %get3A_45 = arith.constant 0 : index
    %get3A_46 = arith.constant 5 : index
    %get3A_47 = vector.load %arg0[%get3A_45, %get3A_46] : memref<1024x16xf32, #tpu.memory_space<vmem>>, vector<1024x1xf32>
    %get3A_48 = arith.constant 1 : index
    %get3A_49 = arith.constant 0 : index
    %get3A_50 = vector.load %arg2[%get3A_48, %get3A_49] : memref<4x128xf32, #tpu.memory_space<vmem>>, vector<1x128xf32>
    %mul3A_51 = vector.broadcast %get3A_47 : vector<1024x1xf32> to vector<1024x128xf32>
    %mul3A_52 = vector.broadcast %get3A_50 : vector<1x128xf32> to vector<1024x128xf32>
    %mul3A_53 = arith.mulf %mul3A_51, %mul3A_52 : vector<1024x128xf32>
    %add3A_54 = arith.addf %mul3A_44, %mul3A_53 : vector<1024x128xf32>
    %get3A_55 = arith.constant 0 : index
    %get3A_56 = arith.constant 6 : index
    %get3A_57 = vector.load %arg0[%get3A_55, %get3A_56] : memref<1024x16xf32, #tpu.memory_space<vmem>>, vector<1024x1xf32>
    %get3A_58 = arith.constant 2 : index
    %get3A_59 = arith.constant 0 : index
    %get3A_60 = vector.load %arg2[%get3A_58, %get3A_59] : memref<4x128xf32, #tpu.memory_space<vmem>>, vector<1x128xf32>
    %mul3A_61 = vector.broadcast %get3A_57 : vector<1024x1xf32> to vector<1024x128xf32>
    %mul3A_62 = vector.broadcast %get3A_60 : vector<1x128xf32> to vector<1024x128xf32>
    %mul3A_63 = arith.mulf %mul3A_61, %mul3A_62 : vector<1024x128xf32>
    %add3A_64 = arith.addf %add3A_54, %mul3A_63 : vector<1024x128xf32>
    %get3A_65 = arith.constant 0 : index
    %get3A_66 = arith.constant 7 : index
    %get3A_67 = vector.load %arg0[%get3A_65, %get3A_66] : memref<1024x16xf32, #tpu.memory_space<vmem>>, vector<1024x1xf32>
    %get3A_68 = arith.constant 3 : index
    %get3A_69 = arith.constant 0 : index
    %get3A_70 = vector.load %arg2[%get3A_68, %get3A_69] : memref<4x128xf32, #tpu.memory_space<vmem>>, vector<1x128xf32>
    %mul3A_71 = vector.broadcast %get3A_67 : vector<1024x1xf32> to vector<1024x128xf32>
    %mul3A_72 = vector.broadcast %get3A_70 : vector<1x128xf32> to vector<1024x128xf32>
    %mul3A_73 = arith.mulf %mul3A_71, %mul3A_72 : vector<1024x128xf32>
    %add3A_74 = arith.addf %add3A_64, %mul3A_73 : vector<1024x128xf32>
    %get3A_75 = arith.constant 0 : index
    %get3A_76 = arith.constant 8 : index
    %get3A_77 = vector.load %arg0[%get3A_75, %get3A_76] : memref<1024x16xf32, #tpu.memory_space<vmem>>, vector<1024x1xf32>
    %get3A_78 = arith.constant 0 : index
    %get3A_79 = arith.constant 0 : index
    %get3A_80 = vector.load %arg2[%get3A_78, %get3A_79] : memref<4x128xf32, #tpu.memory_space<vmem>>, vector<1x128xf32>
    %mul3A_81 = vector.broadcast %get3A_77 : vector<1024x1xf32> to vector<1024x128xf32>
    %mul3A_82 = vector.broadcast %get3A_80 : vector<1x128xf32> to vector<1024x128xf32>
    %mul3A_83 = arith.mulf %mul3A_81, %mul3A_82 : vector<1024x128xf32>
    %get3A_84 = arith.constant 0 : index
    %get3A_85 = arith.constant 9 : index
    %get3A_86 = vector.load %arg0[%get3A_84, %get3A_85] : memref<1024x16xf32, #tpu.memory_space<vmem>>, vector<1024x1xf32>
    %get3A_87 = arith.constant 1 : index
    %get3A_88 = arith.constant 0 : index
    %get3A_89 = vector.load %arg2[%get3A_87, %get3A_88] : memref<4x128xf32, #tpu.memory_space<vmem>>, vector<1x128xf32>
    %mul3A_90 = vector.broadcast %get3A_86 : vector<1024x1xf32> to vector<1024x128xf32>
    %mul3A_91 = vector.broadcast %get3A_89 : vector<1x128xf32> to vector<1024x128xf32>
    %mul3A_92 = arith.mulf %mul3A_90, %mul3A_91 : vector<1024x128xf32>
    %add3A_93 = arith.addf %mul3A_83, %mul3A_92 : vector<1024x128xf32>
    %get3A_94 = arith.constant 0 : index
    %get3A_95 = arith.constant 10 : index
    %get3A_96 = vector.load %arg0[%get3A_94, %get3A_95] : memref<1024x16xf32, #tpu.memory_space<vmem>>, vector<1024x1xf32>
    %get3A_97 = arith.constant 2 : index
    %get3A_98 = arith.constant 0 : index
    %get3A_99 = vector.load %arg2[%get3A_97, %get3A_98] : memref<4x128xf32, #tpu.memory_space<vmem>>, vector<1x128xf32>
    %mul3A_100 = vector.broadcast %get3A_96 : vector<1024x1xf32> to vector<1024x128xf32>
    %mul3A_101 = vector.broadcast %get3A_99 : vector<1x128xf32> to vector<1024x128xf32>
    %mul3A_102 = arith.mulf %mul3A_100, %mul3A_101 : vector<1024x128xf32>
    %add3A_103 = arith.addf %add3A_93, %mul3A_102 : vector<1024x128xf32>
    %get3A_104 = arith.constant 0 : index
    %get3A_105 = arith.constant 11 : index
    %get3A_106 = vector.load %arg0[%get3A_104, %get3A_105] : memref<1024x16xf32, #tpu.memory_space<vmem>>, vector<1024x1xf32>
    %get3A_107 = arith.constant 3 : index
    %get3A_108 = arith.constant 0 : index
    %get3A_109 = vector.load %arg2[%get3A_107, %get3A_108] : memref<4x128xf32, #tpu.memory_space<vmem>>, vector<1x128xf32>
    %mul3A_110 = vector.broadcast %get3A_106 : vector<1024x1xf32> to vector<1024x128xf32>
    %mul3A_111 = vector.broadcast %get3A_109 : vector<1x128xf32> to vector<1024x128xf32>
    %mul3A_112 = arith.mulf %mul3A_110, %mul3A_111 : vector<1024x128xf32>
    %add3A_113 = arith.addf %add3A_103, %mul3A_112 : vector<1024x128xf32>
    %get3A_114 = arith.constant 0 : index
    %get3A_115 = arith.constant 12 : index
    %get3A_116 = vector.load %arg0[%get3A_114, %get3A_115] : memref<1024x16xf32, #tpu.memory_space<vmem>>, vector<1024x1xf32>
    %get3A_117 = arith.constant 0 : index
    %get3A_118 = arith.constant 0 : index
    %get3A_119 = vector.load %arg2[%get3A_117, %get3A_118] : memref<4x128xf32, #tpu.memory_space<vmem>>, vector<1x128xf32>
    %mul3A_120 = vector.broadcast %get3A_116 : vector<1024x1xf32> to vector<1024x128xf32>
    %mul3A_121 = vector.broadcast %get3A_119 : vector<1x128xf32> to vector<1024x128xf32>
    %mul3A_122 = arith.mulf %mul3A_120, %mul3A_121 : vector<1024x128xf32>
    %get3A_123 = arith.constant 0 : index
    %get3A_124 = arith.constant 13 : index
    %get3A_125 = vector.load %arg0[%get3A_123, %get3A_124] : memref<1024x16xf32, #tpu.memory_space<vmem>>, vector<1024x1xf32>
    %get3A_126 = arith.constant 1 : index
    %get3A_127 = arith.constant 0 : index
    %get3A_128 = vector.load %arg2[%get3A_126, %get3A_127] : memref<4x128xf32, #tpu.memory_space<vmem>>, vector<1x128xf32>
    %mul3A_129 = vector.broadcast %get3A_125 : vector<1024x1xf32> to vector<1024x128xf32>
    %mul3A_130 = vector.broadcast %get3A_128 : vector<1x128xf32> to vector<1024x128xf32>
    %mul3A_131 = arith.mulf %mul3A_129, %mul3A_130 : vector<1024x128xf32>
    %add3A_132 = arith.addf %mul3A_122, %mul3A_131 : vector<1024x128xf32>
    %get3A_133 = arith.constant 0 : index
    %get3A_134 = arith.constant 14 : index
    %get3A_135 = vector.load %arg0[%get3A_133, %get3A_134] : memref<1024x16xf32, #tpu.memory_space<vmem>>, vector<1024x1xf32>
    %get3A_136 = arith.constant 2 : index
    %get3A_137 = arith.constant 0 : index
    %get3A_138 = vector.load %arg2[%get3A_136, %get3A_137] : memref<4x128xf32, #tpu.memory_space<vmem>>, vector<1x128xf32>
    %mul3A_139 = vector.broadcast %get3A_135 : vector<1024x1xf32> to vector<1024x128xf32>
    %mul3A_140 = vector.broadcast %get3A_138 : vector<1x128xf32> to vector<1024x128xf32>
    %mul3A_141 = arith.mulf %mul3A_139, %mul3A_140 : vector<1024x128xf32>
    %add3A_142 = arith.addf %add3A_132, %mul3A_141 : vector<1024x128xf32>
    %get3A_143 = arith.constant 0 : index
    %get3A_144 = arith.constant 15 : index
    %get3A_145 = vector.load %arg0[%get3A_143, %get3A_144] : memref<1024x16xf32, #tpu.memory_space<vmem>>, vector<1024x1xf32>
    %get3A_146 = arith.constant 3 : index
    %get3A_147 = arith.constant 0 : index
    %get3A_148 = vector.load %arg2[%get3A_146, %get3A_147] : memref<4x128xf32, #tpu.memory_space<vmem>>, vector<1x128xf32>
    %mul3A_149 = vector.broadcast %get3A_145 : vector<1024x1xf32> to vector<1024x128xf32>
    %mul3A_150 = vector.broadcast %get3A_148 : vector<1x128xf32> to vector<1024x128xf32>
    %mul3A_151 = arith.mulf %mul3A_149, %mul3A_150 : vector<1024x128xf32>
    %add3A_152 = arith.addf %add3A_142, %mul3A_151 : vector<1024x128xf32>
    %get3A_153 = arith.constant 0 : index
    %get3A_154 = arith.constant 0 : index
    %get3A_155 = vector.load %arg3[%get3A_153, %get3A_154] : memref<2x128xf32, #tpu.memory_space<vmem>>, vector<1x128xf32>
    %get3A_156 = arith.constant 0 : index
    %get3A_157 = arith.constant 0 : index
    %get3A_158 = vector.load %arg4[%get3A_156, %get3A_157] : memref<2x128xf32, #tpu.memory_space<vmem>>, vector<1x128xf32>
    %reduce_sum3A = arith.constant dense<0.000000e+00> : vector<1024xf32>
    %reduce_sum3A_159 = vector.multi_reduction <add>, %add3A_35, %reduce_sum3A [1] : vector<1024x128xf32> to vector<1024xf32>
    %broadcast_in_dim3A = vector.shape_cast %reduce_sum3A_159 : vector<1024xf32> to vector<1024x1xf32>
    %div3A = arith.constant 1.280000e+02 : f32
    %div3A_160 = vector.broadcast %div3A : f32 to vector<1024x1xf32>
    %div3A_161 = arith.divf %broadcast_in_dim3A, %div3A_160 : vector<1024x1xf32>
    %sub3A = vector.broadcast %div3A_161 : vector<1024x1xf32> to vector<1024x128xf32>
    %sub3A_162 = arith.subf %add3A_35, %sub3A : vector<1024x128xf32>
    %mul3A_163 = arith.mulf %sub3A_162, %sub3A_162 : vector<1024x128xf32>
    %reduce_sum3A_164 = arith.constant dense<0.000000e+00> : vector<1024xf32>
    %reduce_sum3A_165 = vector.multi_reduction <add>, %mul3A_163, %reduce_sum3A_164 [1] : vector<1024x128xf32> to vector<1024xf32>
    %broadcast_in_dim3A_166 = vector.shape_cast %reduce_sum3A_165 : vector<1024xf32> to vector<1024x1xf32>
    %div3A_167 = arith.constant 1.280000e+02 : f32
    %div3A_168 = vector.broadcast %div3A_167 : f32 to vector<1024x1xf32>
    %div3A_169 = arith.divf %broadcast_in_dim3A_166, %div3A_168 : vector<1024x1xf32>
    %add3A_170 = arith.constant 9.99999974E-6 : f32
    %add3A_171 = vector.broadcast %add3A_170 : f32 to vector<1024x1xf32>
    %add3A_172 = arith.addf %div3A_169, %add3A_171 : vector<1024x1xf32>
    %rsqrt3A = math.rsqrt %add3A_172 : vector<1024x1xf32>
    %mul3A_173 = vector.broadcast %rsqrt3A : vector<1024x1xf32> to vector<1024x128xf32>
    %mul3A_174 = arith.mulf %sub3A_162, %mul3A_173 : vector<1024x128xf32>
    %mul3A_175 = vector.broadcast %get3A_155 : vector<1x128xf32> to vector<1024x128xf32>
    %mul3A_176 = arith.mulf %mul3A_174, %mul3A_175 : vector<1024x128xf32>
    %add3A_177 = vector.broadcast %get3A_158 : vector<1x128xf32> to vector<1024x128xf32>
    %add3A_178 = arith.addf %mul3A_176, %add3A_177 : vector<1024x128xf32>
    %reduce_sum3A_179 = arith.constant dense<0.000000e+00> : vector<1024xf32>
    %reduce_sum3A_180 = vector.multi_reduction <add>, %add3A_74, %reduce_sum3A_179 [1] : vector<1024x128xf32> to vector<1024xf32>
    %broadcast_in_dim3A_181 = vector.shape_cast %reduce_sum3A_180 : vector<1024xf32> to vector<1024x1xf32>
    %div3A_182 = arith.constant 1.280000e+02 : f32
    %div3A_183 = vector.broadcast %div3A_182 : f32 to vector<1024x1xf32>
    %div3A_184 = arith.divf %broadcast_in_dim3A_181, %div3A_183 : vector<1024x1xf32>
    %sub3A_185 = vector.broadcast %div3A_184 : vector<1024x1xf32> to vector<1024x128xf32>
    %sub3A_186 = arith.subf %add3A_74, %sub3A_185 : vector<1024x128xf32>
    %mul3A_187 = arith.mulf %sub3A_186, %sub3A_186 : vector<1024x128xf32>
    %reduce_sum3A_188 = arith.constant dense<0.000000e+00> : vector<1024xf32>
    %reduce_sum3A_189 = vector.multi_reduction <add>, %mul3A_187, %reduce_sum3A_188 [1] : vector<1024x128xf32> to vector<1024xf32>
    %broadcast_in_dim3A_190 = vector.shape_cast %reduce_sum3A_189 : vector<1024xf32> to vector<1024x1xf32>
    %div3A_191 = arith.constant 1.280000e+02 : f32
    %div3A_192 = vector.broadcast %div3A_191 : f32 to vector<1024x1xf32>
    %div3A_193 = arith.divf %broadcast_in_dim3A_190, %div3A_192 : vector<1024x1xf32>
    %add3A_194 = arith.constant 9.99999974E-6 : f32
    %add3A_195 = vector.broadcast %add3A_194 : f32 to vector<1024x1xf32>
    %add3A_196 = arith.addf %div3A_193, %add3A_195 : vector<1024x1xf32>
    %rsqrt3A_197 = math.rsqrt %add3A_196 : vector<1024x1xf32>
    %mul3A_198 = vector.broadcast %rsqrt3A_197 : vector<1024x1xf32> to vector<1024x128xf32>
    %mul3A_199 = arith.mulf %sub3A_186, %mul3A_198 : vector<1024x128xf32>
    %mul3A_200 = vector.broadcast %get3A_155 : vector<1x128xf32> to vector<1024x128xf32>
    %mul3A_201 = arith.mulf %mul3A_199, %mul3A_200 : vector<1024x128xf32>
    %add3A_202 = vector.broadcast %get3A_158 : vector<1x128xf32> to vector<1024x128xf32>
    %add3A_203 = arith.addf %mul3A_201, %add3A_202 : vector<1024x128xf32>
    %reduce_sum3A_204 = arith.constant dense<0.000000e+00> : vector<1024xf32>
    %reduce_sum3A_205 = vector.multi_reduction <add>, %add3A_113, %reduce_sum3A_204 [1] : vector<1024x128xf32> to vector<1024xf32>
    %broadcast_in_dim3A_206 = vector.shape_cast %reduce_sum3A_205 : vector<1024xf32> to vector<1024x1xf32>
    %div3A_207 = arith.constant 1.280000e+02 : f32
    %div3A_208 = vector.broadcast %div3A_207 : f32 to vector<1024x1xf32>
    %div3A_209 = arith.divf %broadcast_in_dim3A_206, %div3A_208 : vector<1024x1xf32>
    %sub3A_210 = vector.broadcast %div3A_209 : vector<1024x1xf32> to vector<1024x128xf32>
    %sub3A_211 = arith.subf %add3A_113, %sub3A_210 : vector<1024x128xf32>
    %mul3A_212 = arith.mulf %sub3A_211, %sub3A_211 : vector<1024x128xf32>
    %reduce_sum3A_213 = arith.constant dense<0.000000e+00> : vector<1024xf32>
    %reduce_sum3A_214 = vector.multi_reduction <add>, %mul3A_212, %reduce_sum3A_213 [1] : vector<1024x128xf32> to vector<1024xf32>
    %broadcast_in_dim3A_215 = vector.shape_cast %reduce_sum3A_214 : vector<1024xf32> to vector<1024x1xf32>
    %div3A_216 = arith.constant 1.280000e+02 : f32
    %div3A_217 = vector.broadcast %div3A_216 : f32 to vector<1024x1xf32>
    %div3A_218 = arith.divf %broadcast_in_dim3A_215, %div3A_217 : vector<1024x1xf32>
    %add3A_219 = arith.constant 9.99999974E-6 : f32
    %add3A_220 = vector.broadcast %add3A_219 : f32 to vector<1024x1xf32>
    %add3A_221 = arith.addf %div3A_218, %add3A_220 : vector<1024x1xf32>
    %rsqrt3A_222 = math.rsqrt %add3A_221 : vector<1024x1xf32>
    %mul3A_223 = vector.broadcast %rsqrt3A_222 : vector<1024x1xf32> to vector<1024x128xf32>
    %mul3A_224 = arith.mulf %sub3A_211, %mul3A_223 : vector<1024x128xf32>
    %mul3A_225 = vector.broadcast %get3A_155 : vector<1x128xf32> to vector<1024x128xf32>
    %mul3A_226 = arith.mulf %mul3A_224, %mul3A_225 : vector<1024x128xf32>
    %add3A_227 = vector.broadcast %get3A_158 : vector<1x128xf32> to vector<1024x128xf32>
    %add3A_228 = arith.addf %mul3A_226, %add3A_227 : vector<1024x128xf32>
    %reduce_sum3A_229 = arith.constant dense<0.000000e+00> : vector<1024xf32>
    %reduce_sum3A_230 = vector.multi_reduction <add>, %add3A_152, %reduce_sum3A_229 [1] : vector<1024x128xf32> to vector<1024xf32>
    %broadcast_in_dim3A_231 = vector.shape_cast %reduce_sum3A_230 : vector<1024xf32> to vector<1024x1xf32>
    %div3A_232 = arith.constant 1.280000e+02 : f32
    %div3A_233 = vector.broadcast %div3A_232 : f32 to vector<1024x1xf32>
    %div3A_234 = arith.divf %broadcast_in_dim3A_231, %div3A_233 : vector<1024x1xf32>
    %sub3A_235 = vector.broadcast %div3A_234 : vector<1024x1xf32> to vector<1024x128xf32>
    %sub3A_236 = arith.subf %add3A_152, %sub3A_235 : vector<1024x128xf32>
    %mul3A_237 = arith.mulf %sub3A_236, %sub3A_236 : vector<1024x128xf32>
    %reduce_sum3A_238 = arith.constant dense<0.000000e+00> : vector<1024xf32>
    %reduce_sum3A_239 = vector.multi_reduction <add>, %mul3A_237, %reduce_sum3A_238 [1] : vector<1024x128xf32> to vector<1024xf32>
    %broadcast_in_dim3A_240 = vector.shape_cast %reduce_sum3A_239 : vector<1024xf32> to vector<1024x1xf32>
    %div3A_241 = arith.constant 1.280000e+02 : f32
    %div3A_242 = vector.broadcast %div3A_241 : f32 to vector<1024x1xf32>
    %div3A_243 = arith.divf %broadcast_in_dim3A_240, %div3A_242 : vector<1024x1xf32>
    %add3A_244 = arith.constant 9.99999974E-6 : f32
    %add3A_245 = vector.broadcast %add3A_244 : f32 to vector<1024x1xf32>
    %add3A_246 = arith.addf %div3A_243, %add3A_245 : vector<1024x1xf32>
    %rsqrt3A_247 = math.rsqrt %add3A_246 : vector<1024x1xf32>
    %mul3A_248 = vector.broadcast %rsqrt3A_247 : vector<1024x1xf32> to vector<1024x128xf32>
    %mul3A_249 = arith.mulf %sub3A_236, %mul3A_248 : vector<1024x128xf32>
    %mul3A_250 = vector.broadcast %get3A_155 : vector<1x128xf32> to vector<1024x128xf32>
    %mul3A_251 = arith.mulf %mul3A_249, %mul3A_250 : vector<1024x128xf32>
    %add3A_252 = vector.broadcast %get3A_158 : vector<1x128xf32> to vector<1024x128xf32>
    %add3A_253 = arith.addf %mul3A_251, %add3A_252 : vector<1024x128xf32>
    %get3A_254 = arith.constant 0 : index
    %get3A_255 = arith.constant 0 : index
    %get3A_256 = vector.load %arg1[%get3A_254, %get3A_255] : memref<1024x16xf32, #tpu.memory_space<vmem>>, vector<1024x1xf32>
    %mul3A_257 = vector.broadcast %get3A_256 : vector<1024x1xf32> to vector<1024x128xf32>
    %mul3A_258 = arith.mulf %mul3A_257, %add3A_178 : vector<1024x128xf32>
    %get3A_259 = arith.constant 0 : index
    %get3A_260 = arith.constant 1 : index
    %get3A_261 = vector.load %arg1[%get3A_259, %get3A_260] : memref<1024x16xf32, #tpu.memory_space<vmem>>, vector<1024x1xf32>
    %mul3A_262 = vector.broadcast %get3A_261 : vector<1024x1xf32> to vector<1024x128xf32>
    %mul3A_263 = arith.mulf %mul3A_262, %add3A_203 : vector<1024x128xf32>
    %add3A_264 = arith.addf %mul3A_258, %mul3A_263 : vector<1024x128xf32>
    %get3A_265 = arith.constant 0 : index
    %get3A_266 = arith.constant 2 : index
    %get3A_267 = vector.load %arg1[%get3A_265, %get3A_266] : memref<1024x16xf32, #tpu.memory_space<vmem>>, vector<1024x1xf32>
    %mul3A_268 = vector.broadcast %get3A_267 : vector<1024x1xf32> to vector<1024x128xf32>
    %mul3A_269 = arith.mulf %mul3A_268, %add3A_228 : vector<1024x128xf32>
    %add3A_270 = arith.addf %add3A_264, %mul3A_269 : vector<1024x128xf32>
    %get3A_271 = arith.constant 0 : index
    %get3A_272 = arith.constant 3 : index
    %get3A_273 = vector.load %arg1[%get3A_271, %get3A_272] : memref<1024x16xf32, #tpu.memory_space<vmem>>, vector<1024x1xf32>
    %mul3A_274 = vector.broadcast %get3A_273 : vector<1024x1xf32> to vector<1024x128xf32>
    %mul3A_275 = arith.mulf %mul3A_274, %add3A_253 : vector<1024x128xf32>
    %add3A_276 = arith.addf %add3A_270, %mul3A_275 : vector<1024x128xf32>
    %get3A_277 = arith.constant 0 : index
    %get3A_278 = arith.constant 4 : index
    %get3A_279 = vector.load %arg1[%get3A_277, %get3A_278] : memref<1024x16xf32, #tpu.memory_space<vmem>>, vector<1024x1xf32>
    %mul3A_280 = vector.broadcast %get3A_279 : vector<1024x1xf32> to vector<1024x128xf32>
    %mul3A_281 = arith.mulf %mul3A_280, %add3A_178 : vector<1024x128xf32>
    %get3A_282 = arith.constant 0 : index
    %get3A_283 = arith.constant 5 : index
    %get3A_284 = vector.load %arg1[%get3A_282, %get3A_283] : memref<1024x16xf32, #tpu.memory_space<vmem>>, vector<1024x1xf32>
    %mul3A_285 = vector.broadcast %get3A_284 : vector<1024x1xf32> to vector<1024x128xf32>
    %mul3A_286 = arith.mulf %mul3A_285, %add3A_203 : vector<1024x128xf32>
    %add3A_287 = arith.addf %mul3A_281, %mul3A_286 : vector<1024x128xf32>
    %get3A_288 = arith.constant 0 : index
    %get3A_289 = arith.constant 6 : index
    %get3A_290 = vector.load %arg1[%get3A_288, %get3A_289] : memref<1024x16xf32, #tpu.memory_space<vmem>>, vector<1024x1xf32>
    %mul3A_291 = vector.broadcast %get3A_290 : vector<1024x1xf32> to vector<1024x128xf32>
    %mul3A_292 = arith.mulf %mul3A_291, %add3A_228 : vector<1024x128xf32>
    %add3A_293 = arith.addf %add3A_287, %mul3A_292 : vector<1024x128xf32>
    %get3A_294 = arith.constant 0 : index
    %get3A_295 = arith.constant 7 : index
    %get3A_296 = vector.load %arg1[%get3A_294, %get3A_295] : memref<1024x16xf32, #tpu.memory_space<vmem>>, vector<1024x1xf32>
    %mul3A_297 = vector.broadcast %get3A_296 : vector<1024x1xf32> to vector<1024x128xf32>
    %mul3A_298 = arith.mulf %mul3A_297, %add3A_253 : vector<1024x128xf32>
    %add3A_299 = arith.addf %add3A_293, %mul3A_298 : vector<1024x128xf32>
    %get3A_300 = arith.constant 0 : index
    %get3A_301 = arith.constant 8 : index
    %get3A_302 = vector.load %arg1[%get3A_300, %get3A_301] : memref<1024x16xf32, #tpu.memory_space<vmem>>, vector<1024x1xf32>
    %mul3A_303 = vector.broadcast %get3A_302 : vector<1024x1xf32> to vector<1024x128xf32>
    %mul3A_304 = arith.mulf %mul3A_303, %add3A_178 : vector<1024x128xf32>
    %get3A_305 = arith.constant 0 : index
    %get3A_306 = arith.constant 9 : index
    %get3A_307 = vector.load %arg1[%get3A_305, %get3A_306] : memref<1024x16xf32, #tpu.memory_space<vmem>>, vector<1024x1xf32>
    %mul3A_308 = vector.broadcast %get3A_307 : vector<1024x1xf32> to vector<1024x128xf32>
    %mul3A_309 = arith.mulf %mul3A_308, %add3A_203 : vector<1024x128xf32>
    %add3A_310 = arith.addf %mul3A_304, %mul3A_309 : vector<1024x128xf32>
    %get3A_311 = arith.constant 0 : index
    %get3A_312 = arith.constant 10 : index
    %get3A_313 = vector.load %arg1[%get3A_311, %get3A_312] : memref<1024x16xf32, #tpu.memory_space<vmem>>, vector<1024x1xf32>
    %mul3A_314 = vector.broadcast %get3A_313 : vector<1024x1xf32> to vector<1024x128xf32>
    %mul3A_315 = arith.mulf %mul3A_314, %add3A_228 : vector<1024x128xf32>
    %add3A_316 = arith.addf %add3A_310, %mul3A_315 : vector<1024x128xf32>
    %get3A_317 = arith.constant 0 : index
    %get3A_318 = arith.constant 11 : index
    %get3A_319 = vector.load %arg1[%get3A_317, %get3A_318] : memref<1024x16xf32, #tpu.memory_space<vmem>>, vector<1024x1xf32>
    %mul3A_320 = vector.broadcast %get3A_319 : vector<1024x1xf32> to vector<1024x128xf32>
    %mul3A_321 = arith.mulf %mul3A_320, %add3A_253 : vector<1024x128xf32>
    %add3A_322 = arith.addf %add3A_316, %mul3A_321 : vector<1024x128xf32>
    %get3A_323 = arith.constant 0 : index
    %get3A_324 = arith.constant 12 : index
    %get3A_325 = vector.load %arg1[%get3A_323, %get3A_324] : memref<1024x16xf32, #tpu.memory_space<vmem>>, vector<1024x1xf32>
    %mul3A_326 = vector.broadcast %get3A_325 : vector<1024x1xf32> to vector<1024x128xf32>
    %mul3A_327 = arith.mulf %mul3A_326, %add3A_178 : vector<1024x128xf32>
    %get3A_328 = arith.constant 0 : index
    %get3A_329 = arith.constant 13 : index
    %get3A_330 = vector.load %arg1[%get3A_328, %get3A_329] : memref<1024x16xf32, #tpu.memory_space<vmem>>, vector<1024x1xf32>
    %mul3A_331 = vector.broadcast %get3A_330 : vector<1024x1xf32> to vector<1024x128xf32>
    %mul3A_332 = arith.mulf %mul3A_331, %add3A_203 : vector<1024x128xf32>
    %add3A_333 = arith.addf %mul3A_327, %mul3A_332 : vector<1024x128xf32>
    %get3A_334 = arith.constant 0 : index
    %get3A_335 = arith.constant 14 : index
    %get3A_336 = vector.load %arg1[%get3A_334, %get3A_335] : memref<1024x16xf32, #tpu.memory_space<vmem>>, vector<1024x1xf32>
    %mul3A_337 = vector.broadcast %get3A_336 : vector<1024x1xf32> to vector<1024x128xf32>
    %mul3A_338 = arith.mulf %mul3A_337, %add3A_228 : vector<1024x128xf32>
    %add3A_339 = arith.addf %add3A_333, %mul3A_338 : vector<1024x128xf32>
    %get3A_340 = arith.constant 0 : index
    %get3A_341 = arith.constant 15 : index
    %get3A_342 = vector.load %arg1[%get3A_340, %get3A_341] : memref<1024x16xf32, #tpu.memory_space<vmem>>, vector<1024x1xf32>
    %mul3A_343 = vector.broadcast %get3A_342 : vector<1024x1xf32> to vector<1024x128xf32>
    %mul3A_344 = arith.mulf %mul3A_343, %add3A_253 : vector<1024x128xf32>
    %add3A_345 = arith.addf %add3A_339, %mul3A_344 : vector<1024x128xf32>
    %get3A_346 = arith.constant 1 : index
    %get3A_347 = arith.constant 0 : index
    %get3A_348 = vector.load %arg3[%get3A_346, %get3A_347] : memref<2x128xf32, #tpu.memory_space<vmem>>, vector<1x128xf32>
    %get3A_349 = arith.constant 1 : index
    %get3A_350 = arith.constant 0 : index
    %get3A_351 = vector.load %arg4[%get3A_349, %get3A_350] : memref<2x128xf32, #tpu.memory_space<vmem>>, vector<1x128xf32>
    %reduce_sum3A_352 = arith.constant dense<0.000000e+00> : vector<1024xf32>
    %reduce_sum3A_353 = vector.multi_reduction <add>, %add3A_276, %reduce_sum3A_352 [1] : vector<1024x128xf32> to vector<1024xf32>
    %broadcast_in_dim3A_354 = vector.shape_cast %reduce_sum3A_353 : vector<1024xf32> to vector<1024x1xf32>
    %div3A_355 = arith.constant 1.280000e+02 : f32
    %div3A_356 = vector.broadcast %div3A_355 : f32 to vector<1024x1xf32>
    %div3A_357 = arith.divf %broadcast_in_dim3A_354, %div3A_356 : vector<1024x1xf32>
    %sub3A_358 = vector.broadcast %div3A_357 : vector<1024x1xf32> to vector<1024x128xf32>
    %sub3A_359 = arith.subf %add3A_276, %sub3A_358 : vector<1024x128xf32>
    %mul3A_360 = arith.mulf %sub3A_359, %sub3A_359 : vector<1024x128xf32>
    %reduce_sum3A_361 = arith.constant dense<0.000000e+00> : vector<1024xf32>
    %reduce_sum3A_362 = vector.multi_reduction <add>, %mul3A_360, %reduce_sum3A_361 [1] : vector<1024x128xf32> to vector<1024xf32>
    %broadcast_in_dim3A_363 = vector.shape_cast %reduce_sum3A_362 : vector<1024xf32> to vector<1024x1xf32>
    %div3A_364 = arith.constant 1.280000e+02 : f32
    %div3A_365 = vector.broadcast %div3A_364 : f32 to vector<1024x1xf32>
    %div3A_366 = arith.divf %broadcast_in_dim3A_363, %div3A_365 : vector<1024x1xf32>
    %add3A_367 = arith.constant 9.99999974E-6 : f32
    %add3A_368 = vector.broadcast %add3A_367 : f32 to vector<1024x1xf32>
    %add3A_369 = arith.addf %div3A_366, %add3A_368 : vector<1024x1xf32>
    %rsqrt3A_370 = math.rsqrt %add3A_369 : vector<1024x1xf32>
    %mul3A_371 = vector.broadcast %rsqrt3A_370 : vector<1024x1xf32> to vector<1024x128xf32>
    %mul3A_372 = arith.mulf %sub3A_359, %mul3A_371 : vector<1024x128xf32>
    %mul3A_373 = vector.broadcast %get3A_348 : vector<1x128xf32> to vector<1024x128xf32>
    %mul3A_374 = arith.mulf %mul3A_372, %mul3A_373 : vector<1024x128xf32>
    %add3A_375 = vector.broadcast %get3A_351 : vector<1x128xf32> to vector<1024x128xf32>
    %add3A_376 = arith.addf %mul3A_374, %add3A_375 : vector<1024x128xf32>
    %reduce_sum3A_377 = arith.constant dense<0.000000e+00> : vector<1024xf32>
    %reduce_sum3A_378 = vector.multi_reduction <add>, %add3A_299, %reduce_sum3A_377 [1] : vector<1024x128xf32> to vector<1024xf32>
    %broadcast_in_dim3A_379 = vector.shape_cast %reduce_sum3A_378 : vector<1024xf32> to vector<1024x1xf32>
    %div3A_380 = arith.constant 1.280000e+02 : f32
    %div3A_381 = vector.broadcast %div3A_380 : f32 to vector<1024x1xf32>
    %div3A_382 = arith.divf %broadcast_in_dim3A_379, %div3A_381 : vector<1024x1xf32>
    %sub3A_383 = vector.broadcast %div3A_382 : vector<1024x1xf32> to vector<1024x128xf32>
    %sub3A_384 = arith.subf %add3A_299, %sub3A_383 : vector<1024x128xf32>
    %mul3A_385 = arith.mulf %sub3A_384, %sub3A_384 : vector<1024x128xf32>
    %reduce_sum3A_386 = arith.constant dense<0.000000e+00> : vector<1024xf32>
    %reduce_sum3A_387 = vector.multi_reduction <add>, %mul3A_385, %reduce_sum3A_386 [1] : vector<1024x128xf32> to vector<1024xf32>
    %broadcast_in_dim3A_388 = vector.shape_cast %reduce_sum3A_387 : vector<1024xf32> to vector<1024x1xf32>
    %div3A_389 = arith.constant 1.280000e+02 : f32
    %div3A_390 = vector.broadcast %div3A_389 : f32 to vector<1024x1xf32>
    %div3A_391 = arith.divf %broadcast_in_dim3A_388, %div3A_390 : vector<1024x1xf32>
    %add3A_392 = arith.constant 9.99999974E-6 : f32
    %add3A_393 = vector.broadcast %add3A_392 : f32 to vector<1024x1xf32>
    %add3A_394 = arith.addf %div3A_391, %add3A_393 : vector<1024x1xf32>
    %rsqrt3A_395 = math.rsqrt %add3A_394 : vector<1024x1xf32>
    %mul3A_396 = vector.broadcast %rsqrt3A_395 : vector<1024x1xf32> to vector<1024x128xf32>
    %mul3A_397 = arith.mulf %sub3A_384, %mul3A_396 : vector<1024x128xf32>
    %mul3A_398 = vector.broadcast %get3A_348 : vector<1x128xf32> to vector<1024x128xf32>
    %mul3A_399 = arith.mulf %mul3A_397, %mul3A_398 : vector<1024x128xf32>
    %add3A_400 = vector.broadcast %get3A_351 : vector<1x128xf32> to vector<1024x128xf32>
    %add3A_401 = arith.addf %mul3A_399, %add3A_400 : vector<1024x128xf32>
    %reduce_sum3A_402 = arith.constant dense<0.000000e+00> : vector<1024xf32>
    %reduce_sum3A_403 = vector.multi_reduction <add>, %add3A_322, %reduce_sum3A_402 [1] : vector<1024x128xf32> to vector<1024xf32>
    %broadcast_in_dim3A_404 = vector.shape_cast %reduce_sum3A_403 : vector<1024xf32> to vector<1024x1xf32>
    %div3A_405 = arith.constant 1.280000e+02 : f32
    %div3A_406 = vector.broadcast %div3A_405 : f32 to vector<1024x1xf32>
    %div3A_407 = arith.divf %broadcast_in_dim3A_404, %div3A_406 : vector<1024x1xf32>
    %sub3A_408 = vector.broadcast %div3A_407 : vector<1024x1xf32> to vector<1024x128xf32>
    %sub3A_409 = arith.subf %add3A_322, %sub3A_408 : vector<1024x128xf32>
    %mul3A_410 = arith.mulf %sub3A_409, %sub3A_409 : vector<1024x128xf32>
    %reduce_sum3A_411 = arith.constant dense<0.000000e+00> : vector<1024xf32>
    %reduce_sum3A_412 = vector.multi_reduction <add>, %mul3A_410, %reduce_sum3A_411 [1] : vector<1024x128xf32> to vector<1024xf32>
    %broadcast_in_dim3A_413 = vector.shape_cast %reduce_sum3A_412 : vector<1024xf32> to vector<1024x1xf32>
    %div3A_414 = arith.constant 1.280000e+02 : f32
    %div3A_415 = vector.broadcast %div3A_414 : f32 to vector<1024x1xf32>
    %div3A_416 = arith.divf %broadcast_in_dim3A_413, %div3A_415 : vector<1024x1xf32>
    %add3A_417 = arith.constant 9.99999974E-6 : f32
    %add3A_418 = vector.broadcast %add3A_417 : f32 to vector<1024x1xf32>
    %add3A_419 = arith.addf %div3A_416, %add3A_418 : vector<1024x1xf32>
    %rsqrt3A_420 = math.rsqrt %add3A_419 : vector<1024x1xf32>
    %mul3A_421 = vector.broadcast %rsqrt3A_420 : vector<1024x1xf32> to vector<1024x128xf32>
    %mul3A_422 = arith.mulf %sub3A_409, %mul3A_421 : vector<1024x128xf32>
    %mul3A_423 = vector.broadcast %get3A_348 : vector<1x128xf32> to vector<1024x128xf32>
    %mul3A_424 = arith.mulf %mul3A_422, %mul3A_423 : vector<1024x128xf32>
    %add3A_425 = vector.broadcast %get3A_351 : vector<1x128xf32> to vector<1024x128xf32>
    %add3A_426 = arith.addf %mul3A_424, %add3A_425 : vector<1024x128xf32>
    %reduce_sum3A_427 = arith.constant dense<0.000000e+00> : vector<1024xf32>
    %reduce_sum3A_428 = vector.multi_reduction <add>, %add3A_345, %reduce_sum3A_427 [1] : vector<1024x128xf32> to vector<1024xf32>
    %broadcast_in_dim3A_429 = vector.shape_cast %reduce_sum3A_428 : vector<1024xf32> to vector<1024x1xf32>
    %div3A_430 = arith.constant 1.280000e+02 : f32
    %div3A_431 = vector.broadcast %div3A_430 : f32 to vector<1024x1xf32>
    %div3A_432 = arith.divf %broadcast_in_dim3A_429, %div3A_431 : vector<1024x1xf32>
    %sub3A_433 = vector.broadcast %div3A_432 : vector<1024x1xf32> to vector<1024x128xf32>
    %sub3A_434 = arith.subf %add3A_345, %sub3A_433 : vector<1024x128xf32>
    %mul3A_435 = arith.mulf %sub3A_434, %sub3A_434 : vector<1024x128xf32>
    %reduce_sum3A_436 = arith.constant dense<0.000000e+00> : vector<1024xf32>
    %reduce_sum3A_437 = vector.multi_reduction <add>, %mul3A_435, %reduce_sum3A_436 [1] : vector<1024x128xf32> to vector<1024xf32>
    %broadcast_in_dim3A_438 = vector.shape_cast %reduce_sum3A_437 : vector<1024xf32> to vector<1024x1xf32>
    %div3A_439 = arith.constant 1.280000e+02 : f32
    %div3A_440 = vector.broadcast %div3A_439 : f32 to vector<1024x1xf32>
    %div3A_441 = arith.divf %broadcast_in_dim3A_438, %div3A_440 : vector<1024x1xf32>
    %add3A_442 = arith.constant 9.99999974E-6 : f32
    %add3A_443 = vector.broadcast %add3A_442 : f32 to vector<1024x1xf32>
    %add3A_444 = arith.addf %div3A_441, %add3A_443 : vector<1024x1xf32>
    %rsqrt3A_445 = math.rsqrt %add3A_444 : vector<1024x1xf32>
    %mul3A_446 = vector.broadcast %rsqrt3A_445 : vector<1024x1xf32> to vector<1024x128xf32>
    %mul3A_447 = arith.mulf %sub3A_434, %mul3A_446 : vector<1024x128xf32>
    %mul3A_448 = vector.broadcast %get3A_348 : vector<1x128xf32> to vector<1024x128xf32>
    %mul3A_449 = arith.mulf %mul3A_447, %mul3A_448 : vector<1024x128xf32>
    %add3A_450 = vector.broadcast %get3A_351 : vector<1x128xf32> to vector<1024x128xf32>
    %add3A_451 = arith.addf %mul3A_449, %add3A_450 : vector<1024x128xf32>
    %get3A_452 = arith.constant 0 : index
    %get3A_453 = arith.constant 0 : index
    %get3A_454 = vector.load %arg6[%get3A_452, %get3A_453] : memref<1x128xf32, #tpu.memory_space<vmem>>, vector<1x128xf32>
    %get3A_455 = arith.constant 0 : index
    %get3A_456 = arith.constant 0 : index
    %get3A_457 = vector.load %arg5[%get3A_455, %get3A_456] : memref<512x128xf32, #tpu.memory_space<vmem>>, vector<128x128xf32>
    %dot_general3A = arith.constant dense<0.000000e+00> : vector<1024x128xf32>
    %dot_general3A_458 = tpu.matmul %add3A_376, %get3A_457, %dot_general3A {dimension_numbers = #tpu.dot_dimension_numbers<[1], [0], [0], [1], [0, 0, 1, 1], [], []>, transpose_lhs_hint = false} : vector<1024x128xf32>, vector<128x128xf32>, vector<1024x128xf32> -> vector<1024x128xf32>
    %add3A_459 = vector.broadcast %get3A_454 : vector<1x128xf32> to vector<1024x128xf32>
    %add3A_460 = arith.addf %add3A_459, %dot_general3A_458 : vector<1024x128xf32>
    %get3A_461 = arith.constant 128 : index
    %get3A_462 = arith.constant 0 : index
    %get3A_463 = vector.load %arg5[%get3A_461, %get3A_462] : memref<512x128xf32, #tpu.memory_space<vmem>>, vector<128x128xf32>
    %dot_general3A_464 = arith.constant dense<0.000000e+00> : vector<1024x128xf32>
    %dot_general3A_465 = tpu.matmul %add3A_401, %get3A_463, %dot_general3A_464 {dimension_numbers = #tpu.dot_dimension_numbers<[1], [0], [0], [1], [0, 0, 1, 1], [], []>, transpose_lhs_hint = false} : vector<1024x128xf32>, vector<128x128xf32>, vector<1024x128xf32> -> vector<1024x128xf32>
    %add3A_466 = arith.addf %add3A_460, %dot_general3A_465 : vector<1024x128xf32>
    %get3A_467 = arith.constant 256 : index
    %get3A_468 = arith.constant 0 : index
    %get3A_469 = vector.load %arg5[%get3A_467, %get3A_468] : memref<512x128xf32, #tpu.memory_space<vmem>>, vector<128x128xf32>
    %dot_general3A_470 = arith.constant dense<0.000000e+00> : vector<1024x128xf32>
    %dot_general3A_471 = tpu.matmul %add3A_426, %get3A_469, %dot_general3A_470 {dimension_numbers = #tpu.dot_dimension_numbers<[1], [0], [0], [1], [0, 0, 1, 1], [], []>, transpose_lhs_hint = false} : vector<1024x128xf32>, vector<128x128xf32>, vector<1024x128xf32> -> vector<1024x128xf32>
    %add3A_472 = arith.addf %add3A_466, %dot_general3A_471 : vector<1024x128xf32>
    %get3A_473 = arith.constant 384 : index
    %get3A_474 = arith.constant 0 : index
    %get3A_475 = vector.load %arg5[%get3A_473, %get3A_474] : memref<512x128xf32, #tpu.memory_space<vmem>>, vector<128x128xf32>
    %dot_general3A_476 = arith.constant dense<0.000000e+00> : vector<1024x128xf32>
    %dot_general3A_477 = tpu.matmul %add3A_451, %get3A_475, %dot_general3A_476 {dimension_numbers = #tpu.dot_dimension_numbers<[1], [0], [0], [1], [0, 0, 1, 1], [], []>, transpose_lhs_hint = false} : vector<1024x128xf32>, vector<128x128xf32>, vector<1024x128xf32> -> vector<1024x128xf32>
    %add3A_478 = arith.addf %add3A_472, %dot_general3A_477 : vector<1024x128xf32>
    %max3A = arith.constant 0.000000e+00 : f32
    %max3A_479 = vector.broadcast %max3A : f32 to vector<1024x128xf32>
    %max3A_480 = arith.maximumf %add3A_478, %max3A_479 : vector<1024x128xf32>
    %get3A_481 = arith.constant 0 : index
    %get3A_482 = arith.constant 0 : index
    %get3A_483 = vector.load %arg7[%get3A_481, %get3A_482] : memref<128x64xf32, #tpu.memory_space<vmem>>, vector<128x64xf32>
    %dot_general3A_484 = arith.constant dense<0.000000e+00> : vector<1024x64xf32>
    %dot_general3A_485 = tpu.matmul %max3A_480, %get3A_483, %dot_general3A_484 {dimension_numbers = #tpu.dot_dimension_numbers<[1], [0], [0], [1], [0, 0, 1, 1], [], []>, transpose_lhs_hint = false} : vector<1024x128xf32>, vector<128x64xf32>, vector<1024x64xf32> -> vector<1024x64xf32>
    %get3A_486 = arith.constant 0 : index
    %get3A_487 = arith.constant 0 : index
    %get3A_488 = vector.load %arg8[%get3A_486, %get3A_487] : memref<1x64xf32, #tpu.memory_space<vmem>>, vector<1x64xf32>
    %add3A_489 = vector.broadcast %get3A_488 : vector<1x64xf32> to vector<1024x64xf32>
    %add3A_490 = arith.addf %dot_general3A_485, %add3A_489 : vector<1024x64xf32>
    %max3A_491 = arith.constant 0.000000e+00 : f32
    %max3A_492 = vector.broadcast %max3A_491 : f32 to vector<1024x64xf32>
    %max3A_493 = arith.maximumf %add3A_490, %max3A_492 : vector<1024x64xf32>
    %get3A_494 = arith.constant 0 : index
    %get3A_495 = arith.constant 0 : index
    %get3A_496 = vector.load %arg9[%get3A_494, %get3A_495] : memref<2x64xf32, #tpu.memory_space<vmem>>, vector<1x64xf32>
    %mul3A_497 = vector.broadcast %get3A_496 : vector<1x64xf32> to vector<1024x64xf32>
    %mul3A_498 = arith.mulf %max3A_493, %mul3A_497 : vector<1024x64xf32>
    %reduce_sum3A_499 = arith.constant dense<0.000000e+00> : vector<1024xf32>
    %reduce_sum3A_500 = vector.multi_reduction <add>, %mul3A_498, %reduce_sum3A_499 [1] : vector<1024x64xf32> to vector<1024xf32>
    %broadcast_in_dim3A_501 = vector.shape_cast %reduce_sum3A_500 : vector<1024xf32> to vector<1024x1xf32>
    %get3A_502 = arith.constant 0 : index
    %get3A_503 = memref.load %arg10[%get3A_502] : memref<2xf32, #tpu.memory_space<smem>>
    %add3A_504 = vector.broadcast %get3A_503 : f32 to vector<1024x1xf32>
    %add3A_505 = arith.addf %broadcast_in_dim3A_501, %add3A_504 : vector<1024x1xf32>
    %get3A_506 = arith.constant 1 : index
    %get3A_507 = arith.constant 0 : index
    %get3A_508 = vector.load %arg9[%get3A_506, %get3A_507] : memref<2x64xf32, #tpu.memory_space<vmem>>, vector<1x64xf32>
    %mul3A_509 = vector.broadcast %get3A_508 : vector<1x64xf32> to vector<1024x64xf32>
    %mul3A_510 = arith.mulf %max3A_493, %mul3A_509 : vector<1024x64xf32>
    %reduce_sum3A_511 = arith.constant dense<0.000000e+00> : vector<1024xf32>
    %reduce_sum3A_512 = vector.multi_reduction <add>, %mul3A_510, %reduce_sum3A_511 [1] : vector<1024x64xf32> to vector<1024xf32>
    %broadcast_in_dim3A_513 = vector.shape_cast %reduce_sum3A_512 : vector<1024xf32> to vector<1024x1xf32>
    %get3A_514 = arith.constant 1 : index
    %get3A_515 = memref.load %arg10[%get3A_514] : memref<2xf32, #tpu.memory_space<smem>>
    %add3A_516 = vector.broadcast %get3A_515 : f32 to vector<1024x1xf32>
    %add3A_517 = arith.addf %broadcast_in_dim3A_513, %add3A_516 : vector<1024x1xf32>
    %logistic3A = arith.negf %add3A_505 : vector<1024x1xf32>
    %logistic3A_518 = math.exp %logistic3A : vector<1024x1xf32>
    %logistic3A_519 = arith.constant 1.000000e+00 : f32
    %logistic3A_520 = vector.broadcast %logistic3A_519 : f32 to vector<1024x1xf32>
    %logistic3A_521 = arith.addf %logistic3A_520, %logistic3A_518 : vector<1024x1xf32>
    %logistic3A_522 = arith.divf %logistic3A_520, %logistic3A_521 : vector<1024x1xf32>
    %swap3A = arith.constant 0 : index
    %swap3A_523 = arith.constant 0 : index
    %swap3A_524 = vector.load %arg11[%swap3A, %swap3A_523] : memref<1024x2xf32, #tpu.memory_space<vmem>>, vector<1024x1xf32>
    tpu.vector_store %arg11[%swap3A, %swap3A_523], %logistic3A_522 {strides = array<i32>} : memref<1024x2xf32, #tpu.memory_space<vmem>>, vector<1024x1xf32>,
    %swap3A_525 = arith.constant 0 : index
    %swap3A_526 = arith.constant 1 : index
    %swap3A_527 = vector.load %arg11[%swap3A_525, %swap3A_526] : memref<1024x2xf32, #tpu.memory_space<vmem>>, vector<1024x1xf32>
    tpu.vector_store %arg11[%swap3A_525, %swap3A_526], %add3A_517 {strides = array<i32>} : memref<1024x2xf32, #tpu.memory_space<vmem>>, vector<1024x1xf32>,
    return
  }
}

</mosaic_0001>

<sc_bundles>
// kernel: kernel.4.cloned.1.call-start
scs
__scs_entry_jumppad:
0x0: {  	(pc) =	sbr.rel $0x88, $3  }
0x1: {  	(tag) =	ssettag $0x0;
	lr =	simm.s32 $0x1  }
0x2: {  	[smem:$0x3F96] =	sst lr;
	_ =	strace $0xD0000000  }
0x3: {  	_ = 	snop  }
0x4: {  	_ = 	snop  }
0x5: {  	_ = 	snop  }
0x6: {  	_ = 	snop  }
0x7: {  	_ = 	snop  }
__scs_overlays_trampoline_lowered:
0x8: {  	[smem:$0x3FA5] =	sst s0  }
0x9: {  	[smem:$0x3FA6] =	sst s1  }
0xa: {  	[smem:$0x3FA7] =	sst s2  }
0xb: {  	[smem:$0x3FA8] =	sst s3  }
0xc: {  	[smem:$0x3FA9] =	sst s4  }
0xd: {  	[smem:$0x3FAA] =	sst s5  }
0xe: {  	[smem:$0x3FAB] =	sst s6  }
0xf: {  	[smem:$0x3FAC] =	sst s7  }
0x10: {  	[smem:$0x3FAD] =	sst s8  }
0x11: {  	[smem:$0x3FAE] =	sst s9;
	s0 =	simm.s32 @!p0 $0x0  }
0x12: {  	s1 =	sld [smem:$0x3F94];
	s0 =	simm.s32 @p0 $0x1  }
0x13: {  	[smem:$0x3FAF] =	sst s0;
	s0 =	simm.s32 @!p1 $0x0  }
0x14: {  	s2 =	sld [smem:$0x3F93];
	s0 =	simm.s32 @p1 $0x1  }
0x15: {  	[smem:$0x3FB0] =	sst s0;
	s0 =	simm.s32 @!p2 $0x0  }
0x16: {  	s3 =	sld [smem:$0x3FDB];
	s0 =	simm.s32 @p2 $0x1  }
0x17: {  	s4 =	simm.s32 $0x1BF5;
	[smem:$0x3FB2] =	sst s0  }
0x18: {  	s0 =	sld [smem:$0x3F95];
	_ =	swait.ge [sflag:s4], $0x0  }
0x19: {  	s7 =	sld [smem:$0x3F96]  }
0x1a: {  	s8 =	sadd.s32 $0xFFFFE003, lr  }
0x1b: {  	s9 =	sadd.s32 $0xFFFFFEF7, lr;
	s5 =	simm.s32 $0xFFFFFFFF;
	p2 =	slt.u32 s8, $0xFFFFF086  }
0x1c: {  	p1 =	slt.u32 s9, $0xF7A;
	s5 =	simm.s32 @!p2 $0x0  }
0x1d: {  	s5 =	simm.s32 @p1 $0x1;
	p0 =	seq.s32 s7, s2  }
0x1e: {  	s7 =	smul.u32 @!p0 $0xF7A, s2;
	p2 =	seq.s32 @!p0 s5, $0x0  }
0x1f: {  	s9 =	smul.u32 $0xF7A, s1;
	s8 =	simm.s32 @!p0 $0x1BF5;
	p2 =	por !p2, p0  }
0x20: {  	[sflag:s8] =	ssyncset.s32 @!p0 $0xFFFFF086;
	s6 =	sadd.s32 @!p0 s3, s7;
	s7 =	simm.s32 @!p0 $0x108  }
0x21: {  	s3 =	sadd.s32 s3, s9;
	s6 =	sadd.s32 @!p0 $0x88, s6;
	s7 =	simm.s32 @p2 $0x1082  }
0x22: {  	[simem:s7], [sflag:s8] =	dma.local @!p0 [hbm:s6], $0xF7A  }
0x23: {  	s9 =	sor.u32 $0xD0000000, s2;
	s6 =	simm.s32 $0x108;
	_ =	swait.ge @!p0 [sflag:s8], $0x0  }
0x24: {  	s3 =	sadd.s32 $0x88, s3;
	s6 =	simm.s32 @!p1 $0x1082;
	[sflag:s4] =	ssyncset.s32 $0xFFFFF086  }
0x25: {  	[simem:s6], [sflag:s4] =	dma.local [hbm:s3], $0xF7A  }
0x26: {  	[smem:$0x3F96] =	sst s1;
	(tag) =	ssettag s2;
	_ =	strace s9  }
0x27: {  	s1 =	sld [smem:$0x3FA6]  }
0x28: {  	s2 =	sld [smem:$0x3FA7]  }
0x29: {  	s4 =	sld [smem:$0x3FA9]  }
0x2a: {  	p0 =	seq.s32 s5, $0x0;
	s5 =	sld [smem:$0x3FAA]  }
0x2b: {  	s6 =	sld [smem:$0x3FAB]  }
0x2c: {  	s7 =	sld [smem:$0x3FAC]  }
0x2d: {  	s3 =	simm.s32 $0x108;
	s8 =	sld [smem:$0x3FAD]  }
0x2e: {  	s3 =	simm.s32 @!p0 $0x1082;
	s9 =	sld [smem:$0x3FAE]  }
0x2f: {  	lr =	sadd.s32 s0, s3;
	s0 =	sld [smem:$0x3FA5]  }
0x30: {  	s3 =	sld [smem:$0x3FA8]  }
0x31: {  	[smem:$0x3FB1] =	sst s10  }
0x32: {  	s10 =	sld [smem:$0x3FAF];
	_ =	sdelay $0x3  }
0x33: {  	p0 =	seq.s32 s10, $0x1;
	s10 =	sld [smem:$0x3FB1];
	_ =	sdelay $0x3  }
0x34: {  	[smem:$0x3FB1] =	sst s10  }
0x35: {  	s10 =	sld [smem:$0x3FB0];
	_ =	sdelay $0x3  }
0x36: {  	p1 =	seq.s32 s10, $0x1;
	s10 =	sld [smem:$0x3FB1];
	_ =	sdelay $0x3  }
0x37: {  	[smem:$0x3FB1] =	sst s10  }
0x38: {  	s10 =	sld [smem:$0x3FB2]  }
0x39: {  	_ = 	snop;
	(pc) =	sbr.ind lr, $3  }
0x3a: {  	_ = 	snop  }
0x3b: {  	_ = 	snop  }
0x3c: {  	p2 =	seq.s32 s10, $0x1;
	s10 =	sld [smem:$0x3FB1]  }
0x3d: {  	_ =	shalt  }
0x3e: {  	_ =	shalt  }
0x3f: {  	_ =	shalt  }
0x40: {  	_ =	shalt  }
0x41: {  	_ =	shalt  }
0x42: {  	_ =	shalt  }
0x43: {  	_ =	shalt  }
0x44: {  	_ =	shalt  }
0x45: {  	_ =	shalt  }
0x46: {  	_ =	shalt  }
0x47: {  	_ =	shalt  }
0x48: {  	_ =	shalt  }
0x49: {  	_ =	shalt  }
0x4a: {  	_ =	shalt  }
0x4b: {  	_ =	shalt  }
0x4c: {  	_ =	shalt  }
0x4d: {  	_ =	shalt  }
0x4e: {  	_ =	shalt  }
0x4f: {  	_ =	shalt  }
0x50: {  	_ =	shalt  }
0x51: {  	_ =	shalt  }
0x52: {  	_ =	shalt  }
0x53: {  	_ =	shalt  }
0x54: {  	_ =	shalt  }
0x55: {  	_ =	shalt  }
0x56: {  	_ =	shalt  }
0x57: {  	_ =	shalt  }
0x58: {  	_ =	shalt  }
0x59: {  	_ =	shalt  }
0x5a: {  	_ =	shalt  }
0x5b: {  	_ =	shalt  }
0x5c: {  	_ =	shalt  }
0x5d: {  	_ =	shalt  }
0x5e: {  	_ =	shalt  }
0x5f: {  	_ =	shalt  }
0x60: {  	_ =	shalt  }
0x61: {  	_ =	shalt  }
0x62: {  	_ =	shalt  }
0x63: {  	_ =	shalt  }
0x64: {  	_ =	shalt  }
0x65: {  	_ =	shalt  }
0x66: {  	_ =	shalt  }
0x67: {  	_ =	shalt  }
0x68: {  	_ =	shalt  }
0x69: {  	_ =	shalt  }
0x6a: {  	_ =	shalt  }
0x6b: {  	_ =	shalt  }
0x6c: {  	_ =	shalt  }
0x6d: {  	_ =	shalt  }
0x6e: {  	_ =	shalt  }
0x6f: {  	_ =	shalt  }
0x70: {  	_ =	shalt  }
0x71: {  	_ =	shalt  }
0x72: {  	_ =	shalt  }
0x73: {  	_ =	shalt  }
0x74: {  	_ =	shalt  }
0x75: {  	_ =	shalt  }
0x76: {  	_ =	shalt  }
0x77: {  	_ =	shalt  }
0x78: {  	_ =	shalt  }
0x79: {  	_ =	shalt  }
0x7a: {  	_ =	shalt  }
0x7b: {  	_ =	shalt  }
0x7c: {  	_ =	shalt  }
0x7d: {  	_ =	shalt  }
0x7e: {  	_ =	shalt  }
0x7f: {  	_ =	shalt  }
0x80: {  	_ =	shalt  }
0x81: {  	_ =	shalt  }
0x82: {  	_ =	shalt  }
0x83: {  	_ =	shalt  }
0x84: {  	_ =	shalt  }
0x85: {  	_ =	shalt  }
0x86: {  	_ =	shalt  }
0x87: {  	_ =	shalt  }
.Lfunc_end0:
.L_simem_size_0:
called_computation_lowered:
.L_overlay_start_0:
0x88: {  	s2 =	sld [smem:$0x3FD9]  }
0x89: {  	s3 =	sld [smem:$0x3FFE];
	_ =	sdelay $0x1  }
0x8a: {  	s1 =	srdreg.scid  }
0x8b: {  	s0 =	sand.u32 $0x1, s1  }
0x8c: {  	s16 =	sshll.u32 s0, $0xA;
	s2 =	sadd.s32 s3, s2  }
0x8d: {  	s2 =	sadd.s32 s2, s16  }
0x8e: {  	[smem:$0x3FBD] =	sst s2  }
0x8f: {  	_ = 	snop  }
0x90: {  	(tm) =	ssettm $0x1  }
0x91: {  	s17 =	sld [smem:$0x3FFB];
	_ =	sdelay $0x3  }
0x92: {  	_ =	strace s17  }
0x93: {  	s2 =	sld [smem:$0x3FFC];
	_ =	sdelay $0x3  }
0x94: {  	_ =	strace s2  }
0x95: {  	s2 =	sld [smem:$0x3FFD];
	_ =	sdelay $0x3  }
0x96: {  	_ =	strace s2  }
0x97: {  	_ =	strace $0x8FFFFFFF  }
0x98: {  	s18 =	sld [smem:$0x3FDB];
	_ =	sdelay $0x1  }
0x99: {  	s19 =	simm.s32 $_scs_section_size  }
0x9a: {  	s4 =	simm.s32 $_size__tile_overlayer_lowered;
	s5 =	simm.s32 $_tile_overlayer_lowered  }
0x9b: {  	s22 =	simm.s32 $0x1BFF;
	s21 =	sshll.u32 s5, $0x1;
	s2 =	sadd.s32 s19, s18  }
0x9c: {  	s6 =	simm.s32 $0x0;
	s20 =	sshll.u32 s4, $0x1;
	s4 =	sadd.s32 s21, s2  }
0x9d: {  	[timem:s6], [sflag:s22] =	dma.local [hbm:s4], s20  }
0x9e: {  	_ =	swait.ge [sflag:s22], s20  }
0x9f: {  	s3 =	ssub.s32 $0x0, s20;
	[sflag:s22] =	ssyncset.done $0x0  }
0xa0: {  	[sflag:s22] =	ssyncadd.s32 s3;
	_ =	sdelay $0x1  }
0xa1: {  	s23 =	simm.s32 $0x1B8B  }
0xa2: {  	_ =	swait.ge [sflag:s23], $0x1  }
0xa3: {  	[sflag:s23] =	ssyncset.done $0x0  }
0xa4: {  	s25 =	simm.s32 $0x1B8E;
	s24 =	sld [smem:$0x3FFE];
	[sflag:s23] =	ssyncadd.s32 $0xFFFFFFFF  }
0xa5: {  	s26 =	simm.s32 $execute0_lowered;
	[smem:$0x3FD2] =	sst s25  }
0xa6: {  	s4 =	sshll.u32 s26, $0x1;
	_ =	strace $0x80000046;
	[dreg:$0x1] =	wrdreg $0xFFFFFFFF  }
0xa7: {  	s28 =	simm.s32 $_size_execute0_lowered;
	s2 =	sadd.s32 s2, s4;
	[dreg:$0x0] =	wrdreg $0x0  }
0xa8: {  	s4 =	sshll.u32 s28, $0x1;
	[dreg:$0x2] =	wrdreg s2  }
0xa9: {  	[dreg:$0x3] =	wrdreg s4  }
0xaa: {  	[dreg:$0x4] =	wrdreg $0xC0  }
0xab: {  	_ =	task [dreg:s6], $0x5FFFF  }
0xac: {  	[dreg:$0x1] =	wrdreg $0xFFFFFFFF  }
0xad: {  	[dreg:$0x0] =	wrdreg $0x60  }
0xae: {  	[dreg:$0x2] =	wrdreg s24  }
0xaf: {  	[dreg:$0x3] =	wrdreg $0x9  }
0xb0: {  	_ =	task.clear_ibuf [dreg:s6], $0x4FFFF;
	_ =	strace $0x90000046  }
0xb1: {  	s29 =	simm.s32 $0x9;
	_ =	strace $0x80000048  }
0xb2: {  	_ =	swait.ge [sflag:s29], $0x1  }
0xb3: {  	[sflag:s29] =	ssyncadd.s32 $0xFFFFFFFF  }
0xb4: {  	_ =	strace $0x90000048  }
0xb5: {  	_ =	sfence  }
0xb6: {  	s30 =	sld [smem:$0x0];
	_ =	sdelay $0x2  }
0xb7: {  	s31 =	sshll.u32 s1, $0xD;
	s1 =	sshrl.u32 s1, $0x2  }
0xb8: {  	s3 =	sand.u32 $0x4000, s31;
	s1 =	sadd.s32 s1, s30  }
0xb9: {  	s0 =	sor.u32 s3, s0;
	s1 =	sshll.u32 s1, $0x11  }
0xba: {  	s0 =	sor.u32 s1, s0  }
0xbb: {  	s0 =	sadd.s32 $0x8F2B, s0  }
0xbc: {  	[sflag:s0] =	ssyncadd.remote.s32 $0x1  }
0xbd: {  	_ =	sfence.sel $0xFFFF  }
0xbe: {  	[dreg:$0x0] =	wrdreg $0xFFFFFFFF;
	(pc) =	sbr.abs _section_cstart, $3  }
0xbf: {  	[dreg:$0x1] =	wrdreg $0xFFFFFFFF  }
0xc0: {  	_ =	task.clear_ibuf [dreg:s6], $0x2FFFF;
	_ =	strace $0x9FFFFFFF  }
0xc1: {  	(tm) =	ssettm $0x7FFFFFFF  }
tec
execute0_lowered:
.L_overlay_start_1:
0x0: {  	(tag) =	ssettag $0x1  }
0x1: {  	s1 =	srdreg.scid  }
0x2: {  	s0 =	stileid.u32;
	s4 =	rddreg [dreg:$0x0];
	s2 =	simm.s32 $0x0  }
0x3: {  	s9 =	simm.s32 $0x1C00;
	s3 =	sand.u32 $0x1, s1;
	s1 =	rddreg [dreg:$0x1]  }
0x4: {  	s10 =	simm.s32 $0x0;
	s31 =	sshll.u32 s0, $0x1;
	[smem:$0x7FF] =	sst s2  }
0x5: {  	s5 =	sor.u32 s3, s31;
	_ =	strace $0x80000047;
	s7 =	ssub.s32 $0x2, s3  }
0x6: {  	s6 =	smul.u32 $0x280, s5;
	s5 =	sshll.u32 s5, $0x9;
	s8 =	sshrl.u32 s7, $0x1  }
0x7: {  	s3 =	sadd.s32 $0x6200, s4;
	s5 =	sadd.s32 s5, s4;
	s7 =	ssub.s32 s7, s8  }
0x8: {  	s8 =	simm.s32 $0x1400;
	s6 =	sadd.s32 s6, s4;
	s5 =	sadd.s32 $0x6400, s5  }
0x9: {  	v0 =	vimm.s32 $0x0;
	v1 =	vimm.f32 $1.000000000e+00;
	s4 =	sadd.s32 $0x1200, s6;
	s6 =	smax.u32 s7, $0x1;
	s7 =	simm.s32 $0x1  }
.LBB2_1:
0xa: {  	[tilespmem:s2], [sflag:$0x1] =	stream.linear.gather [hbm4b:s4+s2], $0x1400, $0x38;
	[tilespmem:$0x2C00] =	vst v63  }
0xb: {  	_ =	swait.ge [sflag:s7], $0x1400  }
0xc: {  	[sflag:s7] =	ssyncset.done $0x0  }
0xd: {  	[sflag:s7] =	ssyncadd.s32 $0xFFFFEC00  }
0xe: {  	[tilespmem:s8], [sflag:$0x1] =	stream.linear.gather [hbm4b:s3+s2], $0x600, $0x38;
	[tilespmem:$0x2C00] =	vst v63  }
0xf: {  	_ =	swait.ge [sflag:s7], $0x600  }
0x10: {  	[sflag:s7] =	ssyncset.done $0x0  }
0x11: {  	[sflag:s7] =	ssyncadd.s32 $0xFFFFFA00  }
0x12: {  	v2 =	vld [tilespmem:$0x1400]  }
0x13: {  	v15 =	vimm.f32 $0.0e+00;
	v14 =	vimm.f32 $1.000000000e+00;
	v3 =	vld [tilespmem:$0x1480]  }
0x14: {  	v16 =	vimm.f32 $0.0e+00;
	v17 =	vimm.f32 $0.0e+00;
	v22 =	vimm.f32 $0.0e+00;
	v4 =	vld [tilespmem:$0x1500]  }
0x15: {  	v23 =	vimm.f32 $1.000000000e+00;
	v24 =	vimm.f32 $0.0e+00;
	v26 =	vimm.f32 $0.0e+00;
	v5 =	vld [tilespmem:$0x1700]  }
0x16: {  	v27 =	vimm.f32 $0.0e+00;
	v28 =	vimm.f32 $0.0e+00;
	v31 =	vimm.f32 $1.000000000e+00;
	v6 =	vld [tilespmem:$0x1780]  }
0x17: {  	v33 =	vimm.f32 $0.0e+00;
	v18 =	vimm.f32 $0.0e+00;
	v19 =	vimm.f32 $0.0e+00;
	v7 =	vld [tilespmem:$0x1800]  }
0x18: {  	v20 =	vimm.f32 $0.0e+00;
	v21 =	vimm.f32 $1.000000000e+00;
	v25 =	vimm.f32 $1.000000000e+00;
	v8 =	vld [tilespmem:$0x1580]  }
0x19: {  	v29 =	vimm.f32 $0.0e+00;
	v30 =	vimm.f32 $0.0e+00;
	v32 =	vimm.f32 $0.0e+00;
	v9 =	vld [tilespmem:$0x1600]  }
0x1a: {  	v38 =	vimm.f32 $0.0e+00;
	v39 =	vimm.f32 $1.000000000e+00;
	v40 =	vimm.f32 $0.0e+00;
	v10 =	vld [tilespmem:$0x1680]  }
0x1b: {  	v41 =	vimm.f32 $0.0e+00;
	v42 =	vimm.f32 $0.0e+00;
	v43 =	vimm.f32 $0.0e+00;
	v11 =	vld [tilespmem:$0x1880]  }
0x1c: {  	v46 =	vimm.f32 $1.000000000e+00;
	v47 =	vimm.f32 $0.0e+00;
	v34 =	vimm.f32 $0.0e+00;
	v12 =	vld [tilespmem:$0x1900]  }
0x1d: {  	s11 =	simm.s32 $0xFFFFFFFC;
	s12 =	simm.s32 $0x200;
	v35 =	vimm.f32 $0.0e+00;
	v36 =	vimm.f32 $0.0e+00;
	v37 =	vimm.f32 $1.000000000e+00;
	v13 =	vld [tilespmem:$0x1980]  }
.LBB2_2:
0x1e: {  	v44 =	vld [tilespmem:s12+$0xFFFFFE00];
	_ =	sdelay $0x4  }
0x1f: {  	v45 =	vsub.s32 $0x0, v44  }
0x20: {  	v45 =	vmin.u32 v44, v45  }
0x21: {  	vm1 =	vgt.s32 v0, v44;
	v45 =	vadd.s32 $0xFFFFFFFF, v45  }
0x22: {  	vm0 =	vne.s32 v0, v44;
	v44 =	vsel vm1, $0xBF800000, v1;
	vm2 =	vlt.s32 v45, $0x1  }
0x23: {  	vm10 =	veq.s32 v45, $0x1;
	vm11 =	veq.s32 v45, $0x2;
	vm9 =	vmand vm0, vm2  }
0x24: {  	v48 =	vnsel vm10, $0x0, v9;
	v49 =	vnsel vm11, $0x0, v10;
	v51 =	vnsel vm10, $0x0, v12  }
0x25: {  	v52 =	vnsel vm11, $0x0, v13;
	v59 =	vnsel vm9, $0x0, v8;
	v48 =	vmul.f32 v48, v44  }
0x26: {  	v49 =	vmul.f32 v49, v44;
	v50 =	vnsel vm9, $0x0, v11;
	v55 =	vmul.f32 v51, v44  }
0x27: {  	v53 =	vnsel vm9, $0x3F800000, v2;
	v45 =	vmul.f32 v59, v44;
	v50 =	vmul.f32 v50, v44  }
0x28: {  	v44 =	vmul.f32 v52, v44;
	v60 =	vmul.f32 v53, v37  }
0x29: {  	v62 =	vmul.f32 v53, v47;
	v61 =	vmul.f32 v45, v47  }
0x2a: {  	v63 =	vmul.f32 v53, v36;
	v54 =	vmul.f32 v45, v37  }
0x2b: {  	v52 =	vmul.f32 v53, v34;
	v37 =	vsub.f32 v60, v61;
	v60 =	vmul.f32 v45, v46  }
0x2c: {  	v47 =	vadd.f32 v54, v62;
	v61 =	vmul.f32 v45, v36;
	v62 =	vmul.f32 v53, v46  }
0x2d: {  	v54 =	vmul.f32 v45, v35;
	v36 =	vsub.f32 v63, v60;
	v63 =	vmul.f32 v53, v35  }
0x2e: {  	v56 =	vnsel vm10, $0x3F800000, v3;
	v60 =	vmul.f32 v45, v43;
	v43 =	vmul.f32 v53, v43  }
0x2f: {  	v46 =	vadd.f32 v61, v62;
	v61 =	vmul.f32 v53, v42;
	v62 =	vmul.f32 v47, v56  }
0x30: {  	v47 =	vmul.f32 v47, v48;
	v35 =	vsub.f32 v63, v60;
	v60 =	vmul.f32 v45, v34  }
0x31: {  	v34 =	vmul.f32 v45, v42;
	v43 =	vadd.f32 v54, v43;
	v63 =	vmul.f32 v48, v41  }
0x32: {  	v41 =	vmul.f32 v56, v41;
	v42 =	vadd.f32 v60, v61;
	v60 =	vmul.f32 v46, v56  }
0x33: {  	v61 =	vmul.f32 v48, v40;
	v53 =	vsub.f32 v62, v63;
	v62 =	vmul.f32 v46, v48  }
0x34: {  	v63 =	vmul.f32 v56, v40;
	v46 =	vmul.f32 v43, v56  }
0x35: {  	v41 =	vadd.f32 v47, v41;
	v47 =	vmul.f32 v48, v39;
	v43 =	vmul.f32 v43, v48  }
0x36: {  	v57 =	vnsel vm11, $0x3F800000, v4;
	v39 =	vmul.f32 v56, v39;
	v40 =	vmul.f32 v42, v56  }
0x37: {  	v54 =	vsub.f32 v60, v61;
	v60 =	vmul.f32 v48, v38;
	v42 =	vmul.f32 v42, v48  }
0x38: {  	v48 =	vmul.f32 v56, v38;
	v39 =	vadd.f32 v43, v39;
	v43 =	vmul.f32 v41, v57  }
0x39: {  	v45 =	vadd.f32 v62, v63;
	v56 =	vmul.f32 v49, v32;
	v61 =	vmul.f32 v41, v49  }
0x3a: {  	v62 =	vmul.f32 v57, v32;
	v63 =	vmul.f32 v49, v30  }
0x3b: {  	v40 =	vsub.f32 v40, v60;
	v38 =	vadd.f32 v42, v48;
	v42 =	vmul.f32 v45, v57  }
0x3c: {  	v41 =	vsub.f32 v43, v56;
	v56 =	vmul.f32 v45, v49;
	v60 =	vmul.f32 v57, v30  }
0x3d: {  	v30 =	vadd.f32 v61, v62;
	v61 =	vmul.f32 v39, v57;
	v62 =	vmul.f32 v49, v29  }
0x3e: {  	v39 =	vmul.f32 v39, v49;
	v42 =	vsub.f32 v42, v63;
	v63 =	vmul.f32 v57, v29  }
0x3f: {  	v29 =	vadd.f32 v56, v60;
	v56 =	vmul.f32 v38, v57;
	v60 =	vmul.f32 v49, v25  }
0x40: {  	v58 =	vnsel vm9, $0x3F800000, v5;
	v38 =	vmul.f32 v38, v49;
	v25 =	vmul.f32 v57, v25  }
0x41: {  	v43 =	vsub.f32 v61, v62;
	v61 =	vmul.f32 v58, v21;
	v62 =	vmul.f32 v50, v33  }
0x42: {  	v57 =	vmul.f32 v50, v31;
	v31 =	vmul.f32 v58, v31;
	v32 =	vadd.f32 v39, v63  }
0x43: {  	v45 =	vsub.f32 v56, v60;
	v63 =	vmul.f32 v50, v21;
	v56 =	vmul.f32 v58, v33  }
0x44: {  	v33 =	vadd.f32 v38, v25;
	v25 =	vmul.f32 v58, v20;
	v21 =	vsub.f32 v61, v62  }
0x45: {  	v60 =	vmul.f32 v50, v20;
	v62 =	vmul.f32 v58, v19;
	v61 =	vadd.f32 v63, v56  }
0x46: {  	v63 =	vmul.f32 v50, v28;
	v20 =	vsub.f32 v25, v57;
	v25 =	vmul.f32 v50, v19  }
0x47: {  	v51 =	vnsel vm11, $0x3F800000, v7;
	v28 =	vmul.f32 v58, v28;
	v56 =	vmul.f32 v58, v18  }
0x48: {  	v59 =	vnsel vm10, $0x3F800000, v6;
	v57 =	vmul.f32 v50, v27;
	v18 =	vmul.f32 v50, v18  }
0x49: {  	v31 =	vadd.f32 v60, v31;
	v27 =	vmul.f32 v58, v27;
	v60 =	vmul.f32 v55, v26  }
0x4a: {  	v34 =	vsub.f32 v52, v34;
	v26 =	vmul.f32 v59, v26;
	v50 =	vmul.f32 v55, v23  }
0x4b: {  	v52 =	vsub.f32 v46, v47;
	v23 =	vmul.f32 v59, v23;
	v58 =	vmul.f32 v61, v59  }
0x4c: {  	v19 =	vsub.f32 v62, v63;
	v61 =	vmul.f32 v61, v55;
	v62 =	vmul.f32 v31, v59  }
0x4d: {  	v28 =	vadd.f32 v25, v28;
	v63 =	vmul.f32 v55, v24;
	v31 =	vmul.f32 v31, v55  }
0x4e: {  	v25 =	vsub.f32 v56, v57;
	v24 =	vmul.f32 v59, v24;
	v56 =	vmul.f32 v55, v22  }
0x4f: {  	v27 =	vadd.f32 v18, v27;
	v22 =	vmul.f32 v59, v22;
	v57 =	vmul.f32 v44, v17  }
0x50: {  	v17 =	vmul.f32 v51, v17;
	v18 =	vsub.f32 v58, v60;
	v26 =	vadd.f32 v61, v26  }
0x51: {  	v49 =	vmul.f32 v28, v59;
	v46 =	vsub.f32 v62, v63;
	v28 =	vmul.f32 v28, v55  }
0x52: {  	v24 =	vadd.f32 v31, v24;
	v31 =	vmul.f32 v27, v59;
	v27 =	vmul.f32 v27, v55  }
0x53: {  	v59 =	vmul.f32 v44, v16;
	v16 =	vmul.f32 v51, v16;
	v47 =	vsub.f32 v49, v50  }
0x54: {  	v58 =	vld [tilespmem:s12+$0xFFFFFF00];
	v23 =	vadd.f32 v28, v23;
	v28 =	vmul.f32 v26, v51;
	v26 =	vmul.f32 v26, v44  }
0x55: {  	v48 =	vsub.f32 v31, v56;
	v27 =	vadd.f32 v27, v22;
	v22 =	vmul.f32 v24, v51  }
0x56: {  	v24 =	vmul.f32 v24, v44;
	v49 =	vsub.f32 v28, v57;
	v31 =	vadd.f32 v26, v17  }
0x57: {  	v17 =	vmul.f32 v23, v51;
	v26 =	vmul.f32 v44, v15;
	v50 =	vsub.f32 v22, v59  }
0x58: {  	v22 =	vadd.f32 v24, v16;
	v16 =	vmul.f32 v23, v44;
	v15 =	vmul.f32 v51, v15  }
0x59: {  	v23 =	vmul.f32 v27, v51;
	v39 =	vsub.f32 v17, v26;
	v17 =	vsub.s32 $0x0, v58  }
0x5a: {  	v24 =	vmul.f32 v44, v14;
	v14 =	vmul.f32 v51, v14;
	v17 =	vmin.u32 v58, v17  }
0x5b: {  	vm12 =	vne.s32 v0, v58;
	vm13 =	vgt.s32 v0, v58;
	v17 =	vadd.s32 $0xFFFFFFFF, v17  }
0x5c: {  	v26 =	vmul.f32 v27, v44;
	v27 =	vsel vm13, $0xBF800000, v1;
	vm14 =	vlt.s32 v17, $0x1  }
0x5d: {  	vm4 =	veq.s32 v17, $0x1;
	vm5 =	veq.s32 v17, $0x2;
	vm15 =	vmand vm12, vm14  }
0x5e: {  	v28 =	vnsel vm4, $0x0, v9;
	v60 =	vnsel vm5, $0x0, v10;
	v62 =	vnsel vm4, $0x0, v12  }
0x5f: {  	v63 =	vnsel vm5, $0x0, v13;
	v17 =	vnsel vm15, $0x0, v8;
	v28 =	vmul.f32 v28, v27  }
0x60: {  	v44 =	vmul.f32 v60, v27;
	v61 =	vnsel vm15, $0x0, v11;
	v57 =	vmul.f32 v62, v27  }
0x61: {  	v56 =	vnsel vm15, $0x3F800000, v2;
	v38 =	vmul.f32 v63, v27;
	v17 =	vmul.f32 v17, v27  }
0x62: {  	v51 =	vadd.f32 v16, v15;
	v55 =	vmul.f32 v61, v27;
	v15 =	vmul.f32 v37, v56  }
0x63: {  	v58 =	vsub.f32 v23, v24;
	v24 =	vmul.f32 v53, v56;
	v27 =	vmul.f32 v54, v56  }
0x64: {  	v62 =	vmul.f32 v41, v28;
	v16 =	vmul.f32 v53, v17  }
0x65: {  	v23 =	vmul.f32 v37, v17;
	v37 =	vadd.f32 v26, v14;
	v14 =	vmul.f32 v36, v56  }
0x66: {  	v26 =	vmul.f32 v54, v17;
	v54 =	vmul.f32 v52, v56  }
0x67: {  	v63 =	vmul.f32 v40, v17;
	v16 =	vsub.f32 v15, v16;
	v15 =	vmul.f32 v36, v17  }
0x68: {  	v53 =	vmul.f32 v40, v56;
	v24 =	vadd.f32 v24, v23;
	v14 =	vsub.f32 v14, v26  }
0x69: {  	v23 =	vmul.f32 v52, v17;
	v26 =	vadd.f32 v27, v15;
	v15 =	vmul.f32 v35, v56  }
0x6a: {  	v27 =	vmul.f32 v35, v17;
	v17 =	vmul.f32 v34, v17  }
0x6b: {  	v36 =	vnsel vm4, $0x3F800000, v3;
	v15 =	vsub.f32 v15, v23;
	v23 =	vmul.f32 v34, v56  }
0x6c: {  	v27 =	vadd.f32 v54, v27;
	v56 =	vmul.f32 v24, v36;
	v17 =	vadd.f32 v53, v17  }
0x6d: {  	v24 =	vmul.f32 v24, v28;
	v23 =	vsub.f32 v23, v63;
	v63 =	vmul.f32 v41, v36  }
0x6e: {  	v52 =	vsub.f32 v56, v62;
	v56 =	vmul.f32 v26, v36;
	v62 =	vmul.f32 v42, v28  }
0x6f: {  	v26 =	vmul.f32 v26, v28;
	v24 =	vadd.f32 v63, v24;
	v63 =	vmul.f32 v42, v36  }
0x70: {  	v53 =	vsub.f32 v56, v62;
	v56 =	vmul.f32 v27, v36;
	v62 =	vmul.f32 v43, v28  }
0x71: {  	v59 =	vnsel vm5, $0x3F800000, v4;
	v27 =	vmul.f32 v27, v28;
	v26 =	vadd.f32 v63, v26  }
0x72: {  	v63 =	vmul.f32 v43, v36;
	v34 =	vsub.f32 v56, v62;
	v56 =	vmul.f32 v17, v36  }
0x73: {  	v60 =	vnsel vm15, $0x3F800000, v5;
	v62 =	vmul.f32 v45, v28;
	v17 =	vmul.f32 v17, v28  }
0x74: {  	v61 =	vnsel vm4, $0x3F800000, v6;
	v28 =	vmul.f32 v45, v36;
	v45 =	vmul.f32 v30, v44  }
0x75: {  	v27 =	vadd.f32 v63, v27;
	v63 =	vmul.f32 v24, v59;
	v24 =	vmul.f32 v24, v44  }
0x76: {  	v17 =	vadd.f32 v28, v17;
	v28 =	vmul.f32 v30, v59;
	v30 =	vmul.f32 v26, v59  }
0x77: {  	v35 =	vsub.f32 v56, v62;
	v56 =	vmul.f32 v29, v44;
	v26 =	vmul.f32 v26, v44  }
0x78: {  	v62 =	vmul.f32 v47, v60;
	v24 =	vadd.f32 v24, v28;
	v28 =	vmul.f32 v29, v59  }
0x79: {  	v40 =	vsub.f32 v30, v56;
	v29 =	vmul.f32 v27, v59;
	v30 =	vmul.f32 v32, v44  }
0x7a: {  	v27 =	vmul.f32 v27, v44;
	v26 =	vadd.f32 v26, v28;
	v28 =	vmul.f32 v32, v59  }
0x7b: {  	v41 =	vsub.f32 v29, v30;
	v29 =	vmul.f32 v17, v59;
	v30 =	vmul.f32 v33, v44  }
0x7c: {  	v17 =	vmul.f32 v17, v44;
	v27 =	vadd.f32 v27, v28;
	v28 =	vmul.f32 v33, v59  }
0x7d: {  	v33 =	vsub.f32 v29, v30;
	v29 =	vmul.f32 v21, v60;
	v30 =	vmul.f32 v18, v55  }
0x7e: {  	v21 =	vmul.f32 v21, v55;
	v18 =	vmul.f32 v18, v60;
	v28 =	vadd.f32 v17, v28  }
0x7f: {  	v17 =	vsub.f32 v29, v30;
	v29 =	vmul.f32 v20, v60;
	v30 =	vmul.f32 v46, v55  }
0x80: {  	v59 =	vmul.f32 v46, v60;
	v21 =	vadd.f32 v18, v21;
	v20 =	vmul.f32 v20, v55  }
0x81: {  	v18 =	vsub.f32 v29, v30;
	v29 =	vmul.f32 v19, v60;
	v30 =	vmul.f32 v47, v55  }
0x82: {  	v56 =	vmul.f32 v58, v61;
	v32 =	vadd.f32 v59, v20;
	v20 =	vmul.f32 v19, v55  }
0x83: {  	v47 =	vmul.f32 v48, v60;
	v19 =	vsub.f32 v29, v30;
	v29 =	vmul.f32 v25, v60  }
0x84: {  	v36 =	vsub.f32 v63, v45;
	v30 =	vmul.f32 v48, v55;
	v25 =	vmul.f32 v25, v55  }
0x85: {  	v63 =	vadd.f32 v62, v20;
	v48 =	vmul.f32 v49, v61;
	v60 =	vmul.f32 v37, v38  }
0x86: {  	v20 =	vsub.f32 v29, v30;
	v29 =	vmul.f32 v21, v61;
	v30 =	vmul.f32 v49, v57  }
0x87: {  	v54 =	vnsel vm5, $0x3F800000, v7;
	v21 =	vmul.f32 v21, v57;
	v49 =	vmul.f32 v50, v61  }
0x88: {  	v42 =	vsub.f32 v29, v30;
	v29 =	vmul.f32 v32, v61;
	v30 =	vmul.f32 v50, v57  }
0x89: {  	v25 =	vadd.f32 v47, v25;
	v44 =	vmul.f32 v63, v57;
	v32 =	vmul.f32 v32, v57  }
0x8a: {  	v43 =	vsub.f32 v29, v30;
	v29 =	vmul.f32 v63, v61;
	v30 =	vmul.f32 v39, v57  }
0x8b: {  	v21 =	vadd.f32 v48, v21;
	v50 =	vmul.f32 v39, v61;
	v32 =	vadd.f32 v49, v32  }
0x8c: {  	v39 =	vsub.f32 v29, v30;
	v29 =	vmul.f32 v25, v61;
	v30 =	vmul.f32 v58, v57  }
0x8d: {  	v55 =	vadd.f32 v50, v44;
	v25 =	vmul.f32 v25, v57;
	v58 =	vmul.f32 v51, v54  }
0x8e: {  	v44 =	vsub.f32 v29, v30;
	v29 =	vmul.f32 v21, v54;
	v30 =	vmul.f32 v31, v38  }
0x8f: {  	v57 =	vadd.f32 v56, v25;
	v21 =	vmul.f32 v21, v38;
	v25 =	vmul.f32 v31, v54;
	v31 =	vld [tilespmem:s12+$0x0]  }
0x90: {  	v45 =	vsub.f32 v29, v30;
	v29 =	vmul.f32 v32, v54;
	v30 =	vmul.f32 v22, v38  }
0x91: {  	v25 =	vadd.f32 v21, v25;
	v21 =	vmul.f32 v32, v38;
	v22 =	vmul.f32 v22, v54  }
0x92: {  	v59 =	vmul.f32 v57, v54;
	v46 =	vsub.f32 v29, v30;
	v29 =	vmul.f32 v55, v54  }
0x93: {  	v30 =	vmul.f32 v51, v38;
	v21 =	vadd.f32 v21, v22;
	v22 =	vmul.f32 v55, v38  }
0x94: {  	v47 =	vsub.f32 v59, v60;
	v61 =	vsub.s32 $0x0, v31  }
0x95: {  	v48 =	vsub.f32 v29, v30;
	v29 =	vadd.f32 v22, v58;
	v22 =	vmin.u32 v31, v61  }
0x96: {  	vm6 =	vne.s32 v0, v31;
	vm7 =	vgt.s32 v0, v31;
	v22 =	vadd.s32 $0xFFFFFFFF, v22  }
0x97: {  	v30 =	vmul.f32 v57, v38;
	v31 =	vmul.f32 v37, v54;
	vm8 =	vlt.s32 v22, $0x1  }
0x98: {  	v62 =	vsel vm7, $0xBF800000, v1;
	vm10 =	veq.s32 v22, $0x2;
	vm2 =	vmand vm6, vm8  }
0x99: {  	vm9 =	veq.s32 v22, $0x1;
	v58 =	vnsel vm10, $0x0, v10;
	v22 =	vnsel vm2, $0x0, v8  }
0x9a: {  	v59 =	vnsel vm10, $0x0, v13;
	v63 =	vmul.f32 v22, v62;
	v22 =	vnsel vm9, $0x0, v9  }
0x9b: {  	v50 =	vmul.f32 v58, v62;
	v49 =	vmul.f32 v22, v62;
	v22 =	vnsel vm2, $0x0, v11  }
0x9c: {  	v31 =	vadd.f32 v30, v31;
	v32 =	vmul.f32 v59, v62;
	v51 =	vmul.f32 v22, v62  }
0x9d: {  	v60 =	vnsel vm2, $0x3F800000, v2;
	v30 =	vmul.f32 v52, v63;
	v61 =	vmul.f32 v16, v63  }
0x9e: {  	v22 =	vnsel vm9, $0x0, v12;
	v52 =	vmul.f32 v52, v60;
	v38 =	vmul.f32 v35, v63  }
0x9f: {  	v35 =	vmul.f32 v35, v60;
	v55 =	vmul.f32 v22, v62  }
0xa0: {  	v56 =	vnsel vm9, $0x3F800000, v3;
	v22 =	vmul.f32 v16, v60;
	v62 =	vmul.f32 v53, v60  }
0xa1: {  	v54 =	vmul.f32 v36, v49;
	v36 =	vmul.f32 v36, v56  }
0xa2: {  	v16 =	vsub.f32 v22, v30;
	v22 =	vmul.f32 v14, v60;
	v30 =	vmul.f32 v53, v63  }
0xa3: {  	v52 =	vadd.f32 v52, v61;
	v14 =	vmul.f32 v14, v63;
	v53 =	vnsel vm10, $0x3F800000, v4  }
0xa4: {  	v61 =	vmul.f32 v24, v50;
	v24 =	vmul.f32 v24, v53;
	v22 =	vsub.f32 v22, v30  }
0xa5: {  	v58 =	vadd.f32 v62, v14;
	v14 =	vmul.f32 v15, v60;
	v30 =	vmul.f32 v34, v63  }
0xa6: {  	v15 =	vmul.f32 v15, v63;
	v34 =	vmul.f32 v34, v60  }
0xa7: {  	v14 =	vsub.f32 v14, v30;
	v30 =	vmul.f32 v23, v60;
	v23 =	vmul.f32 v23, v63  }
0xa8: {  	v15 =	vadd.f32 v34, v15;
	v34 =	vmul.f32 v52, v56;
	v60 =	vmul.f32 v40, v49  }
0xa9: {  	v63 =	vmul.f32 v58, v49;
	v40 =	vmul.f32 v40, v56;
	v30 =	vsub.f32 v30, v38  }
0xaa: {  	v38 =	vmul.f32 v52, v49;
	v23 =	vadd.f32 v35, v23;
	v52 =	vmul.f32 v58, v56  }
0xab: {  	v35 =	vsub.f32 v34, v54;
	v54 =	vmul.f32 v15, v56;
	v58 =	vmul.f32 v41, v49  }
0xac: {  	v57 =	vnsel vm2, $0x3F800000, v5;
	v15 =	vmul.f32 v15, v49;
	v41 =	vmul.f32 v41, v56  }
0xad: {  	v40 =	vadd.f32 v40, v63;
	v63 =	vmul.f32 v26, v50;
	v26 =	vmul.f32 v26, v53  }
0xae: {  	v38 =	vadd.f32 v36, v38;
	v36 =	vsub.f32 v52, v60;
	v52 =	vmul.f32 v23, v56  }
0xaf: {  	v59 =	vnsel vm9, $0x3F800000, v6;
	v60 =	vmul.f32 v33, v49;
	v23 =	vmul.f32 v23, v49  }
0xb0: {  	v34 =	vsub.f32 v54, v58;
	v58 =	vmul.f32 v33, v56;
	v49 =	vmul.f32 v40, v53  }
0xb1: {  	v15 =	vadd.f32 v41, v15;
	v56 =	vmul.f32 v39, v51;
	v41 =	vmul.f32 v38, v53  }
0xb2: {  	v54 =	vmul.f32 v45, v59;
	v33 =	vsub.f32 v52, v60;
	v62 =	vmul.f32 v38, v50  }
0xb3: {  	v23 =	vadd.f32 v58, v23;
	v60 =	vmul.f32 v40, v50;
	v38 =	vsub.f32 v41, v61  }
0xb4: {  	v24 =	vadd.f32 v62, v24;
	v61 =	vmul.f32 v15, v53;
	v62 =	vmul.f32 v27, v50  }
0xb5: {  	v40 =	vsub.f32 v49, v63;
	v15 =	vmul.f32 v15, v50;
	v27 =	vmul.f32 v27, v53  }
0xb6: {  	v26 =	vadd.f32 v60, v26;
	v63 =	vmul.f32 v23, v53;
	v60 =	vmul.f32 v28, v50  }
0xb7: {  	v23 =	vmul.f32 v23, v50;
	v28 =	vmul.f32 v28, v53;
	v41 =	vsub.f32 v61, v62  }
0xb8: {  	v27 =	vadd.f32 v15, v27;
	v15 =	vmul.f32 v17, v57;
	v61 =	vmul.f32 v42, v51  }
0xb9: {  	v17 =	vmul.f32 v17, v51;
	v42 =	vmul.f32 v42, v57  }
0xba: {  	v28 =	vadd.f32 v23, v28;
	v23 =	vmul.f32 v18, v57;
	v62 =	vmul.f32 v43, v51  }
0xbb: {  	v37 =	vnsel vm10, $0x3F800000, v7;
	v18 =	vmul.f32 v18, v51;
	v43 =	vmul.f32 v43, v57  }
0xbc: {  	v50 =	vsub.f32 v63, v60;
	v63 =	vmul.f32 v19, v57;
	v19 =	vmul.f32 v19, v51  }
0xbd: {  	v60 =	vmul.f32 v20, v57;
	v20 =	vmul.f32 v20, v51;
	v15 =	vsub.f32 v15, v61  }
0xbe: {  	v42 =	vadd.f32 v42, v17;
	v17 =	vsub.f32 v23, v62;
	v23 =	vmul.f32 v39, v57  }
0xbf: {  	v58 =	vadd.f32 v43, v18;
	v61 =	vmul.f32 v44, v51;
	v44 =	vmul.f32 v44, v57  }
0xc0: {  	v18 =	vsub.f32 v63, v56;
	v63 =	vmul.f32 v45, v55;
	v57 =	vmul.f32 v46, v55  }
0xc1: {  	v46 =	vmul.f32 v46, v59;
	v23 =	vadd.f32 v23, v19;
	v62 =	vmul.f32 v42, v59  }
0xc2: {  	v19 =	vsub.f32 v60, v61;
	v42 =	vmul.f32 v42, v55;
	v56 =	vmul.f32 v58, v59  }
0xc3: {  	v44 =	vadd.f32 v44, v20;
	v39 =	vmul.f32 v58, v55;
	v60 =	vmul.f32 v48, v55  }
0xc4: {  	v61 =	vmul.f32 v48, v59;
	v20 =	vsub.f32 v62, v63;
	v58 =	vmul.f32 v23, v59  }
0xc5: {  	v42 =	vadd.f32 v54, v42;
	v23 =	vmul.f32 v23, v55;
	v62 =	vmul.f32 v44, v59  }
0xc6: {  	v51 =	vsub.f32 v56, v57;
	v63 =	vmul.f32 v47, v55;
	v56 =	vmul.f32 v44, v55  }
0xc7: {  	v39 =	vadd.f32 v46, v39;
	v57 =	vmul.f32 v47, v59;
	v59 =	vmul.f32 v25, v32  }
0xc8: {  	v25 =	vmul.f32 v25, v37;
	v52 =	vsub.f32 v58, v60;
	v58 =	vmul.f32 v42, v37  }
0xc9: {  	v23 =	vadd.f32 v61, v23;
	v42 =	vmul.f32 v42, v32;
	v61 =	vmul.f32 v39, v37  }
0xca: {  	v53 =	vsub.f32 v62, v63;
	v62 =	vmul.f32 v21, v32;
	v39 =	vmul.f32 v39, v32  }
0xcb: {  	v60 =	vld [tilespmem:s12+$0x100];
	v43 =	vadd.f32 v57, v56;
	v21 =	vmul.f32 v21, v37;
	v63 =	vmul.f32 v29, v32  }
0xcc: {  	v29 =	vmul.f32 v29, v37;
	v44 =	vadd.f32 v42, v25;
	v25 =	vmul.f32 v23, v37  }
0xcd: {  	v54 =	vsub.f32 v58, v59;
	v55 =	vsub.f32 v61, v62;
	v23 =	vmul.f32 v23, v32  }
0xce: {  	v45 =	vadd.f32 v39, v21;
	v49 =	vsub.f32 v25, v63  }
0xcf: {  	v23 =	vadd.f32 v23, v29;
	v25 =	vmul.f32 v43, v37;
	v29 =	vmul.f32 v31, v32  }
0xd0: {  	v32 =	vmul.f32 v43, v32;
	v31 =	vmul.f32 v31, v37;
	v21 =	vsub.s32 $0x0, v60  }
0xd1: {  	vm11 =	vne.s32 v0, v60;
	vm12 =	vgt.s32 v0, v60;
	v21 =	vmin.u32 v60, v21  }
0xd2: {  	v48 =	vsel vm12, $0xBF800000, v1;
	v56 =	vadd.f32 v32, v31;
	v21 =	vadd.s32 $0xFFFFFFFF, v21  }
0xd3: {  	vm13 =	vlt.s32 v21, $0x1;
	vm14 =	veq.s32 v21, $0x1;
	vm15 =	veq.s32 v21, $0x2  }
0xd4: {  	vm2 =	vmand vm11, vm13;
	v59 =	vnsel vm14, $0x0, v9;
	v60 =	vnsel vm15, $0x0, v10  }
0xd5: {  	v62 =	vnsel vm14, $0x0, v12;
	v63 =	vnsel vm15, $0x0, v13;
	v32 =	vnsel vm14, $0x3F800000, v3  }
0xd6: {  	v21 =	vnsel vm2, $0x0, v8;
	v39 =	vmul.f32 v59, v48;
	v57 =	vmul.f32 v60, v48  }
0xd7: {  	v61 =	vnsel vm2, $0x0, v11;
	v59 =	vmul.f32 v62, v48;
	v42 =	vmul.f32 v40, v32  }
0xd8: {  	v46 =	vnsel vm2, $0x3F800000, v2;
	v21 =	vmul.f32 v21, v48;
	v58 =	vmul.f32 v61, v48  }
0xd9: {  	v60 =	vsub.f32 v25, v29;
	v48 =	vmul.f32 v63, v48;
	v25 =	vmul.f32 v16, v46  }
0xda: {  	v31 =	vmul.f32 v35, v46;
	v29 =	vmul.f32 v35, v21  }
0xdb: {  	v43 =	vmul.f32 v36, v46;
	v16 =	vmul.f32 v16, v21  }
0xdc: {  	v37 =	vsub.f32 v25, v29;
	v25 =	vmul.f32 v22, v46;
	v29 =	vmul.f32 v36, v21  }
0xdd: {  	v63 =	vmul.f32 v38, v39;
	v22 =	vmul.f32 v22, v21  }
0xde: {  	v16 =	vadd.f32 v31, v16;
	v36 =	vsub.f32 v25, v29;
	v25 =	vmul.f32 v14, v46  }
0xdf: {  	v29 =	vmul.f32 v34, v21;
	v14 =	vmul.f32 v14, v21  }
0xe0: {  	v34 =	vmul.f32 v34, v46;
	v47 =	vmul.f32 v16, v32  }
0xe1: {  	v16 =	vmul.f32 v16, v39;
	v35 =	vsub.f32 v25, v29;
	v25 =	vmul.f32 v30, v46  }
0xe2: {  	v61 =	vnsel vm2, $0x3F800000, v5;
	v29 =	vmul.f32 v30, v21;
	v21 =	vmul.f32 v33, v21  }
0xe3: {  	v22 =	vadd.f32 v43, v22;
	v43 =	vmul.f32 v41, v39;
	v30 =	vmul.f32 v33, v46  }
0xe4: {  	v14 =	vadd.f32 v34, v14;
	v33 =	vmul.f32 v50, v39;
	v34 =	vsub.f32 v25, v21  }
0xe5: {  	v21 =	vmul.f32 v38, v32;
	v25 =	vadd.f32 v30, v29;
	v29 =	vmul.f32 v22, v32  }
0xe6: {  	v31 =	vnsel vm15, $0x3F800000, v4;
	v30 =	vmul.f32 v40, v39;
	v22 =	vmul.f32 v22, v39  }
0xe7: {  	v16 =	vadd.f32 v21, v16;
	v21 =	vmul.f32 v14, v32;
	v14 =	vmul.f32 v14, v39  }
0xe8: {  	v46 =	vsub.f32 v29, v30;
	v29 =	vmul.f32 v41, v32;
	v30 =	vmul.f32 v25, v32  }
0xe9: {  	v22 =	vadd.f32 v42, v22;
	v25 =	vmul.f32 v25, v39;
	v32 =	vmul.f32 v50, v32  }
0xea: {  	v50 =	vmul.f32 v24, v57;
	v24 =	vmul.f32 v24, v31;
	v43 =	vsub.f32 v21, v43  }
0xeb: {  	v21 =	vmul.f32 v16, v31;
	v14 =	vadd.f32 v29, v14;
	v16 =	vmul.f32 v16, v57  }
0xec: {  	v42 =	vsub.f32 v30, v33;
	v29 =	vmul.f32 v22, v31;
	v30 =	vmul.f32 v26, v57  }
0xed: {  	v25 =	vadd.f32 v32, v25;
	v22 =	vmul.f32 v22, v57;
	v26 =	vmul.f32 v26, v31  }
0xee: {  	v41 =	vsub.f32 v21, v50;
	v21 =	vmul.f32 v14, v31;
	v50 =	vmul.f32 v27, v57  }
0xef: {  	v32 =	vadd.f32 v16, v24;
	v14 =	vmul.f32 v14, v57;
	v16 =	vmul.f32 v27, v31  }
0xf0: {  	v40 =	vsub.f32 v29, v30;
	v24 =	vmul.f32 v25, v31;
	v27 =	vmul.f32 v28, v57  }
0xf1: {  	v30 =	vadd.f32 v22, v26;
	v22 =	vmul.f32 v25, v57;
	v25 =	vmul.f32 v28, v31  }
0xf2: {  	v62 =	vnsel vm14, $0x3F800000, v6;
	v26 =	vmul.f32 v20, v58;
	v28 =	vmul.f32 v53, v61  }
0xf3: {  	v31 =	vmul.f32 v54, v62;
	v39 =	vsub.f32 v21, v50;
	v21 =	vmul.f32 v15, v61  }
0xf4: {  	v29 =	vadd.f32 v14, v16;
	v14 =	vmul.f32 v15, v58;
	v15 =	vmul.f32 v20, v61  }
0xf5: {  	v47 =	vsub.f32 v47, v63;
	v16 =	vmul.f32 v17, v61;
	v20 =	vmul.f32 v51, v58  }
0xf6: {  	v25 =	vadd.f32 v22, v25;
	v17 =	vmul.f32 v17, v58;
	v22 =	vmul.f32 v51, v61  }
0xf7: {  	v38 =	vsub.f32 v24, v27;
	v24 =	vmul.f32 v18, v61;
	v27 =	vmul.f32 v53, v58  }
0xf8: {  	v21 =	vsub.f32 v21, v26;
	v26 =	vmul.f32 v52, v58;
	v14 =	vadd.f32 v15, v14  }
0xf9: {  	v15 =	vmul.f32 v18, v58;
	v18 =	vmul.f32 v52, v61;
	v20 =	vsub.f32 v16, v20  }
0xfa: {  	v16 =	vmul.f32 v19, v61;
	v17 =	vadd.f32 v22, v17;
	v22 =	vmul.f32 v19, v58  }
0xfb: {  	v61 =	vmul.f32 v60, v62;
	v19 =	vsub.f32 v24, v26;
	v24 =	vmul.f32 v14, v62  }
0xfc: {  	v26 =	vmul.f32 v54, v59;
	v15 =	vadd.f32 v18, v15;
	v14 =	vmul.f32 v14, v59  }
0xfd: {  	v18 =	vsub.f32 v16, v27;
	v16 =	vmul.f32 v17, v62;
	v27 =	vmul.f32 v55, v59  }
0xfe: {  	v22 =	vadd.f32 v28, v22;
	v17 =	vmul.f32 v17, v59;
	v28 =	vmul.f32 v55, v62  }
0xff: {  	v33 =	vsub.f32 v24, v26;
	v24 =	vmul.f32 v15, v62;
	v26 =	vmul.f32 v49, v59  }
0x100: {  	v14 =	vadd.f32 v31, v14;
	v15 =	vmul.f32 v15, v59;
	v49 =	vmul.f32 v49, v62  }
0x101: {  	v31 =	vsub.f32 v16, v27;
	v16 =	vmul.f32 v22, v62;
	v27 =	vmul.f32 v60, v59  }
0x102: {  	v63 =	vnsel vm15, $0x3F800000, v7;
	v22 =	vmul.f32 v22, v59;
	v62 =	vmul.f32 v45, v48  }
0x103: {  	v17 =	vadd.f32 v28, v17;
	v45 =	vmul.f32 v45, v63;
	v59 =	vmul.f32 v23, v48  }
0x104: {  	v28 =	vsub.f32 v24, v26;
	v24 =	vmul.f32 v14, v63;
	v26 =	vmul.f32 v44, v48  }
0x105: {  	v15 =	vadd.f32 v49, v15;
	v14 =	vmul.f32 v14, v48;
	v44 =	vmul.f32 v44, v63  }
0x106: {  	s11 =	sadd.s32 $0x4, s11;
	v27 =	vsub.f32 v16, v27;
	v16 =	vmul.f32 v17, v63;
	v22 =	vadd.f32 v61, v22  }
0x107: {  	p0 =	slt.u32 s11, $0x10;
	v57 =	vmul.f32 v17, v48;
	v61 =	vmul.f32 v56, v48;
	v26 =	vsub.f32 v24, v26  }
.Ltmp0:
0x108: {  	v58 =	vmul.f32 v15, v63;
	v17 =	vadd.f32 v14, v44;
	v14 =	vmul.f32 v15, v48;
	(pc) =	sbr.rel @p0 .LBB2_2-.Ltmp0, $4  }
0x109: {  	v15 =	vmul.f32 v23, v63;
	v24 =	vsub.f32 v16, v62;
	v60 =	vmul.f32 v22, v63  }
0x10a: {  	v16 =	vadd.f32 v57, v45;
	v62 =	vmul.f32 v22, v48;
	v63 =	vmul.f32 v56, v63  }
0x10b: {  	v23 =	vsub.f32 v58, v59;
	v15 =	vadd.f32 v14, v15  }
0x10c: {  	s12 =	sadd.s32 $0x400, s12;
	v22 =	vsub.f32 v60, v61;
	v14 =	vadd.f32 v62, v63  }
0x10d: {  	[tilespmem:$0x1C00] =	vst v37  }
0x10e: {  	[tilespmem:$0x1C80] =	vst v36  }
0x10f: {  	[tilespmem:$0x1D00] =	vst v35  }
0x110: {  	[tilespmem:$0x1D80] =	vst v34  }
0x111: {  	[tilespmem:$0x1E00] =	vst v47  }
0x112: {  	[tilespmem:$0x1E80] =	vst v46  }
0x113: {  	[tilespmem:$0x1F00] =	vst v43  }
0x114: {  	[tilespmem:$0x1F80] =	vst v42  }
0x115: {  	[tilespmem:$0x2000] =	vst v41  }
0x116: {  	[tilespmem:$0x2080] =	vst v40  }
0x117: {  	[tilespmem:$0x2100] =	vst v39  }
0x118: {  	[tilespmem:$0x2180] =	vst v38  }
0x119: {  	[tilespmem:$0x2200] =	vst v32  }
0x11a: {  	[tilespmem:$0x2280] =	vst v30  }
0x11b: {  	[tilespmem:$0x2300] =	vst v29  }
0x11c: {  	[tilespmem:$0x2380] =	vst v25  }
0x11d: {  	[tilespmem:$0x2400] =	vst v21  }
0x11e: {  	[tilespmem:$0x2480] =	vst v20  }
0x11f: {  	[tilespmem:$0x2500] =	vst v19  }
0x120: {  	[tilespmem:$0x2580] =	vst v18  }
0x121: {  	[tilespmem:$0x2600] =	vst v33  }
0x122: {  	[tilespmem:$0x2680] =	vst v31;
	v19 =	vimm.f32 $0.0e+00;
	v18 =	vimm.f32 $1.000000000e+00  }
0x123: {  	[tilespmem:$0x2700] =	vst v28;
	v20 =	vimm.f32 $0.0e+00;
	v21 =	vimm.f32 $0.0e+00;
	v25 =	vimm.f32 $0.0e+00  }
0x124: {  	[tilespmem:$0x2780] =	vst v27;
	v28 =	vimm.f32 $1.000000000e+00;
	v29 =	vimm.f32 $0.0e+00;
	v30 =	vimm.f32 $0.0e+00  }
0x125: {  	[tilespmem:$0x2800] =	vst v26;
	v32 =	vimm.f32 $0.0e+00;
	v33 =	vimm.f32 $0.0e+00;
	v35 =	vimm.f32 $1.000000000e+00  }
0x126: {  	[tilespmem:$0x2880] =	vst v24;
	v37 =	vimm.f32 $0.0e+00;
	v24 =	vimm.f32 $0.0e+00;
	v26 =	vimm.f32 $0.0e+00  }
0x127: {  	[tilespmem:$0x2900] =	vst v23;
	v23 =	vimm.f32 $0.0e+00;
	v27 =	vimm.f32 $1.000000000e+00;
	v31 =	vimm.f32 $1.000000000e+00  }
0x128: {  	v34 =	vimm.f32 $0.0e+00;
	v36 =	vimm.f32 $0.0e+00;
	[tilespmem:$0x2A00] =	vst v17;
	v38 =	vimm.f32 $0.0e+00  }
0x129: {  	v39 =	vimm.f32 $1.000000000e+00;
	v40 =	vimm.f32 $0.0e+00;
	[tilespmem:$0x2A80] =	vst v16;
	v41 =	vimm.f32 $0.0e+00  }
0x12a: {  	v43 =	vimm.f32 $0.0e+00;
	v42 =	vimm.f32 $0.0e+00;
	[tilespmem:$0x2B00] =	vst v15;
	v45 =	vimm.f32 $1.000000000e+00  }
0x12b: {  	v46 =	vimm.f32 $0.0e+00;
	v15 =	vimm.f32 $0.0e+00;
	v16 =	vimm.f32 $0.0e+00;
	[tilespmem:$0x2980] =	vst v22  }
0x12c: {  	s11 =	simm.s32 $0xFFFFFFFC;
	s12 =	simm.s32 $0x280;
	v17 =	vimm.f32 $1.000000000e+00;
	v22 =	vimm.f32 $0.0e+00;
	[tilespmem:$0x2B80] =	vst v14;
	v14 =	vimm.f32 $0.0e+00  }
.LBB2_4:
0x12d: {  	v44 =	vld [tilespmem:s12+$0xFFFFFE00];
	_ =	sdelay $0x4  }
0x12e: {  	v47 =	vsub.s32 $0x0, v44  }
0x12f: {  	v47 =	vmin.u32 v44, v47  }
0x130: {  	vm1 =	vgt.s32 v0, v44;
	v47 =	vadd.s32 $0xFFFFFFFF, v47  }
0x131: {  	vm0 =	vne.s32 v0, v44;
	v44 =	vsel vm1, $0xBF800000, v1;
	vm2 =	vlt.s32 v47, $0x1  }
0x132: {  	vm10 =	veq.s32 v47, $0x1;
	vm11 =	veq.s32 v47, $0x2;
	vm9 =	vmand vm0, vm2  }
0x133: {  	v60 =	vnsel vm10, $0x0, v9;
	v49 =	vnsel vm11, $0x0, v10;
	v62 =	vnsel vm10, $0x0, v12  }
0x134: {  	v52 =	vnsel vm11, $0x0, v13;
	v59 =	vnsel vm9, $0x0, v8;
	v50 =	vmul.f32 v60, v44  }
0x135: {  	v49 =	vmul.f32 v49, v44;
	v61 =	vnsel vm9, $0x0, v11;
	v55 =	vmul.f32 v62, v44  }
0x136: {  	v53 =	vnsel vm9, $0x3F800000, v2;
	v47 =	vmul.f32 v52, v44;
	v48 =	vmul.f32 v59, v44  }
0x137: {  	v51 =	vmul.f32 v61, v44;
	v63 =	vmul.f32 v53, v17  }
0x138: {  	v61 =	vmul.f32 v53, v46;
	v62 =	vmul.f32 v53, v16  }
0x139: {  	v52 =	vmul.f32 v53, v15;
	v60 =	vmul.f32 v48, v46  }
0x13a: {  	v54 =	vmul.f32 v48, v17;
	v16 =	vmul.f32 v48, v16  }
0x13b: {  	v15 =	vmul.f32 v48, v15;
	v17 =	vsub.f32 v63, v60;
	v60 =	vmul.f32 v53, v45  }
0x13c: {  	v63 =	vmul.f32 v48, v45;
	v46 =	vadd.f32 v54, v61;
	v61 =	vmul.f32 v48, v42  }
0x13d: {  	v45 =	vadd.f32 v16, v60;
	v16 =	vmul.f32 v53, v14;
	v14 =	vmul.f32 v48, v14  }
0x13e: {  	v44 =	vsub.f32 v62, v63;
	v62 =	vmul.f32 v53, v42;
	v48 =	vmul.f32 v48, v43  }
0x13f: {  	v56 =	vnsel vm10, $0x3F800000, v3;
	v53 =	vmul.f32 v53, v43;
	v63 =	vmul.f32 v50, v41  }
0x140: {  	v42 =	vsub.f32 v16, v61;
	v60 =	vadd.f32 v14, v62;
	v14 =	vmul.f32 v46, v56  }
0x141: {  	v43 =	vsub.f32 v52, v48;
	v46 =	vmul.f32 v46, v50;
	v61 =	vmul.f32 v56, v41  }
0x142: {  	v48 =	vadd.f32 v15, v53;
	v15 =	vmul.f32 v45, v56;
	v62 =	vmul.f32 v50, v40  }
0x143: {  	v45 =	vmul.f32 v45, v50;
	v53 =	vmul.f32 v50, v39  }
0x144: {  	v39 =	vmul.f32 v56, v39;
	v14 =	vsub.f32 v14, v63;
	v63 =	vmul.f32 v56, v40  }
0x145: {  	v41 =	vadd.f32 v46, v61;
	v46 =	vmul.f32 v60, v56;
	v52 =	vmul.f32 v60, v50  }
0x146: {  	v57 =	vnsel vm11, $0x3F800000, v4;
	v40 =	vmul.f32 v48, v56;
	v60 =	vmul.f32 v50, v38  }
0x147: {  	v54 =	vsub.f32 v15, v62;
	v61 =	vmul.f32 v56, v38;
	v56 =	vmul.f32 v57, v36  }
0x148: {  	v45 =	vadd.f32 v45, v63;
	v15 =	vsub.f32 v46, v53;
	v46 =	vmul.f32 v48, v50  }
0x149: {  	v48 =	vadd.f32 v52, v39;
	v62 =	vmul.f32 v41, v57;
	v63 =	vmul.f32 v49, v36  }
0x14a: {  	v39 =	vsub.f32 v40, v60;
	v41 =	vmul.f32 v41, v49;
	v60 =	vmul.f32 v49, v34  }
0x14b: {  	v38 =	vadd.f32 v46, v61;
	v46 =	vmul.f32 v45, v57;
	v45 =	vmul.f32 v45, v49  }
0x14c: {  	v40 =	vsub.f32 v62, v63;
	v61 =	vmul.f32 v57, v34;
	v62 =	vmul.f32 v48, v57  }
0x14d: {  	v58 =	vnsel vm9, $0x3F800000, v5;
	v63 =	vmul.f32 v49, v22;
	v53 =	vmul.f32 v48, v49  }
0x14e: {  	v34 =	vadd.f32 v41, v56;
	v22 =	vmul.f32 v57, v22;
	v56 =	vmul.f32 v58, v23  }
0x14f: {  	v41 =	vsub.f32 v46, v60;
	v36 =	vadd.f32 v45, v61;
	v60 =	vmul.f32 v38, v57  }
0x150: {  	v61 =	vmul.f32 v49, v31;
	v45 =	vsub.f32 v62, v63;
	v38 =	vmul.f32 v38, v49  }
0x151: {  	v62 =	vmul.f32 v57, v31;
	v31 =	vadd.f32 v53, v22;
	v22 =	vmul.f32 v58, v27  }
0x152: {  	v59 =	vnsel vm10, $0x3F800000, v6;
	v63 =	vmul.f32 v51, v37;
	v27 =	vmul.f32 v51, v27  }
0x153: {  	v53 =	vmul.f32 v58, v37;
	v57 =	vmul.f32 v51, v35;
	v46 =	vsub.f32 v60, v61  }
0x154: {  	v37 =	vadd.f32 v38, v62;
	v22 =	vsub.f32 v22, v63;
	v60 =	vmul.f32 v51, v23  }
0x155: {  	v61 =	vmul.f32 v58, v35;
	v27 =	vadd.f32 v27, v53;
	v62 =	vmul.f32 v58, v26  }
0x156: {  	v63 =	vmul.f32 v51, v33;
	v23 =	vsub.f32 v56, v57;
	v56 =	vmul.f32 v51, v26  }
0x157: {  	v57 =	vmul.f32 v58, v33;
	v35 =	vadd.f32 v60, v61;
	v60 =	vmul.f32 v58, v24  }
0x158: {  	v61 =	vmul.f32 v51, v32;
	v26 =	vsub.f32 v62, v63;
	v62 =	vmul.f32 v51, v24  }
0x159: {  	v63 =	vmul.f32 v58, v32;
	v33 =	vadd.f32 v56, v57;
	v56 =	vmul.f32 v27, v59  }
0x15a: {  	v57 =	vmul.f32 v55, v30;
	v27 =	vmul.f32 v27, v55  }
0x15b: {  	v30 =	vmul.f32 v59, v30;
	v58 =	vmul.f32 v35, v59  }
0x15c: {  	v24 =	vsub.f32 v60, v61;
	v60 =	vmul.f32 v55, v29;
	v35 =	vmul.f32 v35, v55  }
0x15d: {  	v29 =	vmul.f32 v59, v29;
	v27 =	vadd.f32 v27, v30;
	v30 =	vmul.f32 v33, v59  }
0x15e: {  	v16 =	vnsel vm11, $0x3F800000, v7;
	v61 =	vmul.f32 v55, v28;
	v33 =	vmul.f32 v33, v55  }
0x15f: {  	v32 =	vadd.f32 v62, v63;
	v28 =	vmul.f32 v59, v28;
	v63 =	vmul.f32 v55, v25  }
0x160: {  	v48 =	vsub.f32 v56, v57;
	v25 =	vmul.f32 v59, v25;
	v57 =	vmul.f32 v47, v21  }
0x161: {  	v21 =	vmul.f32 v16, v21;
	v49 =	vsub.f32 v58, v60;
	v62 =	vmul.f32 v32, v59  }
0x162: {  	v50 =	vsub.f32 v30, v61;
	v30 =	vmul.f32 v32, v55;
	v56 =	vmul.f32 v27, v16  }
0x163: {  	v29 =	vadd.f32 v35, v29;
	v27 =	vmul.f32 v27, v47;
	v59 =	vmul.f32 v47, v20  }
0x164: {  	v28 =	vadd.f32 v33, v28;
	v58 =	vld [tilespmem:s12+$0xFFFFFF00];
	v20 =	vmul.f32 v16, v20;
	v60 =	vmul.f32 v47, v19  }
0x165: {  	v51 =	vsub.f32 v62, v63;
	v25 =	vadd.f32 v30, v25;
	v30 =	vmul.f32 v29, v16  }
0x166: {  	v29 =	vmul.f32 v29, v47;
	v32 =	vadd.f32 v27, v21;
	v27 =	vmul.f32 v28, v16  }
0x167: {  	v19 =	vmul.f32 v16, v19;
	v52 =	vsub.f32 v56, v57;
	v53 =	vsub.f32 v30, v59  }
0x168: {  	v21 =	vadd.f32 v29, v20;
	v38 =	vsub.f32 v27, v60;
	v20 =	vmul.f32 v28, v47  }
0x169: {  	v28 =	vmul.f32 v25, v16;
	v29 =	vmul.f32 v47, v18;
	v27 =	vsub.s32 $0x0, v58  }
0x16a: {  	v25 =	vmul.f32 v25, v47;
	v16 =	vmul.f32 v16, v18;
	v27 =	vmin.u32 v58, v27  }
0x16b: {  	vm12 =	vne.s32 v0, v58;
	vm13 =	vgt.s32 v0, v58;
	v27 =	vadd.s32 $0xFFFFFFFF, v27  }
0x16c: {  	v18 =	vsel vm13, $0xBF800000, v1;
	vm14 =	vlt.s32 v27, $0x1;
	vm4 =	veq.s32 v27, $0x1  }
0x16d: {  	vm5 =	veq.s32 v27, $0x2;
	vm15 =	vmand vm12, vm14;
	v30 =	vnsel vm4, $0x0, v9  }
0x16e: {  	v61 =	vnsel vm5, $0x0, v10;
	v63 =	vnsel vm4, $0x0, v12;
	v47 =	vnsel vm5, $0x0, v13  }
0x16f: {  	v27 =	vnsel vm15, $0x0, v8;
	v30 =	vmul.f32 v30, v18;
	v57 =	vmul.f32 v61, v18  }
0x170: {  	v62 =	vnsel vm15, $0x0, v11;
	v59 =	vmul.f32 v63, v18;
	v33 =	vmul.f32 v47, v18  }
0x171: {  	v55 =	vnsel vm15, $0x3F800000, v2;
	v27 =	vmul.f32 v27, v18;
	v58 =	vmul.f32 v62, v18  }
0x172: {  	v47 =	vadd.f32 v20, v19;
	v18 =	vmul.f32 v17, v55;
	v20 =	vmul.f32 v44, v55  }
0x173: {  	v60 =	vsub.f32 v28, v29;
	v19 =	vmul.f32 v14, v27;
	v17 =	vmul.f32 v17, v27  }
0x174: {  	v35 =	vadd.f32 v25, v16;
	v14 =	vmul.f32 v14, v55;
	v25 =	vmul.f32 v54, v27  }
0x175: {  	v16 =	vsub.f32 v18, v19;
	v18 =	vmul.f32 v44, v27;
	v19 =	vmul.f32 v54, v55  }
0x176: {  	v28 =	vnsel vm4, $0x3F800000, v3;
	v17 =	vadd.f32 v14, v17;
	v14 =	vsub.f32 v20, v25  }
0x177: {  	v20 =	vmul.f32 v15, v27;
	v18 =	vadd.f32 v19, v18;
	v19 =	vmul.f32 v42, v55  }
0x178: {  	v56 =	vnsel vm5, $0x3F800000, v7;
	v29 =	vmul.f32 v15, v55;
	v25 =	vmul.f32 v42, v27  }
0x179: {  	v62 =	vmul.f32 v45, v30;
	v63 =	vmul.f32 v46, v30;
	v15 =	vsub.f32 v19, v20  }
0x17a: {  	v19 =	vadd.f32 v29, v25;
	v20 =	vmul.f32 v43, v55;
	v25 =	vmul.f32 v39, v27  }
0x17b: {  	v61 =	vnsel vm4, $0x3F800000, v6;
	v27 =	vmul.f32 v43, v27;
	v29 =	vmul.f32 v39, v55  }
0x17c: {  	v54 =	vmul.f32 v40, v30;
	v25 =	vsub.f32 v20, v25;
	v20 =	vmul.f32 v17, v28  }
0x17d: {  	v27 =	vadd.f32 v29, v27;
	v17 =	vmul.f32 v17, v30;
	v29 =	vmul.f32 v40, v28  }
0x17e: {  	v55 =	vmul.f32 v41, v30;
	v54 =	vsub.f32 v20, v54;
	v20 =	vmul.f32 v18, v28  }
0x17f: {  	v17 =	vadd.f32 v29, v17;
	v18 =	vmul.f32 v18, v30;
	v29 =	vmul.f32 v41, v28  }
0x180: {  	v44 =	vnsel vm5, $0x3F800000, v4;
	v55 =	vsub.f32 v20, v55;
	v20 =	vmul.f32 v19, v28  }
0x181: {  	v18 =	vadd.f32 v29, v18;
	v19 =	vmul.f32 v19, v30;
	v29 =	vmul.f32 v45, v28  }
0x182: {  	v45 =	vmul.f32 v51, v58;
	v39 =	vsub.f32 v20, v62;
	v20 =	vmul.f32 v27, v28  }
0x183: {  	v42 =	vnsel vm15, $0x3F800000, v5;
	v27 =	vmul.f32 v27, v30;
	v28 =	vmul.f32 v46, v28  }
0x184: {  	v19 =	vadd.f32 v29, v19;
	v29 =	vmul.f32 v34, v57;
	v62 =	vmul.f32 v21, v33  }
0x185: {  	v21 =	vmul.f32 v21, v56;
	v40 =	vsub.f32 v20, v63;
	v20 =	vmul.f32 v17, v44  }
0x186: {  	v30 =	vadd.f32 v28, v27;
	v17 =	vmul.f32 v17, v57;
	v27 =	vmul.f32 v34, v44  }
0x187: {  	v28 =	vmul.f32 v36, v57;
	v34 =	vsub.f32 v20, v29;
	v20 =	vmul.f32 v18, v44  }
0x188: {  	v27 =	vadd.f32 v17, v27;
	v17 =	vmul.f32 v18, v57;
	v18 =	vmul.f32 v36, v44  }
0x189: {  	v29 =	vmul.f32 v31, v57;
	v36 =	vsub.f32 v20, v28;
	v20 =	vmul.f32 v19, v44  }
0x18a: {  	v28 =	vadd.f32 v17, v18;
	v17 =	vmul.f32 v19, v57;
	v18 =	vmul.f32 v31, v44  }
0x18b: {  	v19 =	vmul.f32 v30, v44;
	v41 =	vsub.f32 v20, v29;
	v20 =	vmul.f32 v37, v57  }
0x18c: {  	v29 =	vadd.f32 v17, v18;
	v17 =	vmul.f32 v30, v57;
	v18 =	vmul.f32 v37, v44  }
0x18d: {  	v37 =	vsub.f32 v19, v20;
	v19 =	vmul.f32 v22, v42;
	v20 =	vmul.f32 v48, v58  }
0x18e: {  	v30 =	vadd.f32 v17, v18;
	v18 =	vmul.f32 v22, v58;
	v22 =	vmul.f32 v48, v42  }
0x18f: {  	v17 =	vsub.f32 v19, v20;
	v19 =	vmul.f32 v23, v42;
	v20 =	vmul.f32 v49, v58  }
0x190: {  	v31 =	vmul.f32 v49, v42;
	v22 =	vadd.f32 v22, v18;
	v23 =	vmul.f32 v23, v58  }
0x191: {  	v18 =	vsub.f32 v19, v20;
	v19 =	vmul.f32 v26, v42;
	v20 =	vmul.f32 v50, v58  }
0x192: {  	v23 =	vadd.f32 v31, v23;
	v26 =	vmul.f32 v26, v58;
	v31 =	vmul.f32 v50, v42  }
0x193: {  	v57 =	vmul.f32 v60, v59;
	v19 =	vsub.f32 v19, v20;
	v20 =	vmul.f32 v24, v42  }
0x194: {  	v26 =	vadd.f32 v31, v26;
	v24 =	vmul.f32 v24, v58;
	v31 =	vmul.f32 v51, v42  }
0x195: {  	v48 =	vmul.f32 v52, v59;
	v46 =	vmul.f32 v22, v61  }
0x196: {  	v22 =	vmul.f32 v22, v59;
	v24 =	vadd.f32 v31, v24;
	v31 =	vmul.f32 v52, v61  }
0x197: {  	v50 =	vmul.f32 v53, v59;
	v49 =	vmul.f32 v23, v61  }
0x198: {  	v23 =	vmul.f32 v23, v59;
	v22 =	vadd.f32 v31, v22;
	v31 =	vmul.f32 v53, v61  }
0x199: {  	v42 =	vsub.f32 v46, v48;
	v20 =	vsub.f32 v20, v45;
	v51 =	vmul.f32 v26, v61  }
0x19a: {  	v31 =	vadd.f32 v31, v23;
	v23 =	vmul.f32 v26, v59;
	v26 =	vmul.f32 v38, v61  }
0x19b: {  	v43 =	vsub.f32 v49, v50;
	v52 =	vmul.f32 v38, v59;
	v53 =	vmul.f32 v24, v61  }
0x19c: {  	v26 =	vadd.f32 v26, v23;
	v23 =	vmul.f32 v24, v59;
	v24 =	vmul.f32 v60, v61  }
0x19d: {  	v38 =	vsub.f32 v51, v52;
	v58 =	vmul.f32 v22, v56;
	v22 =	vmul.f32 v22, v33  }
0x19e: {  	v59 =	vmul.f32 v32, v33;
	v61 =	vld [tilespmem:s12+$0x0];
	v60 =	vadd.f32 v24, v23;
	v23 =	vmul.f32 v32, v56  }
0x19f: {  	v44 =	vsub.f32 v53, v57;
	v57 =	vmul.f32 v35, v33;
	v24 =	vmul.f32 v31, v56  }
0x1a0: {  	v45 =	vsub.f32 v58, v59;
	v23 =	vadd.f32 v22, v23;
	v22 =	vmul.f32 v31, v33  }
0x1a1: {  	v46 =	vsub.f32 v24, v62;
	v24 =	vmul.f32 v26, v56;
	v31 =	vmul.f32 v47, v33  }
0x1a2: {  	v21 =	vadd.f32 v22, v21;
	v22 =	vmul.f32 v26, v33;
	v26 =	vmul.f32 v47, v56  }
0x1a3: {  	v63 =	vmul.f32 v60, v56;
	v58 =	vsub.s32 $0x0, v61;
	vm6 =	vne.s32 v0, v61  }
0x1a4: {  	v49 =	vsub.f32 v24, v31;
	v24 =	vadd.f32 v22, v26;
	v22 =	vmin.u32 v61, v58  }
0x1a5: {  	vm7 =	vgt.s32 v0, v61;
	v47 =	vsub.f32 v63, v57;
	v22 =	vadd.s32 $0xFFFFFFFF, v22  }
0x1a6: {  	v31 =	vmul.f32 v35, v56;
	v32 =	vsel vm7, $0xBF800000, v1;
	vm8 =	vlt.s32 v22, $0x1  }
0x1a7: {  	v26 =	vmul.f32 v60, v33;
	vm10 =	veq.s32 v22, $0x2;
	vm2 =	vmand vm6, vm8  }
0x1a8: {  	vm9 =	veq.s32 v22, $0x1;
	v59 =	vnsel vm10, $0x0, v10;
	v22 =	vnsel vm2, $0x0, v8  }
0x1a9: {  	v50 =	vmul.f32 v59, v32;
	v33 =	vmul.f32 v22, v32;
	v22 =	vnsel vm9, $0x0, v9  }
0x1aa: {  	v61 =	vnsel vm2, $0x3F800000, v2;
	v48 =	vmul.f32 v22, v32;
	v22 =	vnsel vm2, $0x0, v11  }
0x1ab: {  	v31 =	vadd.f32 v26, v31;
	v63 =	vmul.f32 v55, v61;
	v51 =	vmul.f32 v22, v32  }
0x1ac: {  	v22 =	vnsel vm9, $0x0, v12;
	v26 =	vmul.f32 v54, v33;
	v62 =	vmul.f32 v16, v33  }
0x1ad: {  	v60 =	vnsel vm10, $0x0, v13;
	v54 =	vmul.f32 v54, v61;
	v56 =	vmul.f32 v22, v32  }
0x1ae: {  	v32 =	vmul.f32 v60, v32;
	v22 =	vmul.f32 v16, v61  }
0x1af: {  	v60 =	vmul.f32 v39, v33;
	v39 =	vmul.f32 v39, v61;
	v54 =	vadd.f32 v54, v62  }
0x1b0: {  	v16 =	vsub.f32 v22, v26;
	v22 =	vmul.f32 v14, v61;
	v26 =	vmul.f32 v55, v33  }
0x1b1: {  	v35 =	vnsel vm9, $0x3F800000, v3;
	v14 =	vmul.f32 v14, v33;
	v55 =	vmul.f32 v25, v61  }
0x1b2: {  	v25 =	vmul.f32 v25, v33;
	v52 =	vmul.f32 v54, v35  }
0x1b3: {  	v22 =	vsub.f32 v22, v26;
	v26 =	vadd.f32 v63, v14;
	v14 =	vmul.f32 v15, v61  }
0x1b4: {  	v15 =	vmul.f32 v15, v33;
	v33 =	vmul.f32 v40, v33  }
0x1b5: {  	v57 =	vnsel vm10, $0x3F800000, v4;
	v40 =	vmul.f32 v40, v61;
	v61 =	vmul.f32 v54, v48  }
0x1b6: {  	v63 =	vmul.f32 v36, v48;
	v36 =	vmul.f32 v36, v35;
	v14 =	vsub.f32 v14, v60  }
0x1b7: {  	v39 =	vadd.f32 v39, v15;
	v60 =	vmul.f32 v34, v48;
	v34 =	vmul.f32 v34, v35  }
0x1b8: {  	v15 =	vsub.f32 v55, v33;
	v25 =	vadd.f32 v40, v25;
	v62 =	vmul.f32 v26, v35  }
0x1b9: {  	v26 =	vmul.f32 v26, v48;
	v33 =	vadd.f32 v34, v61;
	v34 =	vmul.f32 v39, v35  }
0x1ba: {  	v54 =	vsub.f32 v52, v60;
	v60 =	vmul.f32 v41, v48;
	v39 =	vmul.f32 v39, v48  }
0x1bb: {  	v55 =	vsub.f32 v62, v63;
	v61 =	vmul.f32 v41, v35;
	v62 =	vmul.f32 v25, v35  }
0x1bc: {  	v59 =	vnsel vm9, $0x3F800000, v6;
	v63 =	vmul.f32 v37, v48;
	v25 =	vmul.f32 v25, v48  }
0x1bd: {  	v26 =	vadd.f32 v36, v26;
	v37 =	vmul.f32 v37, v35;
	v48 =	vmul.f32 v45, v59  }
0x1be: {  	v34 =	vsub.f32 v34, v60;
	v52 =	vmul.f32 v33, v57;
	v60 =	vmul.f32 v27, v50  }
0x1bf: {  	v39 =	vadd.f32 v61, v39;
	v33 =	vmul.f32 v33, v50;
	v27 =	vmul.f32 v27, v57  }
0x1c0: {  	v35 =	vsub.f32 v62, v63;
	v61 =	vmul.f32 v26, v57;
	v62 =	vmul.f32 v28, v50  }
0x1c1: {  	v25 =	vadd.f32 v37, v25;
	v63 =	vmul.f32 v26, v50;
	v28 =	vmul.f32 v28, v57  }
0x1c2: {  	v36 =	vsub.f32 v52, v60;
	v26 =	vadd.f32 v33, v27;
	v52 =	vmul.f32 v39, v57  }
0x1c3: {  	v60 =	vmul.f32 v29, v50;
	v37 =	vsub.f32 v61, v62;
	v61 =	vmul.f32 v39, v50  }
0x1c4: {  	v29 =	vmul.f32 v29, v57;
	v27 =	vadd.f32 v63, v28;
	v28 =	vmul.f32 v25, v57  }
0x1c5: {  	v58 =	vnsel vm2, $0x3F800000, v5;
	v62 =	vmul.f32 v30, v50;
	v25 =	vmul.f32 v25, v50  }
0x1c6: {  	v30 =	vmul.f32 v30, v57;
	v63 =	vmul.f32 v17, v58  }
0x1c7: {  	v17 =	vmul.f32 v17, v51;
	v57 =	vmul.f32 v18, v58;
	v39 =	vsub.f32 v52, v60  }
0x1c8: {  	v29 =	vadd.f32 v61, v29;
	v52 =	vmul.f32 v42, v51;
	v40 =	vsub.f32 v28, v62  }
0x1c9: {  	v28 =	vmul.f32 v42, v58;
	v30 =	vadd.f32 v25, v30;
	v60 =	vmul.f32 v43, v51  }
0x1ca: {  	v61 =	vmul.f32 v18, v51;
	v62 =	vmul.f32 v43, v58;
	v25 =	vsub.f32 v63, v52  }
0x1cb: {  	v17 =	vadd.f32 v28, v17;
	v28 =	vmul.f32 v19, v58;
	v63 =	vmul.f32 v38, v51  }
0x1cc: {  	v52 =	vmul.f32 v19, v51;
	v38 =	vmul.f32 v38, v58  }
0x1cd: {  	v18 =	vsub.f32 v57, v60;
	v57 =	vmul.f32 v20, v58;
	v60 =	vmul.f32 v44, v51  }
0x1ce: {  	v33 =	vadd.f32 v62, v61;
	v61 =	vmul.f32 v44, v58;
	v58 =	vmul.f32 v49, v56  }
0x1cf: {  	v19 =	vsub.f32 v28, v63;
	v28 =	vmul.f32 v20, v51;
	v62 =	vmul.f32 v17, v59  }
0x1d0: {  	v53 =	vnsel vm10, $0x3F800000, v7;
	v63 =	vmul.f32 v45, v56;
	v17 =	vmul.f32 v17, v56  }
0x1d1: {  	v42 =	vadd.f32 v38, v52;
	v50 =	vmul.f32 v33, v59;
	v51 =	vmul.f32 v46, v56  }
0x1d2: {  	v20 =	vsub.f32 v57, v60;
	v33 =	vmul.f32 v33, v56;
	v52 =	vmul.f32 v46, v59  }
0x1d3: {  	v60 =	vmul.f32 v49, v59;
	v28 =	vadd.f32 v61, v28;
	v38 =	vsub.f32 v62, v63  }
0x1d4: {  	v17 =	vadd.f32 v48, v17;
	v57 =	vmul.f32 v42, v59;
	v42 =	vmul.f32 v42, v56  }
0x1d5: {  	v48 =	vsub.f32 v50, v51;
	v62 =	vmul.f32 v47, v56;
	v63 =	vmul.f32 v47, v59  }
0x1d6: {  	v33 =	vadd.f32 v52, v33;
	v61 =	vmul.f32 v28, v59;
	v28 =	vmul.f32 v28, v56  }
0x1d7: {  	v49 =	vsub.f32 v57, v58;
	v52 =	vmul.f32 v17, v53;
	v56 =	vmul.f32 v23, v32  }
0x1d8: {  	v42 =	vadd.f32 v60, v42;
	v17 =	vmul.f32 v17, v32;
	v23 =	vmul.f32 v23, v53  }
0x1d9: {  	v57 =	vld [tilespmem:s12+$0x100];
	v58 =	vmul.f32 v21, v32;
	v59 =	vmul.f32 v21, v53;
	v50 =	vsub.f32 v61, v62  }
0x1da: {  	v41 =	vadd.f32 v63, v28;
	v28 =	vmul.f32 v33, v53;
	v33 =	vmul.f32 v33, v32  }
0x1db: {  	v21 =	vadd.f32 v17, v23;
	v17 =	vmul.f32 v42, v53;
	v23 =	vmul.f32 v24, v32  }
0x1dc: {  	v51 =	vsub.f32 v52, v56;
	v24 =	vmul.f32 v24, v53;
	v52 =	vsub.f32 v28, v58  }
0x1dd: {  	v28 =	vmul.f32 v42, v32;
	v44 =	vadd.f32 v33, v59;
	v33 =	vsub.f32 v17, v23  }
0x1de: {  	v23 =	vmul.f32 v41, v53;
	v17 =	vsub.s32 $0x0, v57;
	vm12 =	vgt.s32 v0, v57  }
0x1df: {  	v28 =	vadd.f32 v28, v24;
	v17 =	vmin.u32 v57, v17;
	v24 =	vmul.f32 v31, v32  }
0x1e0: {  	v32 =	vmul.f32 v41, v32;
	v31 =	vmul.f32 v31, v53;
	v17 =	vadd.s32 $0xFFFFFFFF, v17  }
0x1e1: {  	vm11 =	vne.s32 v0, v57;
	v60 =	vsel vm12, $0xBF800000, v1;
	vm13 =	vlt.s32 v17, $0x1  }
0x1e2: {  	vm14 =	veq.s32 v17, $0x1;
	vm15 =	veq.s32 v17, $0x2;
	v53 =	vadd.f32 v32, v31  }
0x1e3: {  	vm2 =	vmand vm11, vm13;
	v61 =	vnsel vm15, $0x0, v10;
	v62 =	vnsel vm15, $0x0, v13  }
0x1e4: {  	v17 =	vnsel vm2, $0x0, v8;
	v57 =	vmul.f32 v61, v60;
	v45 =	vnsel vm2, $0x3F800000, v2  }
0x1e5: {  	v47 =	vmul.f32 v62, v60;
	v42 =	vmul.f32 v17, v60;
	v17 =	vnsel vm14, $0x0, v9  }
0x1e6: {  	v63 =	vmul.f32 v55, v45;
	v56 =	vmul.f32 v17, v60;
	v17 =	vnsel vm2, $0x0, v11  }
0x1e7: {  	v58 =	vmul.f32 v17, v60;
	v17 =	vnsel vm14, $0x0, v12;
	v31 =	vmul.f32 v55, v42  }
0x1e8: {  	v46 =	vmul.f32 v14, v42;
	v59 =	vmul.f32 v17, v60  }
0x1e9: {  	v60 =	vsub.f32 v23, v24;
	v17 =	vmul.f32 v16, v45;
	v23 =	vmul.f32 v54, v42  }
0x1ea: {  	v32 =	vnsel vm14, $0x3F800000, v3;
	v16 =	vmul.f32 v16, v42;
	v24 =	vmul.f32 v54, v45  }
0x1eb: {  	v62 =	vmul.f32 v37, v56;
	v17 =	vsub.f32 v17, v23;
	v23 =	vmul.f32 v22, v45  }
0x1ec: {  	v37 =	vmul.f32 v37, v32;
	v41 =	vmul.f32 v39, v56;
	v24 =	vadd.f32 v24, v16  }
0x1ed: {  	v16 =	vsub.f32 v23, v31;
	v23 =	vmul.f32 v14, v45;
	v31 =	vmul.f32 v34, v42  }
0x1ee: {  	v54 =	vnsel vm15, $0x3F800000, v4;
	v22 =	vmul.f32 v22, v42;
	v34 =	vmul.f32 v34, v45  }
0x1ef: {  	v14 =	vsub.f32 v23, v31;
	v23 =	vmul.f32 v15, v45;
	v31 =	vmul.f32 v15, v42  }
0x1f0: {  	v22 =	vadd.f32 v63, v22;
	v15 =	vmul.f32 v35, v42;
	v35 =	vmul.f32 v35, v45  }
0x1f1: {  	v34 =	vadd.f32 v34, v46;
	v45 =	vmul.f32 v24, v32;
	v46 =	vmul.f32 v36, v56  }
0x1f2: {  	v63 =	vmul.f32 v22, v32;
	v22 =	vmul.f32 v22, v56;
	v15 =	vsub.f32 v23, v15  }
0x1f3: {  	v23 =	vmul.f32 v24, v56;
	v24 =	vmul.f32 v36, v32;
	v31 =	vadd.f32 v35, v31  }
0x1f4: {  	v46 =	vsub.f32 v45, v46;
	v45 =	vsub.f32 v63, v62;
	v35 =	vmul.f32 v39, v32  }
0x1f5: {  	v22 =	vadd.f32 v37, v22;
	v37 =	vmul.f32 v40, v56;
	v63 =	vmul.f32 v26, v57  }
0x1f6: {  	v26 =	vmul.f32 v26, v54;
	v23 =	vadd.f32 v24, v23;
	v24 =	vmul.f32 v34, v32  }
0x1f7: {  	v61 =	vnsel vm14, $0x3F800000, v6;
	v34 =	vmul.f32 v34, v56;
	v36 =	vmul.f32 v31, v32  }
0x1f8: {  	v55 =	vnsel vm2, $0x3F800000, v5;
	v31 =	vmul.f32 v31, v56;
	v32 =	vmul.f32 v40, v32  }
0x1f9: {  	v56 =	vmul.f32 v27, v57;
	v27 =	vmul.f32 v27, v54;
	v42 =	vsub.f32 v24, v41  }
0x1fa: {  	v24 =	vmul.f32 v23, v54;
	v34 =	vadd.f32 v35, v34;
	v23 =	vmul.f32 v23, v57  }
0x1fb: {  	v43 =	vsub.f32 v36, v37;
	v35 =	vmul.f32 v22, v54;
	v31 =	vadd.f32 v32, v31  }
0x1fc: {  	v22 =	vmul.f32 v22, v57;
	v41 =	vsub.f32 v24, v63;
	v24 =	vmul.f32 v34, v54  }
0x1fd: {  	v63 =	vmul.f32 v29, v57;
	v36 =	vadd.f32 v23, v26;
	v23 =	vmul.f32 v34, v57  }
0x1fe: {  	v26 =	vmul.f32 v29, v54;
	v40 =	vsub.f32 v35, v56;
	v29 =	vmul.f32 v31, v54  }
0x1ff: {  	v56 =	vmul.f32 v30, v57;
	v34 =	vadd.f32 v22, v27;
	v27 =	vmul.f32 v31, v57  }
0x200: {  	v62 =	vnsel vm15, $0x3F800000, v7;
	v30 =	vmul.f32 v30, v54;
	v54 =	vmul.f32 v49, v58  }
0x201: {  	v57 =	vmul.f32 v50, v58;
	v39 =	vsub.f32 v24, v63;
	v24 =	vmul.f32 v25, v55  }
0x202: {  	v63 =	vmul.f32 v38, v58;
	v22 =	vadd.f32 v23, v26;
	v23 =	vmul.f32 v25, v58  }
0x203: {  	v25 =	vmul.f32 v38, v55;
	v38 =	vsub.f32 v29, v56;
	v26 =	vmul.f32 v18, v55  }
0x204: {  	v29 =	vmul.f32 v48, v58;
	v31 =	vadd.f32 v27, v30;
	v18 =	vmul.f32 v18, v58  }
0x205: {  	v30 =	vmul.f32 v48, v55;
	v56 =	vmul.f32 v49, v55;
	v27 =	vsub.f32 v24, v63  }
0x206: {  	v24 =	vmul.f32 v19, v55;
	v25 =	vadd.f32 v25, v23;
	v19 =	vmul.f32 v19, v58  }
0x207: {  	v23 =	vsub.f32 v26, v29;
	v29 =	vmul.f32 v20, v55;
	v20 =	vmul.f32 v20, v58  }
0x208: {  	v18 =	vadd.f32 v30, v18;
	v30 =	vmul.f32 v50, v55;
	v63 =	vmul.f32 v51, v59  }
0x209: {  	v55 =	vmul.f32 v52, v59;
	v26 =	vsub.f32 v24, v54;
	v58 =	vmul.f32 v25, v61  }
0x20a: {  	v19 =	vadd.f32 v56, v19;
	v25 =	vmul.f32 v25, v59;
	v54 =	vmul.f32 v51, v61  }
0x20b: {  	v24 =	vsub.f32 v29, v57;
	v29 =	vmul.f32 v18, v61;
	v18 =	vmul.f32 v18, v59  }
0x20c: {  	v20 =	vadd.f32 v30, v20;
	v30 =	vmul.f32 v52, v61;
	v57 =	vmul.f32 v33, v59  }
0x20d: {  	v37 =	vsub.f32 v58, v63;
	v56 =	vmul.f32 v19, v61;
	v19 =	vmul.f32 v19, v59  }
0x20e: {  	v58 =	vmul.f32 v33, v61;
	v35 =	vsub.f32 v29, v55;
	v29 =	vmul.f32 v20, v61  }
0x20f: {  	v25 =	vadd.f32 v54, v25;
	v63 =	vmul.f32 v60, v59;
	v20 =	vmul.f32 v20, v59  }
0x210: {  	v18 =	vadd.f32 v30, v18;
	v30 =	vmul.f32 v60, v61;
	v55 =	vmul.f32 v21, v47  }
0x211: {  	v21 =	vmul.f32 v21, v62;
	v59 =	vmul.f32 v28, v47  }
0x212: {  	v61 =	vmul.f32 v53, v47;
	v33 =	vsub.f32 v56, v57;
	v54 =	vmul.f32 v25, v62  }
0x213: {  	v25 =	vmul.f32 v25, v47;
	v32 =	vsub.f32 v29, v63;
	v29 =	vmul.f32 v18, v62  }
0x214: {  	s11 =	sadd.s32 $0x4, s11;
	v19 =	vadd.f32 v58, v19;
	v56 =	vmul.f32 v44, v47;
	v18 =	vmul.f32 v18, v47  }
0x215: {  	p0 =	slt.u32 s11, $0x10;
	v57 =	vadd.f32 v30, v20;
	v20 =	vmul.f32 v44, v62;
	v63 =	vmul.f32 v53, v62  }
.Ltmp1:
0x216: {  	v30 =	vsub.f32 v54, v55;
	v58 =	vmul.f32 v19, v62;
	v21 =	vadd.f32 v25, v21;
	(pc) =	sbr.rel @p0 .LBB2_4-.Ltmp1, $4  }
0x217: {  	v19 =	vmul.f32 v19, v47;
	v25 =	vmul.f32 v28, v62;
	v29 =	vsub.f32 v29, v56  }
0x218: {  	v60 =	vmul.f32 v57, v62;
	v20 =	vadd.f32 v18, v20;
	v18 =	vmul.f32 v57, v47  }
0x219: {  	v28 =	vsub.f32 v58, v59;
	v19 =	vadd.f32 v19, v25  }
0x21a: {  	s12 =	sadd.s32 $0x400, s12;
	v25 =	vsub.f32 v60, v61;
	v18 =	vadd.f32 v18, v63  }
0x21b: {  	[tilespmem:$0x1C10] =	vst v17  }
0x21c: {  	[tilespmem:$0x1C90] =	vst v16  }
0x21d: {  	[tilespmem:$0x1D10] =	vst v14  }
0x21e: {  	[tilespmem:$0x1D90] =	vst v15  }
0x21f: {  	[tilespmem:$0x1E10] =	vst v46  }
0x220: {  	[tilespmem:$0x1E90] =	vst v45  }
0x221: {  	[tilespmem:$0x1F10] =	vst v42  }
0x222: {  	[tilespmem:$0x1F90] =	vst v43  }
0x223: {  	[tilespmem:$0x2010] =	vst v41  }
0x224: {  	[tilespmem:$0x2090] =	vst v40  }
0x225: {  	[tilespmem:$0x2110] =	vst v39  }
0x226: {  	[tilespmem:$0x2190] =	vst v38  }
0x227: {  	[tilespmem:$0x2210] =	vst v36  }
0x228: {  	[tilespmem:$0x2290] =	vst v34  }
0x229: {  	[tilespmem:$0x2310] =	vst v22  }
0x22a: {  	[tilespmem:$0x2390] =	vst v31  }
0x22b: {  	[tilespmem:$0x2410] =	vst v27  }
0x22c: {  	[tilespmem:$0x2490] =	vst v23  }
0x22d: {  	[tilespmem:$0x2510] =	vst v26  }
0x22e: {  	[tilespmem:$0x2590] =	vst v24  }
0x22f: {  	[tilespmem:$0x2610] =	vst v37  }
0x230: {  	[tilespmem:$0x2690] =	vst v35  }
0x231: {  	[tilespmem:$0x2710] =	vst v33  }
0x232: {  	[tilespmem:$0x2790] =	vst v32  }
0x233: {  	[tilespmem:$0x2810] =	vst v30  }
0x234: {  	[tilespmem:$0x2890] =	vst v29  }
0x235: {  	[tilespmem:$0x2910] =	vst v28  }
0x236: {  	[tilespmem:$0x2A10] =	vst v21  }
0x237: {  	[tilespmem:$0x2A90] =	vst v20  }
0x238: {  	[tilespmem:$0x2B10] =	vst v19;
	s10 =	sadd.s32 $0x1, s10  }
0x239: {  	[tilespmem:$0x2990] =	vst v25;
	p0 =	sne.s32 s10, s6  }
.Ltmp2:
0x23a: {  	[tilespmem:$0x2B90] =	vst v18;
	(pc) =	sbr.rel @p0 .LBB2_1-.Ltmp2, $4  }
0x23b: {  	[hbm4b:s5+s2] =	stream.linear.scatter [tilespmem:s9], [sflag:$0x1], $0x1000, $0x38;
	[tilespmem:$0x2C00] =	vst v63  }
0x23c: {  	_ =	swait.ge [sflag:s7], $0x1000  }
0x23d: {  	[sflag:s7] =	ssyncset.done $0x0  }
0x23e: {  	[sflag:s7] =	ssyncadd.s32 $0xFFFFF000  }
0x23f: {  	_ =	sfence.sel $0x180000  }
0x240: {  	[bflag:$0x0] =	sbarrier.arrive $0xFFFF  }
0x241: {  	p0 =	sne.s32 s0, $0x0;
	_ =	strace $0x90000047  }
0x242: {  	s0 =	sadd.s32 @!p0 $0x100000, s1;
	[bflag:$0x2] =	sbarrier.arrive $0xFFFF  }
0x243: {  	[sflag:s0] =	ssyncadd.tile.s32 @!p0 $0x1;
	_ =	shalt  }
.Lfunc_end2:
_tile_overlayer_lowered:
.L_overlay_start_2:
0x244: {  	(tag) =	ssettag $0x2  }
0x245: {  	s0 =	rddreg [dreg:$0x0];
	s2 =	stileid.u32  }
0x246: {  	s1 =	rddreg [dreg:$0x1];
	p0 =	sne.s32 s2, $0x0  }
0x247: {  	s3 =	rddreg [dreg:$0x2];
	[bflag:$0x3] =	sbarrier.arrive $0xFFFF;
	s2 =	simm.s32 @!p0 $0x1C01  }
0x248: {  	[timem:s3], [sflag:s2] =	dma.local @!p0 [hbm:s0], s1  }
0x249: {  	s0 =	simm.s32 @!p0 $0x1  }
0x24a: {  	_ =	swait.ge @!p0 [sflag:s0], s1  }
0x24b: {  	s1 =	ssub.s32 @!p0 $0x0, s1;
	[sflag:s0] =	ssyncset.done @!p0 $0x0  }
0x24c: {  	[sflag:s0] =	ssyncadd.s32 @!p0 s1  }
0x24d: {  	[bflag:$0x3] =	sbarrier.arrive $0xFFFF  }
0x24e: {  	_ =	shalt  }

</sc_bundles>
